<compile_context>
chip_gen: v7x
topology: tpu7x:2x2x1
jax: 0.10.2.dev20260603
libtpu: 0.0.44.dev20260713+nightly
codegen_flags: <defaults>
</compile_context>

<pallas_src>
import functools

import jax
import jax.numpy as jnp
from jax import lax
from jax.experimental import pallas as pl
from jax.experimental.pallas import tpu as pltpu
from jax.experimental.pallas import tpu_sc as plsc

NN = 10000
NP = 10240
D = 128
H = 128
E = 320000
NW = 32
NS = 16
KCH0 = 120
KCH1 = 40
PART = 40
MAXC = 120
NCH = NS * (KCH0 + KCH1)
NCHP = 2688
EPAD = NCH * 128
RPT = NP // NS
RB = 640
EB = 2048


@functools.lru_cache(maxsize=None)
def _sc_kernels():
    mesh = plsc.VectorSubcoreMesh(core_axis_name="c", subcore_axis_name="s")

    def _range(cid, sid):
        crow = jnp.where(cid == 0, sid * KCH0, NS * KCH0 + sid * KCH1)
        nch = jnp.where(cid == 0, KCH0, KCH1)
        return crow, nch

    @functools.partial(
        pl.kernel,
        out_type=jax.ShapeDtypeStruct((2, NP, H), jnp.float32),
        mesh=mesh,
        scratch_types=[
            pltpu.VMEM((MAXC, 128), jnp.int32),
            pltpu.VMEM((128, H), jnp.float32),
            pltpu.VMEM_SHARED((NP, H), jnp.float32),
        ],
    )
    def deg_kernel(dst_hbm, zeros_hbm, ones_hbm, degp_hbm, idx_v, ones_v, shared_deg):
        cid = lax.axis_index("c")
        sid = lax.axis_index("s")
        crow, nch = _range(cid, sid)
        pltpu.sync_copy(ones_hbm, ones_v)
        pltpu.sync_copy(zeros_hbm, shared_deg.at[pl.ds(sid * RPT, RPT)])
        pltpu.sync_copy(dst_hbm.at[pl.ds(crow, MAXC)], idx_v)
        plsc.subcore_barrier()

        def body(j, carry):
            pltpu.sync_copy(ones_v, shared_deg.at[idx_v.at[j]], add=True)
            return carry

        lax.fori_loop(0, nch, body, 0)
        plsc.subcore_barrier()
        pltpu.sync_copy(shared_deg.at[pl.ds(sid * RPT, RPT)],
                        degp_hbm.at[cid, pl.ds(sid * RPT, RPT)])

    @functools.partial(
        pl.kernel,
        out_type=jax.ShapeDtypeStruct((2, NP, H), jnp.float32),
        mesh=mesh,
        scratch_types=[
            pltpu.VMEM((PART, 128), jnp.int32),
            pltpu.VMEM((PART, 128), jnp.int32),
            pltpu.VMEM((2, 128, H), jnp.float32),
            pltpu.VMEM_SHARED((NP, H), jnp.float32),
            pltpu.SemaphoreType.DMA,
            pltpu.SemaphoreType.DMA,
        ],
    )
    def agg_kernel(y_hbm, src_hbm, dst_hbm, zeros_hbm, aggp_hbm,
                   src_v, dst_v, rows_v, shared_agg, sem0, sem1):
        cid = lax.axis_index("c")
        sid = lax.axis_index("s")
        crow, nch = _range(cid, sid)
        pp = PART // 2
        pltpu.sync_copy(zeros_hbm, shared_agg.at[pl.ds(sid * RPT, RPT)])
        plsc.subcore_barrier()

        def part_body(part, pcarry):

            @pl.when(part * PART < nch)
            def _():
                pltpu.sync_copy(src_hbm.at[pl.ds(crow + part * PART, PART)], src_v)
                pltpu.sync_copy(dst_hbm.at[pl.ds(crow + part * PART, PART)], dst_v)
                pltpu.async_copy(y_hbm.at[src_v.at[0]], rows_v.at[0], sem0)

                def body(jj, carry):
                    j0 = 2 * jj
                    j1 = j0 + 1
                    pltpu.async_copy(y_hbm.at[src_v.at[j1]], rows_v.at[1], sem1)
                    pltpu.make_async_copy(y_hbm.at[src_v.at[j0]], rows_v.at[0], sem0).wait()
                    pltpu.sync_copy(rows_v.at[0], shared_agg.at[dst_v.at[j0]], add=True)

                    @pl.when(jj + 1 < pp)
                    def _():
                        pltpu.async_copy(y_hbm.at[src_v.at[j0 + 2]], rows_v.at[0], sem0)

                    pltpu.make_async_copy(y_hbm.at[src_v.at[j1]], rows_v.at[1], sem1).wait()
                    pltpu.sync_copy(rows_v.at[1], shared_agg.at[dst_v.at[j1]], add=True)
                    return carry

                lax.fori_loop(0, pp, body, 0)

            return pcarry

        lax.fori_loop(0, MAXC // PART, part_body, 0)

        plsc.subcore_barrier()
        pltpu.sync_copy(shared_agg.at[pl.ds(sid * RPT, RPT)],
                        aggp_hbm.at[cid, pl.ds(sid * RPT, RPT)])

    @functools.partial(
        pl.kernel,
        out_type=(
            jax.ShapeDtypeStruct((EPAD, H), jnp.float32),
            jax.ShapeDtypeStruct((EPAD, H), jnp.float32),
        ),
        mesh=mesh,
        scratch_types=[
            pltpu.VMEM((MAXC, 128), jnp.int32),
            pltpu.VMEM((MAXC, 128), jnp.int32),
            pltpu.VMEM((2, 128, H), jnp.float32),
            pltpu.VMEM((2, 128, H), jnp.float32),
            pltpu.SemaphoreType.DMA,
            pltpu.SemaphoreType.DMA,
            pltpu.SemaphoreType.DMA,
            pltpu.SemaphoreType.DMA,
            pltpu.SemaphoreType.DMA,
            pltpu.SemaphoreType.DMA,
            pltpu.SemaphoreType.DMA,
            pltpu.SemaphoreType.DMA,
        ],
    )
    def edge_kernel(a_hbm, b_hbm, src_hbm, dst_hbm, ga_hbm, gb_hbm,
                    src_v, dst_v, ra_v, rb_v, sa0, sb0, sa1, sb1, swa0, swa1, swb0, swb1):
        cid = lax.axis_index("c")
        sid = lax.axis_index("s")
        crow, nch = _range(cid, sid)
        base = crow * 128
        pltpu.sync_copy(src_hbm.at[pl.ds(crow, MAXC)], src_v)
        pltpu.sync_copy(dst_hbm.at[pl.ds(crow, MAXC)], dst_v)

        @pl.when(nch > 0)
        def _():
            pltpu.async_copy(a_hbm.at[src_v.at[0]], ra_v.at[0], sa0)
            pltpu.async_copy(b_hbm.at[dst_v.at[0]], rb_v.at[0], sb0)
            pltpu.async_copy(a_hbm.at[src_v.at[1]], ra_v.at[1], sa1)
            pltpu.async_copy(b_hbm.at[dst_v.at[1]], rb_v.at[1], sb1)

        def body(jj, carry):
            j0 = 2 * jj
            j1 = j0 + 1
            pltpu.make_async_copy(a_hbm.at[src_v.at[j0]], ra_v.at[0], sa0).wait()
            pltpu.async_copy(ra_v.at[0], ga_hbm.at[pl.ds(base + j0 * 128, 128)], swa0)
            pltpu.make_async_copy(b_hbm.at[dst_v.at[j0]], rb_v.at[0], sb0).wait()
            pltpu.async_copy(rb_v.at[0], gb_hbm.at[pl.ds(base + j0 * 128, 128)], swb0)
            pltpu.make_async_copy(a_hbm.at[src_v.at[j1]], ra_v.at[1], sa1).wait()
            pltpu.async_copy(ra_v.at[1], ga_hbm.at[pl.ds(base + j1 * 128, 128)], swa1)
            pltpu.make_async_copy(b_hbm.at[dst_v.at[j1]], rb_v.at[1], sb1).wait()
            pltpu.async_copy(rb_v.at[1], gb_hbm.at[pl.ds(base + j1 * 128, 128)], swb1)

            @pl.when(jj + 1 < nch // 2)
            def _():
                pltpu.make_async_copy(ra_v.at[0], ga_hbm.at[pl.ds(base, 128)], swa0).wait()
                pltpu.async_copy(a_hbm.at[src_v.at[j0 + 2]], ra_v.at[0], sa0)
                pltpu.make_async_copy(rb_v.at[0], gb_hbm.at[pl.ds(base, 128)], swb0).wait()
                pltpu.async_copy(b_hbm.at[dst_v.at[j0 + 2]], rb_v.at[0], sb0)
                pltpu.make_async_copy(ra_v.at[1], ga_hbm.at[pl.ds(base, 128)], swa1).wait()
                pltpu.async_copy(a_hbm.at[src_v.at[j1 + 2]], ra_v.at[1], sa1)
                pltpu.make_async_copy(rb_v.at[1], gb_hbm.at[pl.ds(base, 128)], swb1).wait()
                pltpu.async_copy(b_hbm.at[dst_v.at[j1 + 2]], rb_v.at[1], sb1)

            return carry

        lax.fori_loop(0, nch // 2, body, 0)

        @pl.when(nch > 0)
        def _():
            pltpu.make_async_copy(ra_v.at[0], ga_hbm.at[pl.ds(base, 128)], swa0).wait()
            pltpu.make_async_copy(ra_v.at[1], ga_hbm.at[pl.ds(base, 128)], swa1).wait()
            pltpu.make_async_copy(rb_v.at[0], gb_hbm.at[pl.ds(base, 128)], swb0).wait()
            pltpu.make_async_copy(rb_v.at[1], gb_hbm.at[pl.ds(base, 128)], swb1).wait()

    return deg_kernel, agg_kernel, edge_kernel



def _t1_body(degp_ref, x_ref, w_ref, dinv_ref, y_ref):
    i = pl.program_id(0)
    dp = degp_ref[...]
    deg = dp[0, :, :16] + dp[1, :, :16] + 1.0
    rows = lax.broadcasted_iota(jnp.int32, (RB, 16), 0) + i * RB
    dinv = jnp.where(rows < NN, lax.rsqrt(deg), 0.0)
    dinv_ref[...] = dinv
    y_ref[...] = (x_ref[...] @ w_ref[...]) * dinv[:, :1]


def _t2_body(aggp_ref, y_ref, dinv_ref, b_ref, t_ref, stats_ref):
    i = pl.program_id(0)
    ap = aggp_ref[...]
    tt = (ap[0] + ap[1] + y_ref[...]) * dinv_ref[...][:, :1] + b_ref[...][None, :]
    rows = lax.broadcasted_iota(jnp.int32, (RB, H), 0) + i * RB
    ttm = jnp.where(rows < NN, tt, 0.0)
    s0 = jnp.sum(ttm, axis=0)
    s1 = jnp.sum(ttm * ttm, axis=0)
    st = jnp.concatenate([s0[None, :], s1[None, :]], axis=0)
    t_ref[...] = tt

    @pl.when(i == 0)
    def _():
        stats_ref[...] = st

    @pl.when(i > 0)
    def _():
        stats_ref[...] = stats_ref[...] + st


def _bn_relu(t_ref, stats_ref, g_ref, be_ref):
    st = stats_ref[...]
    m = st[0] / NN
    v = st[1] / NN - m * m
    s = lax.rsqrt(v + 1e-5) * g_ref[...]
    c = be_ref[...] - m * s
    return jnp.maximum(t_ref[...] * s[None, :] + c[None, :], 0.0)


def _t3_body(t_ref, stats_ref, g_ref, be_ref, w_ref, dinv_ref, y_ref):
    xb = _bn_relu(t_ref, stats_ref, g_ref, be_ref)
    y_ref[...] = (xb @ w_ref[...]) * dinv_ref[...][:, :1]


def _t7_body(t_ref, stats_ref, g_ref, be_ref, wc0_ref, bc0_ref, a_ref, b_ref):
    xb = _bn_relu(t_ref, stats_ref, g_ref, be_ref)
    w = wc0_ref[...]
    a_ref[...] = xb @ w[:D, :] + bc0_ref[...][None, :]
    b_ref[...] = xb @ w[D:, :]


def _t8_body(ga_ref, gb_ref, wc1_ref, bc1_ref, wc2_ref, bc2_ref, o_ref):
    h0 = jnp.maximum(ga_ref[...] + gb_ref[...], 0.0)
    h1 = jnp.maximum(h0 @ wc1_ref[...] + bc1_ref[...][None, :], 0.0)
    o_ref[...] = h1 @ wc2_ref[...] + bc2_ref[...][None, :]


def _full(shape):
    nd = len(shape)
    return pl.BlockSpec(shape, lambda i: (0,) * nd)


def kernel(x, edge_index, W0, b0, g0, be0, W1, b1, g1, be1, W2, b2, g2, be2,
           Wc0, bc0, Wc1, bc1, Wc2, bc2):
    f32 = jnp.float32
    x_p = jnp.pad(x, ((0, NP - NN), (0, 0)))
    src = jnp.pad(edge_index[0], (0, NCHP * 128 - E), constant_values=NN).reshape(NCHP, 128)
    dst = jnp.pad(edge_index[1], (0, NCHP * 128 - E), constant_values=NN).reshape(NCHP, 128)
    zeros_h = jnp.zeros((RPT, H), f32)
    ones_h = jnp.ones((128, H), f32)

    ngrid = NP // RB

    _deg_kernel, _agg_kernel, _edge_kernel = _sc_kernels()

    degp = _deg_kernel(dst, zeros_h, ones_h)

    dinv, y = pl.pallas_call(
        _t1_body,
        grid=(ngrid,),
        in_specs=[
            pl.BlockSpec((2, RB, H), lambda i: (0, i, 0)),
            pl.BlockSpec((RB, D), lambda i: (i, 0)),
            _full((D, H)),
        ],
        out_specs=[
            pl.BlockSpec((RB, 16), lambda i: (i, 0)),
            pl.BlockSpec((RB, H), lambda i: (i, 0)),
        ],
        out_shape=[
            jax.ShapeDtypeStruct((NP, 16), f32),
            jax.ShapeDtypeStruct((NP, H), f32),
        ],
    )(degp, x_p, W0)

    t2_call = pl.pallas_call(
        _t2_body,
        grid=(ngrid,),
        in_specs=[
            pl.BlockSpec((2, RB, H), lambda i: (0, i, 0)),
            pl.BlockSpec((RB, H), lambda i: (i, 0)),
            pl.BlockSpec((RB, 16), lambda i: (i, 0)),
            _full((H,)),
        ],
        out_specs=[
            pl.BlockSpec((RB, H), lambda i: (i, 0)),
            _full((2, H)),
        ],
        out_shape=[
            jax.ShapeDtypeStruct((NP, H), f32),
            jax.ShapeDtypeStruct((2, H), f32),
        ],
    )

    t3_call = pl.pallas_call(
        _t3_body,
        grid=(ngrid,),
        in_specs=[
            pl.BlockSpec((RB, H), lambda i: (i, 0)),
            _full((2, H)),
            _full((H,)),
            _full((H,)),
            _full((H, H)),
            pl.BlockSpec((RB, 16), lambda i: (i, 0)),
        ],
        out_specs=pl.BlockSpec((RB, H), lambda i: (i, 0)),
        out_shape=jax.ShapeDtypeStruct((NP, H), f32),
    )

    for lidx, (bl, gl, bel, Wn) in enumerate(
            ((b0, g0, be0, W1), (b1, g1, be1, W2))):
        aggp = _agg_kernel(y, src, dst, zeros_h)
        t, stats = t2_call(aggp, y, dinv, bl)
        y = t3_call(t, stats, gl, bel, Wn, dinv)

    aggp = _agg_kernel(y, src, dst, zeros_h)
    t, stats = t2_call(aggp, y, dinv, b2)

    A, B = pl.pallas_call(
        _t7_body,
        grid=(ngrid,),
        in_specs=[
            pl.BlockSpec((RB, H), lambda i: (i, 0)),
            _full((2, H)),
            _full((H,)),
            _full((H,)),
            _full((2 * H, H)),
            _full((H,)),
        ],
        out_specs=[
            pl.BlockSpec((RB, H), lambda i: (i, 0)),
            pl.BlockSpec((RB, H), lambda i: (i, 0)),
        ],
        out_shape=[
            jax.ShapeDtypeStruct((NP, H), f32),
            jax.ShapeDtypeStruct((NP, H), f32),
        ],
    )(t, stats, g2, be2, Wc0, bc0)

    ga, gb = _edge_kernel(A, B, src, dst)

    out = pl.pallas_call(
        _t8_body,
        grid=(EPAD // EB,),
        in_specs=[
            pl.BlockSpec((EB, H), lambda i: (i, 0)),
            pl.BlockSpec((EB, H), lambda i: (i, 0)),
            _full((H, H // 2)),
            _full((H // 2,)),
            _full((H // 2, 2)),
            _full((2,)),
        ],
        out_specs=pl.BlockSpec((EB, 2), lambda i: (i, 0)),
        out_shape=jax.ShapeDtypeStruct((EPAD, 2), f32),
    )(ga, gb, Wc1, bc1, Wc2, bc2)

    return out[:E]

# --- scband reference (transcript-rebuilt; emitter-appended) ---
"""Pipeline reference for scband-edge-level-gnn-2147483648415 (READ-ONLY COPY).

The authoritative reference and input builder live on the scoring server;
editing this copy changes nothing except your own understanding.
"""

import jax, jax.numpy as jnp
import numpy as np

N = 10000
E = 320000
D = 128
H = 128
O = 2


def setup_inputs(seed: int = 0) -> dict:
    key = jax.random.key(seed)
    ks = jax.random.split(key, 24)
    inp = {}
    inp["x"] = jax.random.normal(ks[0], (N, D), dtype=jnp.float32)
    inp["edge_index"] = jax.random.randint(ks[1], (2, E), 0, N, dtype=jnp.int32)
    s = 0.05
    # GCN layer params (weight + bias) and BatchNorm affine params per layer
    inp["W0"] = jax.random.normal(ks[2], (D, H), dtype=jnp.float32) * s
    inp["b0"] = jnp.zeros((H,), jnp.float32)
    inp["g0"] = jnp.ones((H,), jnp.float32)
    inp["be0"] = jnp.zeros((H,), jnp.float32)
    inp["W1"] = jax.random.normal(ks[3], (H, H), dtype=jnp.float32) * s
    inp["b1"] = jnp.zeros((H,), jnp.float32)
    inp["g1"] = jnp.ones((H,), jnp.float32)
    inp["be1"] = jnp.zeros((H,), jnp.float32)
    inp["W2"] = jax.random.normal(ks[4], (H, H), dtype=jnp.float32) * s
    inp["b2"] = jnp.zeros((H,), jnp.float32)
    inp["g2"] = jnp.ones((H,), jnp.float32)
    inp["be2"] = jnp.zeros((H,), jnp.float32)
    # edge classifier: Linear(2H,H) -> ReLU -> Linear(H,H//2) -> ReLU -> Linear(H//2,O)
    inp["Wc0"] = jax.random.normal(ks[5], (2 * H, H), dtype=jnp.float32) * s
    inp["bc0"] = jnp.zeros((H,), jnp.float32)
    inp["Wc1"] = jax.random.normal(ks[6], (H, H // 2), dtype=jnp.float32) * s
    inp["bc1"] = jnp.zeros((H // 2,), jnp.float32)
    inp["Wc2"] = jax.random.normal(ks[7], (H // 2, O), dtype=jnp.float32) * s
    inp["bc2"] = jnp.zeros((O,), jnp.float32)
    return inp


def _gcn_conv(x, edge_index, W, b):
    # PyG-style GCNConv: add self-loops, symmetric normalization D^-1/2 (A+I) D^-1/2 X W + b
    loop = jnp.arange(N, dtype=edge_index.dtype)
    src = jnp.concatenate([edge_index[0], loop])
    dst = jnp.concatenate([edge_index[1], loop])
    deg = jnp.zeros((N,), x.dtype).at[dst].add(1.0)
    dinv = jnp.where(deg > 0, jax.lax.rsqrt(deg), 0.0)
    norm = dinv[src] * dinv[dst]
    xw = x @ W
    msgs = xw[src] * norm[:, None]
    out = jnp.zeros((N, W.shape[1]), x.dtype).at[dst].add(msgs)
    return out + b


def _batchnorm(x, g, be):
    m = jnp.mean(x, axis=0)
    v = jnp.var(x, axis=0)
    return (x - m) * jax.lax.rsqrt(v + 1e-5) * g + be


def reference(x, edge_index, W0, b0, g0, be0, W1, b1, g1, be1, W2, b2, g2, be2, Wc0, bc0, Wc1, bc1, Wc2, bc2):
    x = jnp.nan_to_num(x, nan=0.0)
    for W, b, g, be in ((W0, b0, g0, be0), (W1, b1, g1, be1), (W2, b2, g2, be2)):
        x = _gcn_conv(x, edge_index, W, b)
        x = _batchnorm(x, g, be)
        x = jax.nn.relu(x)
        x = jnp.nan_to_num(x, nan=0.0)
    src_feat = x[edge_index[0]]
    tgt_feat = x[edge_index[1]]
    ef = jnp.concatenate([src_feat, tgt_feat], axis=1)
    h = jax.nn.relu(ef @ Wc0 + bc0)
    h = jax.nn.relu(h @ Wc1 + bc1)
    out = h @ Wc2 + bc2
    return jnp.nan_to_num(out, nan=0.0)

if __name__ == "__main__":
    import jax
    _d = setup_inputs()
    print(jax.jit(kernel)(*tuple(_d.values())))

</pallas_src>

<mosaic_0001>
#map = affine_map<(d0, d1) -> (0, 0)>
#map1 = affine_map<(d0, d1) -> (0, 0, 0)>
module attributes {stable_mosaic.version = 14 : i64} {
  func.func @agg_kernel(%arg0: i32, %arg1: i32, %arg2: memref<10240x128xf32, #tpu.memory_space<hbm>>, %arg3: memref<2688x128xi32, #tpu.memory_space<hbm>>, %arg4: memref<2688x128xi32, #tpu.memory_space<hbm>>, %arg5: memref<640x128xf32, #tpu.memory_space<hbm>>, %arg6: memref<2x10240x128xf32, #tpu.memory_space<hbm>>, %arg7: memref<40x128xi32, #tpu.memory_space<vmem>>, %arg8: memref<40x128xi32, #tpu.memory_space<vmem>>, %arg9: memref<2x128x128xf32, #tpu.memory_space<vmem>>, %arg10: memref<10240x128xf32, #tpu.memory_space<vmem_shared>>, %arg11: memref<!tpu.dma_semaphore, #tpu.memory_space<semaphore_mem>>, %arg12: memref<!tpu.dma_semaphore, #tpu.memory_space<semaphore_mem>>) attributes {dimension_semantics = [#tpu.dimension_semantics<core_parallel>, #tpu.dimension_semantics<subcore_parallel>], iteration_bounds = array<i64: 2, 16>, scalar_prefetch = 0 : i64, scratch_operands = 6 : i64, tpu.core_type = #tpu.core_type<sc_vector_subcore>, window_params = [{transform_indices = #map}, {transform_indices = #map}, {transform_indices = #map}, {transform_indices = #map}, {transform_indices = #map1}]} {
    %eq3A = arith.constant 0 : i32
    %eq3A_0 = arith.cmpi eq, %arg0, %eq3A : i32
    %mul3A = arith.constant 120 : i32
    %mul3A_1 = arith.muli %arg1, %mul3A : i32
    %mul3A_2 = arith.constant 40 : i32
    %mul3A_3 = arith.muli %arg1, %mul3A_2 : i32
    %add3A = arith.constant 1920 : i32
    %add3A_4 = arith.addi %add3A, %mul3A_3 : i32
    %select_n3A = arith.select %eq3A_0, %mul3A_1, %add3A_4 : i32
    %eq3A_5 = arith.constant 0 : i32
    %eq3A_6 = arith.cmpi eq, %arg0, %eq3A_5 : i32
    %jit3A = arith.constant 120 : i32
    %jit3A_7 = arith.constant 40 : i32
    %select_n3A_8 = arith.select %eq3A_6, %jit3A, %jit3A_7 : i32
    %mul3A_9 = arith.constant 640 : i32
    %mul3A_10 = arith.muli %arg1, %mul3A_9 : i32
    "tpu.region"() ({
      %run_scoped3A = tpu.sem_alloc : memref<!tpu.dma_semaphore, #tpu.memory_space<semaphore_mem>>
      %dma_start3A = arith.constant 0 : i32
      %dma_start3A_21 = tpu.memref_slice %arg10[%mul3A_10, %dma_start3A] : memref<10240x128xf32, #tpu.memory_space<vmem_shared>> -> memref<640x128xf32, #tpu.memory_space<vmem_shared>>
      tpu.enqueue_dma source(%arg5 : memref<640x128xf32, #tpu.memory_space<hbm>>) target(%dma_start3A_21 : memref<640x128xf32, #tpu.memory_space<vmem_shared>>) target_semaphore(%run_scoped3A : memref<!tpu.dma_semaphore, #tpu.memory_space<semaphore_mem>>)
      %dma_wait3A = arith.constant 0 : i32
      %dma_wait3A_22 = tpu.memref_slice %arg10[%mul3A_10, %dma_wait3A] : memref<10240x128xf32, #tpu.memory_space<vmem_shared>> -> memref<640x128xf32, #tpu.memory_space<vmem_shared>>
      tpu.wait_dma2 semaphore(%run_scoped3A : memref<!tpu.dma_semaphore, #tpu.memory_space<semaphore_mem>>) src(%arg5 : memref<640x128xf32, #tpu.memory_space<hbm>>) dst(%dma_wait3A_22 : memref<640x128xf32, #tpu.memory_space<vmem_shared>>)
      tpu.yield
    }) : () -> ()
    %barrier3A = arith.constant 0 : index
    tpu.barrier barrier_id(%barrier3A)
    %scan3A = arith.constant 0 : i32
    %scan3A_11 = arith.constant 0 : i32
    %scan3A_12 = arith.constant 3 : i32
    %scan3A_13 = arith.addi %scan3A_11, %scan3A_12 : i32
    %scan3A_14 = arith.constant 1 : i32
    scf.for %scan3A_21 = %scan3A_11 to %scan3A_13 step %scan3A_14  : i32 {
      %mul3A_22 = arith.constant 40 : i32
      %mul3A_23 = arith.muli %scan3A_21, %mul3A_22 : i32
      %lt3A = arith.cmpi slt, %mul3A_23, %select_n3A_8 : i32
      %convert_element_type3A = arith.extui %lt3A : i1 to i32
      %cond3A = arith.constant 0 : i32
      %cond3A_24 = arith.cmpi ne, %convert_element_type3A, %cond3A : i32
      scf.if %cond3A_24 {
        %mul3A_25 = arith.constant 40 : i32
        %mul3A_26 = arith.muli %scan3A_21, %mul3A_25 : i32
        %add3A_27 = arith.addi %select_n3A, %mul3A_26 : i32
        "tpu.region"() ({
          %run_scoped3A = tpu.sem_alloc : memref<!tpu.dma_semaphore, #tpu.memory_space<semaphore_mem>>
          %dma_start3A_48 = arith.constant 0 : i32
          %dma_start3A_49 = tpu.memref_slice %arg3[%add3A_27, %dma_start3A_48] : memref<2688x128xi32, #tpu.memory_space<hbm>> -> memref<40x128xi32, #tpu.memory_space<hbm>>
          %dma_start3A_50 = arith.constant 0 : i32
          %dma_start3A_51 = tpu.memref_slice %arg3[%add3A_27, %dma_start3A_50] : memref<2688x128xi32, #tpu.memory_space<hbm>> -> memref<40x128xi32, #tpu.memory_space<hbm>>
          tpu.enqueue_dma source(%dma_start3A_51 : memref<40x128xi32, #tpu.memory_space<hbm>>) target(%arg7 : memref<40x128xi32, #tpu.memory_space<vmem>>) target_semaphore(%run_scoped3A : memref<!tpu.dma_semaphore, #tpu.memory_space<semaphore_mem>>)
          %dma_wait3A = arith.constant 0 : i32
          %dma_wait3A_52 = tpu.memref_slice %arg3[%add3A_27, %dma_wait3A] : memref<2688x128xi32, #tpu.memory_space<hbm>> -> memref<40x128xi32, #tpu.memory_space<hbm>>
          %dma_wait3A_53 = arith.constant 0 : i32
          %dma_wait3A_54 = tpu.memref_slice %arg3[%add3A_27, %dma_wait3A_53] : memref<2688x128xi32, #tpu.memory_space<hbm>> -> memref<40x128xi32, #tpu.memory_space<hbm>>
          tpu.wait_dma2 semaphore(%run_scoped3A : memref<!tpu.dma_semaphore, #tpu.memory_space<semaphore_mem>>) src(%dma_wait3A_54 : memref<40x128xi32, #tpu.memory_space<hbm>>) dst(%arg7 : memref<40x128xi32, #tpu.memory_space<vmem>>)
          tpu.yield
        }) : () -> ()
        %mul3A_28 = arith.constant 40 : i32
        %mul3A_29 = arith.muli %scan3A_21, %mul3A_28 : i32
        %add3A_30 = arith.addi %select_n3A, %mul3A_29 : i32
        "tpu.region"() ({
          %run_scoped3A = tpu.sem_alloc : memref<!tpu.dma_semaphore, #tpu.memory_space<semaphore_mem>>
          %dma_start3A_48 = arith.constant 0 : i32
          %dma_start3A_49 = tpu.memref_slice %arg4[%add3A_30, %dma_start3A_48] : memref<2688x128xi32, #tpu.memory_space<hbm>> -> memref<40x128xi32, #tpu.memory_space<hbm>>
          %dma_start3A_50 = arith.constant 0 : i32
          %dma_start3A_51 = tpu.memref_slice %arg4[%add3A_30, %dma_start3A_50] : memref<2688x128xi32, #tpu.memory_space<hbm>> -> memref<40x128xi32, #tpu.memory_space<hbm>>
          tpu.enqueue_dma source(%dma_start3A_51 : memref<40x128xi32, #tpu.memory_space<hbm>>) target(%arg8 : memref<40x128xi32, #tpu.memory_space<vmem>>) target_semaphore(%run_scoped3A : memref<!tpu.dma_semaphore, #tpu.memory_space<semaphore_mem>>)
          %dma_wait3A = arith.constant 0 : i32
          %dma_wait3A_52 = tpu.memref_slice %arg4[%add3A_30, %dma_wait3A] : memref<2688x128xi32, #tpu.memory_space<hbm>> -> memref<40x128xi32, #tpu.memory_space<hbm>>
          %dma_wait3A_53 = arith.constant 0 : i32
          %dma_wait3A_54 = tpu.memref_slice %arg4[%add3A_30, %dma_wait3A_53] : memref<2688x128xi32, #tpu.memory_space<hbm>> -> memref<40x128xi32, #tpu.memory_space<hbm>>
          tpu.wait_dma2 semaphore(%run_scoped3A : memref<!tpu.dma_semaphore, #tpu.memory_space<semaphore_mem>>) src(%dma_wait3A_54 : memref<40x128xi32, #tpu.memory_space<hbm>>) dst(%arg8 : memref<40x128xi32, #tpu.memory_space<vmem>>)
          tpu.yield
        }) : () -> ()
        %dma_start3A = arith.constant 0 : i32
        %dma_start3A_31 = arith.constant 0 : i32
        %dma_start3A_32 = arith.constant 0 : i32
        %dma_start3A_33 = arith.constant 0 : i32
        %dma_start3A_34 = tpu.memref_slice %arg9[%dma_start3A_31, %dma_start3A_32, %dma_start3A_33] : memref<2x128x128xf32, #tpu.memory_space<vmem>> -> memref<1x128x128xf32, #tpu.memory_space<vmem>>
        %dma_start3A_35 = tpu.memref_squeeze %dma_start3A_34 : memref<1x128x128xf32, #tpu.memory_space<vmem>> -> memref<128x128xf32, #tpu.memory_space<vmem>>
        %dma_start3A_36 = arith.constant 0 : i32
        %dma_start3A_37 = tpu.memref_slice %arg7[%dma_start3A, %dma_start3A_36] : memref<40x128xi32, #tpu.memory_space<vmem>> -> memref<1x128xi32, #tpu.memory_space<vmem>>
        %dma_start3A_38 = tpu.memref_squeeze %dma_start3A_37 : memref<1x128xi32, #tpu.memory_space<vmem>> -> memref<128xi32, #tpu.memory_space<vmem>>
        %dma_start3A_39 = arith.constant 0 : i32
        %dma_start3A_40 = arith.constant 0 : i32
        %dma_start3A_41 = tpu.memref_slice %arg2[%dma_start3A_39, %dma_start3A_40] : memref<10240x128xf32, #tpu.memory_space<hbm>> -> memref<10240x128xf32, #tpu.memory_space<hbm>>
        tpu.enqueue_indirect_dma source(%dma_start3A_41 : memref<10240x128xf32, #tpu.memory_space<hbm>>) target(%dma_start3A_35 : memref<128x128xf32, #tpu.memory_space<vmem>>) offsets(%dma_start3A_38 : memref<128xi32, #tpu.memory_space<vmem>>) semaphore(%arg11 : memref<!tpu.dma_semaphore, #tpu.memory_space<semaphore_mem>>)
        %scan3A_42 = arith.constant 0 : i32
        %scan3A_43 = arith.constant 0 : i32
        %scan3A_44 = arith.constant 20 : i32
        %scan3A_45 = arith.addi %scan3A_43, %scan3A_44 : i32
        %scan3A_46 = arith.constant 1 : i32
        scf.for %scan3A_48 = %scan3A_43 to %scan3A_45 step %scan3A_46  : i32 {
          %mul3A_49 = arith.constant 2 : i32
          %mul3A_50 = arith.muli %mul3A_49, %scan3A_48 : i32
          %add3A_51 = arith.constant 1 : i32
          %add3A_52 = arith.addi %mul3A_50, %add3A_51 : i32
          %dma_start3A_53 = arith.constant 1 : i32
          %dma_start3A_54 = arith.constant 0 : i32
          %dma_start3A_55 = arith.constant 0 : i32
          %dma_start3A_56 = tpu.memref_slice %arg9[%dma_start3A_53, %dma_start3A_54, %dma_start3A_55] : memref<2x128x128xf32, #tpu.memory_space<vmem>> -> memref<1x128x128xf32, #tpu.memory_space<vmem>>
          %dma_start3A_57 = tpu.memref_squeeze %dma_start3A_56 : memref<1x128x128xf32, #tpu.memory_space<vmem>> -> memref<128x128xf32, #tpu.memory_space<vmem>>
          %dma_start3A_58 = arith.constant 0 : i32
          %dma_start3A_59 = tpu.memref_slice %arg7[%add3A_52, %dma_start3A_58] : memref<40x128xi32, #tpu.memory_space<vmem>> -> memref<1x128xi32, #tpu.memory_space<vmem>>
          %dma_start3A_60 = tpu.memref_squeeze %dma_start3A_59 : memref<1x128xi32, #tpu.memory_space<vmem>> -> memref<128xi32, #tpu.memory_space<vmem>>
          %dma_start3A_61 = arith.constant 0 : i32
          %dma_start3A_62 = arith.constant 0 : i32
          %dma_start3A_63 = tpu.memref_slice %arg2[%dma_start3A_61, %dma_start3A_62] : memref<10240x128xf32, #tpu.memory_space<hbm>> -> memref<10240x128xf32, #tpu.memory_space<hbm>>
          tpu.enqueue_indirect_dma source(%dma_start3A_63 : memref<10240x128xf32, #tpu.memory_space<hbm>>) target(%dma_start3A_57 : memref<128x128xf32, #tpu.memory_space<vmem>>) offsets(%dma_start3A_60 : memref<128xi32, #tpu.memory_space<vmem>>) semaphore(%arg12 : memref<!tpu.dma_semaphore, #tpu.memory_space<semaphore_mem>>)
          %dma_wait3A = arith.constant 0 : i32
          %dma_wait3A_64 = arith.constant 0 : i32
          %dma_wait3A_65 = arith.constant 0 : i32
          %dma_wait3A_66 = tpu.memref_slice %arg9[%dma_wait3A, %dma_wait3A_64, %dma_wait3A_65] : memref<2x128x128xf32, #tpu.memory_space<vmem>> -> memref<1x128x128xf32, #tpu.memory_space<vmem>>
          %dma_wait3A_67 = tpu.memref_squeeze %dma_wait3A_66 : memref<1x128x128xf32, #tpu.memory_space<vmem>> -> memref<128x128xf32, #tpu.memory_space<vmem>>
          %dma_wait3A_68 = arith.constant 0 : i32
          %dma_wait3A_69 = tpu.memref_slice %arg7[%mul3A_50, %dma_wait3A_68] : memref<40x128xi32, #tpu.memory_space<vmem>> -> memref<1x128xi32, #tpu.memory_space<vmem>>
          %dma_wait3A_70 = tpu.memref_squeeze %dma_wait3A_69 : memref<1x128xi32, #tpu.memory_space<vmem>> -> memref<128xi32, #tpu.memory_space<vmem>>
          %dma_wait3A_71 = arith.constant 0 : i32
          %dma_wait3A_72 = arith.constant 0 : i32
          %dma_wait3A_73 = tpu.memref_slice %arg2[%dma_wait3A_71, %dma_wait3A_72] : memref<10240x128xf32, #tpu.memory_space<hbm>> -> memref<10240x128xf32, #tpu.memory_space<hbm>>
          tpu.wait_indirect_dma semaphore(%arg11 : memref<!tpu.dma_semaphore, #tpu.memory_space<semaphore_mem>>) src(%dma_wait3A_73 : memref<10240x128xf32, #tpu.memory_space<hbm>>) dst(%dma_wait3A_67 : memref<128x128xf32, #tpu.memory_space<vmem>>)
          %run_scoped3A = arith.constant 0 : i32
          "tpu.region"() ({
            %run_scoped3A_93 = tpu.sem_alloc : memref<!tpu.dma_semaphore, #tpu.memory_space<semaphore_mem>>
            %dma_start3A_94 = arith.constant 0 : i32
            %dma_start3A_95 = arith.constant 0 : i32
            %dma_start3A_96 = tpu.memref_slice %arg9[%run_scoped3A, %dma_start3A_94, %dma_start3A_95] : memref<2x128x128xf32, #tpu.memory_space<vmem>> -> memref<1x128x128xf32, #tpu.memory_space<vmem>>
            %dma_start3A_97 = tpu.memref_squeeze %dma_start3A_96 : memref<1x128x128xf32, #tpu.memory_space<vmem>> -> memref<128x128xf32, #tpu.memory_space<vmem>>
            %dma_start3A_98 = arith.constant 0 : i32
            %dma_start3A_99 = tpu.memref_slice %arg8[%mul3A_50, %dma_start3A_98] : memref<40x128xi32, #tpu.memory_space<vmem>> -> memref<1x128xi32, #tpu.memory_space<vmem>>
            %dma_start3A_100 = tpu.memref_squeeze %dma_start3A_99 : memref<1x128xi32, #tpu.memory_space<vmem>> -> memref<128xi32, #tpu.memory_space<vmem>>
            %dma_start3A_101 = arith.constant 0 : i32
            %dma_start3A_102 = arith.constant 0 : i32
            %dma_start3A_103 = tpu.memref_slice %arg10[%dma_start3A_101, %dma_start3A_102] : memref<10240x128xf32, #tpu.memory_space<vmem_shared>> -> memref<10240x128xf32, #tpu.memory_space<vmem_shared>>
            tpu.enqueue_indirect_dma source(%dma_start3A_97 : memref<128x128xf32, #tpu.memory_space<vmem>>) target(%dma_start3A_103 : memref<10240x128xf32, #tpu.memory_space<vmem_shared>>) offsets(%dma_start3A_100 : memref<128xi32, #tpu.memory_space<vmem>>) semaphore(%run_scoped3A_93 : memref<!tpu.dma_semaphore, #tpu.memory_space<semaphore_mem>>) {add = true}
            %dma_wait3A_104 = arith.constant 0 : i32
            %dma_wait3A_105 = arith.constant 0 : i32
            %dma_wait3A_106 = tpu.memref_slice %arg9[%run_scoped3A, %dma_wait3A_104, %dma_wait3A_105] : memref<2x128x128xf32, #tpu.memory_space<vmem>> -> memref<1x128x128xf32, #tpu.memory_space<vmem>>
            %dma_wait3A_107 = tpu.memref_squeeze %dma_wait3A_106 : memref<1x128x128xf32, #tpu.memory_space<vmem>> -> memref<128x128xf32, #tpu.memory_space<vmem>>
            %dma_wait3A_108 = arith.constant 0 : i32
            %dma_wait3A_109 = tpu.memref_slice %arg8[%mul3A_50, %dma_wait3A_108] : memref<40x128xi32, #tpu.memory_space<vmem>> -> memref<1x128xi32, #tpu.memory_space<vmem>>
            %dma_wait3A_110 = tpu.memref_squeeze %dma_wait3A_109 : memref<1x128xi32, #tpu.memory_space<vmem>> -> memref<128xi32, #tpu.memory_space<vmem>>
            %dma_wait3A_111 = arith.constant 0 : i32
            %dma_wait3A_112 = arith.constant 0 : i32
            %dma_wait3A_113 = tpu.memref_slice %arg10[%dma_wait3A_111, %dma_wait3A_112] : memref<10240x128xf32, #tpu.memory_space<vmem_shared>> -> memref<10240x128xf32, #tpu.memory_space<vmem_shared>>
            tpu.wait_indirect_dma semaphore(%run_scoped3A_93 : memref<!tpu.dma_semaphore, #tpu.memory_space<semaphore_mem>>) src(%dma_wait3A_107 : memref<128x128xf32, #tpu.memory_space<vmem>>) dst(%dma_wait3A_113 : memref<10240x128xf32, #tpu.memory_space<vmem_shared>>)
            tpu.yield
          }) : () -> ()
          %add3A_74 = arith.constant 1 : i32
          %add3A_75 = arith.addi %scan3A_48, %add3A_74 : i32
          %lt3A_76 = arith.constant 20 : i32
          %lt3A_77 = arith.cmpi slt, %add3A_75, %lt3A_76 : i32
          %convert_element_type3A_78 = arith.extui %lt3A_77 : i1 to i32
          %cond3A_79 = arith.constant 0 : i32
          %cond3A_80 = arith.cmpi ne, %convert_element_type3A_78, %cond3A_79 : i32
          scf.if %cond3A_80 {
            %add3A_93 = arith.constant 2 : i32
            %add3A_94 = arith.addi %mul3A_50, %add3A_93 : i32
            %dma_start3A_95 = arith.constant 0 : i32
            %dma_start3A_96 = arith.constant 0 : i32
            %dma_start3A_97 = arith.constant 0 : i32
            %dma_start3A_98 = tpu.memref_slice %arg9[%dma_start3A_95, %dma_start3A_96, %dma_start3A_97] : memref<2x128x128xf32, #tpu.memory_space<vmem>> -> memref<1x128x128xf32, #tpu.memory_space<vmem>>
            %dma_start3A_99 = tpu.memref_squeeze %dma_start3A_98 : memref<1x128x128xf32, #tpu.memory_space<vmem>> -> memref<128x128xf32, #tpu.memory_space<vmem>>
            %dma_start3A_100 = arith.constant 0 : i32
            %dma_start3A_101 = tpu.memref_slice %arg7[%add3A_94, %dma_start3A_100] : memref<40x128xi32, #tpu.memory_space<vmem>> -> memref<1x128xi32, #tpu.memory_space<vmem>>
            %dma_start3A_102 = tpu.memref_squeeze %dma_start3A_101 : memref<1x128xi32, #tpu.memory_space<vmem>> -> memref<128xi32, #tpu.memory_space<vmem>>
            %dma_start3A_103 = arith.constant 0 : i32
            %dma_start3A_104 = arith.constant 0 : i32
            %dma_start3A_105 = tpu.memref_slice %arg2[%dma_start3A_103, %dma_start3A_104] : memref<10240x128xf32, #tpu.memory_space<hbm>> -> memref<10240x128xf32, #tpu.memory_space<hbm>>
            tpu.enqueue_indirect_dma source(%dma_start3A_105 : memref<10240x128xf32, #tpu.memory_space<hbm>>) target(%dma_start3A_99 : memref<128x128xf32, #tpu.memory_space<vmem>>) offsets(%dma_start3A_102 : memref<128xi32, #tpu.memory_space<vmem>>) semaphore(%arg11 : memref<!tpu.dma_semaphore, #tpu.memory_space<semaphore_mem>>)
          } else {
          }
          %dma_wait3A_81 = arith.constant 1 : i32
          %dma_wait3A_82 = arith.constant 0 : i32
          %dma_wait3A_83 = arith.constant 0 : i32
          %dma_wait3A_84 = tpu.memref_slice %arg9[%dma_wait3A_81, %dma_wait3A_82, %dma_wait3A_83] : memref<2x128x128xf32, #tpu.memory_space<vmem>> -> memref<1x128x128xf32, #tpu.memory_space<vmem>>
          %dma_wait3A_85 = tpu.memref_squeeze %dma_wait3A_84 : memref<1x128x128xf32, #tpu.memory_space<vmem>> -> memref<128x128xf32, #tpu.memory_space<vmem>>
          %dma_wait3A_86 = arith.constant 0 : i32
          %dma_wait3A_87 = tpu.memref_slice %arg7[%add3A_52, %dma_wait3A_86] : memref<40x128xi32, #tpu.memory_space<vmem>> -> memref<1x128xi32, #tpu.memory_space<vmem>>
          %dma_wait3A_88 = tpu.memref_squeeze %dma_wait3A_87 : memref<1x128xi32, #tpu.memory_space<vmem>> -> memref<128xi32, #tpu.memory_space<vmem>>
          %dma_wait3A_89 = arith.constant 0 : i32
          %dma_wait3A_90 = arith.constant 0 : i32
          %dma_wait3A_91 = tpu.memref_slice %arg2[%dma_wait3A_89, %dma_wait3A_90] : memref<10240x128xf32, #tpu.memory_space<hbm>> -> memref<10240x128xf32, #tpu.memory_space<hbm>>
          tpu.wait_indirect_dma semaphore(%arg12 : memref<!tpu.dma_semaphore, #tpu.memory_space<semaphore_mem>>) src(%dma_wait3A_91 : memref<10240x128xf32, #tpu.memory_space<hbm>>) dst(%dma_wait3A_85 : memref<128x128xf32, #tpu.memory_space<vmem>>)
          %run_scoped3A_92 = arith.constant 1 : i32
          "tpu.region"() ({
            %run_scoped3A_93 = tpu.sem_alloc : memref<!tpu.dma_semaphore, #tpu.memory_space<semaphore_mem>>
            %dma_start3A_94 = arith.constant 0 : i32
            %dma_start3A_95 = arith.constant 0 : i32
            %dma_start3A_96 = tpu.memref_slice %arg9[%run_scoped3A_92, %dma_start3A_94, %dma_start3A_95] : memref<2x128x128xf32, #tpu.memory_space<vmem>> -> memref<1x128x128xf32, #tpu.memory_space<vmem>>
            %dma_start3A_97 = tpu.memref_squeeze %dma_start3A_96 : memref<1x128x128xf32, #tpu.memory_space<vmem>> -> memref<128x128xf32, #tpu.memory_space<vmem>>
            %dma_start3A_98 = arith.constant 0 : i32
            %dma_start3A_99 = tpu.memref_slice %arg8[%add3A_52, %dma_start3A_98] : memref<40x128xi32, #tpu.memory_space<vmem>> -> memref<1x128xi32, #tpu.memory_space<vmem>>
            %dma_start3A_100 = tpu.memref_squeeze %dma_start3A_99 : memref<1x128xi32, #tpu.memory_space<vmem>> -> memref<128xi32, #tpu.memory_space<vmem>>
            %dma_start3A_101 = arith.constant 0 : i32
            %dma_start3A_102 = arith.constant 0 : i32
            %dma_start3A_103 = tpu.memref_slice %arg10[%dma_start3A_101, %dma_start3A_102] : memref<10240x128xf32, #tpu.memory_space<vmem_shared>> -> memref<10240x128xf32, #tpu.memory_space<vmem_shared>>
            tpu.enqueue_indirect_dma source(%dma_start3A_97 : memref<128x128xf32, #tpu.memory_space<vmem>>) target(%dma_start3A_103 : memref<10240x128xf32, #tpu.memory_space<vmem_shared>>) offsets(%dma_start3A_100 : memref<128xi32, #tpu.memory_space<vmem>>) semaphore(%run_scoped3A_93 : memref<!tpu.dma_semaphore, #tpu.memory_space<semaphore_mem>>) {add = true}
            %dma_wait3A_104 = arith.constant 0 : i32
            %dma_wait3A_105 = arith.constant 0 : i32
            %dma_wait3A_106 = tpu.memref_slice %arg9[%run_scoped3A_92, %dma_wait3A_104, %dma_wait3A_105] : memref<2x128x128xf32, #tpu.memory_space<vmem>> -> memref<1x128x128xf32, #tpu.memory_space<vmem>>
            %dma_wait3A_107 = tpu.memref_squeeze %dma_wait3A_106 : memref<1x128x128xf32, #tpu.memory_space<vmem>> -> memref<128x128xf32, #tpu.memory_space<vmem>>
            %dma_wait3A_108 = arith.constant 0 : i32
            %dma_wait3A_109 = tpu.memref_slice %arg8[%add3A_52, %dma_wait3A_108] : memref<40x128xi32, #tpu.memory_space<vmem>> -> memref<1x128xi32, #tpu.memory_space<vmem>>
            %dma_wait3A_110 = tpu.memref_squeeze %dma_wait3A_109 : memref<1x128xi32, #tpu.memory_space<vmem>> -> memref<128xi32, #tpu.memory_space<vmem>>
            %dma_wait3A_111 = arith.constant 0 : i32
            %dma_wait3A_112 = arith.constant 0 : i32
            %dma_wait3A_113 = tpu.memref_slice %arg10[%dma_wait3A_111, %dma_wait3A_112] : memref<10240x128xf32, #tpu.memory_space<vmem_shared>> -> memref<10240x128xf32, #tpu.memory_space<vmem_shared>>
            tpu.wait_indirect_dma semaphore(%run_scoped3A_93 : memref<!tpu.dma_semaphore, #tpu.memory_space<semaphore_mem>>) src(%dma_wait3A_107 : memref<128x128xf32, #tpu.memory_space<vmem>>) dst(%dma_wait3A_113 : memref<10240x128xf32, #tpu.memory_space<vmem_shared>>)
            tpu.yield
          }) : () -> ()
        }
        %scan3A_47 = arith.constant 20 : i32
      } else {
      }
    }
    %scan3A_15 = arith.constant 3 : i32
    %barrier3A_16 = arith.constant 0 : index
    tpu.barrier barrier_id(%barrier3A_16)
    %mul3A_17 = arith.constant 640 : i32
    %mul3A_18 = arith.muli %arg1, %mul3A_17 : i32
    %mul3A_19 = arith.constant 640 : i32
    %mul3A_20 = arith.muli %arg1, %mul3A_19 : i32
    "tpu.region"() ({
      %run_scoped3A = tpu.sem_alloc : memref<!tpu.dma_semaphore, #tpu.memory_space<semaphore_mem>>
      %dma_start3A = arith.constant 0 : i32
      %dma_start3A_21 = tpu.memref_slice %arg6[%arg0, %mul3A_20, %dma_start3A] : memref<2x10240x128xf32, #tpu.memory_space<hbm>> -> memref<1x640x128xf32, #tpu.memory_space<hbm>>
      %dma_start3A_22 = tpu.memref_squeeze %dma_start3A_21 : memref<1x640x128xf32, #tpu.memory_space<hbm>> -> memref<640x128xf32, #tpu.memory_space<hbm>>
      %dma_start3A_23 = arith.constant 0 : i32
      %dma_start3A_24 = tpu.memref_slice %arg10[%mul3A_18, %dma_start3A_23] : memref<10240x128xf32, #tpu.memory_space<vmem_shared>> -> memref<640x128xf32, #tpu.memory_space<vmem_shared>>
      tpu.enqueue_dma source(%dma_start3A_24 : memref<640x128xf32, #tpu.memory_space<vmem_shared>>) target(%dma_start3A_22 : memref<640x128xf32, #tpu.memory_space<hbm>>) target_semaphore(%run_scoped3A : memref<!tpu.dma_semaphore, #tpu.memory_space<semaphore_mem>>)
      %dma_wait3A = arith.constant 0 : i32
      %dma_wait3A_25 = tpu.memref_slice %arg6[%arg0, %mul3A_20, %dma_wait3A] : memref<2x10240x128xf32, #tpu.memory_space<hbm>> -> memref<1x640x128xf32, #tpu.memory_space<hbm>>
      %dma_wait3A_26 = tpu.memref_squeeze %dma_wait3A_25 : memref<1x640x128xf32, #tpu.memory_space<hbm>> -> memref<640x128xf32, #tpu.memory_space<hbm>>
      %dma_wait3A_27 = arith.constant 0 : i32
      %dma_wait3A_28 = tpu.memref_slice %arg10[%mul3A_18, %dma_wait3A_27] : memref<10240x128xf32, #tpu.memory_space<vmem_shared>> -> memref<640x128xf32, #tpu.memory_space<vmem_shared>>
      tpu.wait_dma2 semaphore(%run_scoped3A : memref<!tpu.dma_semaphore, #tpu.memory_space<semaphore_mem>>) src(%dma_wait3A_28 : memref<640x128xf32, #tpu.memory_space<vmem_shared>>) dst(%dma_wait3A_26 : memref<640x128xf32, #tpu.memory_space<hbm>>)
      tpu.yield
    }) : () -> ()
    return
  }
}

#map = affine_map<(d0, d1) -> (0, 0)>
#map1 = affine_map<(d0, d1) -> (0, 0, 0)>
module attributes {stable_mosaic.version = 14 : i64} {
  func.func @deg_kernel(%arg0: i32, %arg1: i32, %arg2: memref<2688x128xi32, #tpu.memory_space<hbm>>, %arg3: memref<640x128xf32, #tpu.memory_space<hbm>>, %arg4: memref<128x128xf32, #tpu.memory_space<hbm>>, %arg5: memref<2x10240x128xf32, #tpu.memory_space<hbm>>, %arg6: memref<120x128xi32, #tpu.memory_space<vmem>>, %arg7: memref<128x128xf32, #tpu.memory_space<vmem>>, %arg8: memref<10240x128xf32, #tpu.memory_space<vmem_shared>>) attributes {dimension_semantics = [#tpu.dimension_semantics<core_parallel>, #tpu.dimension_semantics<subcore_parallel>], iteration_bounds = array<i64: 2, 16>, scalar_prefetch = 0 : i64, scratch_operands = 3 : i64, tpu.core_type = #tpu.core_type<sc_vector_subcore>, window_params = [{transform_indices = #map}, {transform_indices = #map}, {transform_indices = #map}, {transform_indices = #map1}]} {
    %eq3A = arith.constant 0 : i32
    %eq3A_0 = arith.cmpi eq, %arg0, %eq3A : i32
    %mul3A = arith.constant 120 : i32
    %mul3A_1 = arith.muli %arg1, %mul3A : i32
    %mul3A_2 = arith.constant 40 : i32
    %mul3A_3 = arith.muli %arg1, %mul3A_2 : i32
    %add3A = arith.constant 1920 : i32
    %add3A_4 = arith.addi %add3A, %mul3A_3 : i32
    %select_n3A = arith.select %eq3A_0, %mul3A_1, %add3A_4 : i32
    %eq3A_5 = arith.constant 0 : i32
    %eq3A_6 = arith.cmpi eq, %arg0, %eq3A_5 : i32
    %jit3A = arith.constant 120 : i32
    %jit3A_7 = arith.constant 40 : i32
    %select_n3A_8 = arith.select %eq3A_6, %jit3A, %jit3A_7 : i32
    "tpu.region"() ({
      %run_scoped3A = tpu.sem_alloc : memref<!tpu.dma_semaphore, #tpu.memory_space<semaphore_mem>>
      tpu.enqueue_dma source(%arg4 : memref<128x128xf32, #tpu.memory_space<hbm>>) target(%arg7 : memref<128x128xf32, #tpu.memory_space<vmem>>) target_semaphore(%run_scoped3A : memref<!tpu.dma_semaphore, #tpu.memory_space<semaphore_mem>>)
      tpu.wait_dma2 semaphore(%run_scoped3A : memref<!tpu.dma_semaphore, #tpu.memory_space<semaphore_mem>>) src(%arg4 : memref<128x128xf32, #tpu.memory_space<hbm>>) dst(%arg7 : memref<128x128xf32, #tpu.memory_space<vmem>>)
      tpu.yield
    }) : () -> ()
    %mul3A_9 = arith.constant 640 : i32
    %mul3A_10 = arith.muli %arg1, %mul3A_9 : i32
    "tpu.region"() ({
      %run_scoped3A = tpu.sem_alloc : memref<!tpu.dma_semaphore, #tpu.memory_space<semaphore_mem>>
      %dma_start3A = arith.constant 0 : i32
      %dma_start3A_25 = tpu.memref_slice %arg8[%mul3A_10, %dma_start3A] : memref<10240x128xf32, #tpu.memory_space<vmem_shared>> -> memref<640x128xf32, #tpu.memory_space<vmem_shared>>
      tpu.enqueue_dma source(%arg3 : memref<640x128xf32, #tpu.memory_space<hbm>>) target(%dma_start3A_25 : memref<640x128xf32, #tpu.memory_space<vmem_shared>>) target_semaphore(%run_scoped3A : memref<!tpu.dma_semaphore, #tpu.memory_space<semaphore_mem>>)
      %dma_wait3A = arith.constant 0 : i32
      %dma_wait3A_26 = tpu.memref_slice %arg8[%mul3A_10, %dma_wait3A] : memref<10240x128xf32, #tpu.memory_space<vmem_shared>> -> memref<640x128xf32, #tpu.memory_space<vmem_shared>>
      tpu.wait_dma2 semaphore(%run_scoped3A : memref<!tpu.dma_semaphore, #tpu.memory_space<semaphore_mem>>) src(%arg3 : memref<640x128xf32, #tpu.memory_space<hbm>>) dst(%dma_wait3A_26 : memref<640x128xf32, #tpu.memory_space<vmem_shared>>)
      tpu.yield
    }) : () -> ()
    "tpu.region"() ({
      %run_scoped3A = tpu.sem_alloc : memref<!tpu.dma_semaphore, #tpu.memory_space<semaphore_mem>>
      %dma_start3A = arith.constant 0 : i32
      %dma_start3A_25 = tpu.memref_slice %arg2[%select_n3A, %dma_start3A] : memref<2688x128xi32, #tpu.memory_space<hbm>> -> memref<120x128xi32, #tpu.memory_space<hbm>>
      %dma_start3A_26 = arith.constant 0 : i32
      %dma_start3A_27 = tpu.memref_slice %arg2[%select_n3A, %dma_start3A_26] : memref<2688x128xi32, #tpu.memory_space<hbm>> -> memref<120x128xi32, #tpu.memory_space<hbm>>
      tpu.enqueue_dma source(%dma_start3A_27 : memref<120x128xi32, #tpu.memory_space<hbm>>) target(%arg6 : memref<120x128xi32, #tpu.memory_space<vmem>>) target_semaphore(%run_scoped3A : memref<!tpu.dma_semaphore, #tpu.memory_space<semaphore_mem>>)
      %dma_wait3A = arith.constant 0 : i32
      %dma_wait3A_28 = tpu.memref_slice %arg2[%select_n3A, %dma_wait3A] : memref<2688x128xi32, #tpu.memory_space<hbm>> -> memref<120x128xi32, #tpu.memory_space<hbm>>
      %dma_wait3A_29 = arith.constant 0 : i32
      %dma_wait3A_30 = tpu.memref_slice %arg2[%select_n3A, %dma_wait3A_29] : memref<2688x128xi32, #tpu.memory_space<hbm>> -> memref<120x128xi32, #tpu.memory_space<hbm>>
      tpu.wait_dma2 semaphore(%run_scoped3A : memref<!tpu.dma_semaphore, #tpu.memory_space<semaphore_mem>>) src(%dma_wait3A_30 : memref<120x128xi32, #tpu.memory_space<hbm>>) dst(%arg6 : memref<120x128xi32, #tpu.memory_space<vmem>>)
      tpu.yield
    }) : () -> ()
    %barrier3A = arith.constant 0 : index
    tpu.barrier barrier_id(%barrier3A)
    %while3A = arith.constant 0 : i32
    %while3A_11 = arith.constant 0 : i32
    %while3A_12 = arith.subi %select_n3A_8, %while3A_11 : i32
    %while3A_13 = arith.addi %while3A_11, %while3A_12 : i32
    %while3A_14 = arith.constant 1 : i32
    %while3A_15 = arith.divsi %while3A_12, %while3A_14 : i32
    %while3A_16 = arith.muli %while3A_15, %while3A_14 : i32
    %while3A_17 = arith.addi %while3A_11, %while3A_16 : i32
    %while3A_18 = arith.constant 1 : i32
    scf.for %while3A_25 = %while3A_11 to %while3A_17 step %while3A_18  : i32 {
      "tpu.region"() ({
        %run_scoped3A = tpu.sem_alloc : memref<!tpu.dma_semaphore, #tpu.memory_space<semaphore_mem>>
        %dma_start3A = arith.constant 0 : i32
        %dma_start3A_26 = tpu.memref_slice %arg6[%while3A_25, %dma_start3A] : memref<120x128xi32, #tpu.memory_space<vmem>> -> memref<1x128xi32, #tpu.memory_space<vmem>>
        %dma_start3A_27 = tpu.memref_squeeze %dma_start3A_26 : memref<1x128xi32, #tpu.memory_space<vmem>> -> memref<128xi32, #tpu.memory_space<vmem>>
        %dma_start3A_28 = arith.constant 0 : i32
        %dma_start3A_29 = arith.constant 0 : i32
        %dma_start3A_30 = tpu.memref_slice %arg8[%dma_start3A_28, %dma_start3A_29] : memref<10240x128xf32, #tpu.memory_space<vmem_shared>> -> memref<10240x128xf32, #tpu.memory_space<vmem_shared>>
        tpu.enqueue_indirect_dma source(%arg7 : memref<128x128xf32, #tpu.memory_space<vmem>>) target(%dma_start3A_30 : memref<10240x128xf32, #tpu.memory_space<vmem_shared>>) offsets(%dma_start3A_27 : memref<128xi32, #tpu.memory_space<vmem>>) semaphore(%run_scoped3A : memref<!tpu.dma_semaphore, #tpu.memory_space<semaphore_mem>>) {add = true}
        %dma_wait3A = arith.constant 0 : i32
        %dma_wait3A_31 = tpu.memref_slice %arg6[%while3A_25, %dma_wait3A] : memref<120x128xi32, #tpu.memory_space<vmem>> -> memref<1x128xi32, #tpu.memory_space<vmem>>
        %dma_wait3A_32 = tpu.memref_squeeze %dma_wait3A_31 : memref<1x128xi32, #tpu.memory_space<vmem>> -> memref<128xi32, #tpu.memory_space<vmem>>
        %dma_wait3A_33 = arith.constant 0 : i32
        %dma_wait3A_34 = arith.constant 0 : i32
        %dma_wait3A_35 = tpu.memref_slice %arg8[%dma_wait3A_33, %dma_wait3A_34] : memref<10240x128xf32, #tpu.memory_space<vmem_shared>> -> memref<10240x128xf32, #tpu.memory_space<vmem_shared>>
        tpu.wait_indirect_dma semaphore(%run_scoped3A : memref<!tpu.dma_semaphore, #tpu.memory_space<semaphore_mem>>) src(%arg7 : memref<128x128xf32, #tpu.memory_space<vmem>>) dst(%dma_wait3A_35 : memref<10240x128xf32, #tpu.memory_space<vmem_shared>>)
        tpu.yield
      }) : () -> ()
    }
    %while3A_19 = arith.constant 1 : i32
    scf.for %while3A_25 = %while3A_17 to %while3A_13 step %while3A_19  : i32 {
      "tpu.region"() ({
        %run_scoped3A = tpu.sem_alloc : memref<!tpu.dma_semaphore, #tpu.memory_space<semaphore_mem>>
        %dma_start3A = arith.constant 0 : i32
        %dma_start3A_26 = tpu.memref_slice %arg6[%while3A_25, %dma_start3A] : memref<120x128xi32, #tpu.memory_space<vmem>> -> memref<1x128xi32, #tpu.memory_space<vmem>>
        %dma_start3A_27 = tpu.memref_squeeze %dma_start3A_26 : memref<1x128xi32, #tpu.memory_space<vmem>> -> memref<128xi32, #tpu.memory_space<vmem>>
        %dma_start3A_28 = arith.constant 0 : i32
        %dma_start3A_29 = arith.constant 0 : i32
        %dma_start3A_30 = tpu.memref_slice %arg8[%dma_start3A_28, %dma_start3A_29] : memref<10240x128xf32, #tpu.memory_space<vmem_shared>> -> memref<10240x128xf32, #tpu.memory_space<vmem_shared>>
        tpu.enqueue_indirect_dma source(%arg7 : memref<128x128xf32, #tpu.memory_space<vmem>>) target(%dma_start3A_30 : memref<10240x128xf32, #tpu.memory_space<vmem_shared>>) offsets(%dma_start3A_27 : memref<128xi32, #tpu.memory_space<vmem>>) semaphore(%run_scoped3A : memref<!tpu.dma_semaphore, #tpu.memory_space<semaphore_mem>>) {add = true}
        %dma_wait3A = arith.constant 0 : i32
        %dma_wait3A_31 = tpu.memref_slice %arg6[%while3A_25, %dma_wait3A] : memref<120x128xi32, #tpu.memory_space<vmem>> -> memref<1x128xi32, #tpu.memory_space<vmem>>
        %dma_wait3A_32 = tpu.memref_squeeze %dma_wait3A_31 : memref<1x128xi32, #tpu.memory_space<vmem>> -> memref<128xi32, #tpu.memory_space<vmem>>
        %dma_wait3A_33 = arith.constant 0 : i32
        %dma_wait3A_34 = arith.constant 0 : i32
        %dma_wait3A_35 = tpu.memref_slice %arg8[%dma_wait3A_33, %dma_wait3A_34] : memref<10240x128xf32, #tpu.memory_space<vmem_shared>> -> memref<10240x128xf32, #tpu.memory_space<vmem_shared>>
        tpu.wait_indirect_dma semaphore(%run_scoped3A : memref<!tpu.dma_semaphore, #tpu.memory_space<semaphore_mem>>) src(%arg7 : memref<128x128xf32, #tpu.memory_space<vmem>>) dst(%dma_wait3A_35 : memref<10240x128xf32, #tpu.memory_space<vmem_shared>>)
        tpu.yield
      }) : () -> ()
    }
    %barrier3A_20 = arith.constant 0 : index
    tpu.barrier barrier_id(%barrier3A_20)
    %mul3A_21 = arith.constant 640 : i32
    %mul3A_22 = arith.muli %arg1, %mul3A_21 : i32
    %mul3A_23 = arith.constant 640 : i32
    %mul3A_24 = arith.muli %arg1, %mul3A_23 : i32
    "tpu.region"() ({
      %run_scoped3A = tpu.sem_alloc : memref<!tpu.dma_semaphore, #tpu.memory_space<semaphore_mem>>
      %dma_start3A = arith.constant 0 : i32
      %dma_start3A_25 = tpu.memref_slice %arg5[%arg0, %mul3A_24, %dma_start3A] : memref<2x10240x128xf32, #tpu.memory_space<hbm>> -> memref<1x640x128xf32, #tpu.memory_space<hbm>>
      %dma_start3A_26 = tpu.memref_squeeze %dma_start3A_25 : memref<1x640x128xf32, #tpu.memory_space<hbm>> -> memref<640x128xf32, #tpu.memory_space<hbm>>
      %dma_start3A_27 = arith.constant 0 : i32
      %dma_start3A_28 = tpu.memref_slice %arg8[%mul3A_22, %dma_start3A_27] : memref<10240x128xf32, #tpu.memory_space<vmem_shared>> -> memref<640x128xf32, #tpu.memory_space<vmem_shared>>
      tpu.enqueue_dma source(%dma_start3A_28 : memref<640x128xf32, #tpu.memory_space<vmem_shared>>) target(%dma_start3A_26 : memref<640x128xf32, #tpu.memory_space<hbm>>) target_semaphore(%run_scoped3A : memref<!tpu.dma_semaphore, #tpu.memory_space<semaphore_mem>>)
      %dma_wait3A = arith.constant 0 : i32
      %dma_wait3A_29 = tpu.memref_slice %arg5[%arg0, %mul3A_24, %dma_wait3A] : memref<2x10240x128xf32, #tpu.memory_space<hbm>> -> memref<1x640x128xf32, #tpu.memory_space<hbm>>
      %dma_wait3A_30 = tpu.memref_squeeze %dma_wait3A_29 : memref<1x640x128xf32, #tpu.memory_space<hbm>> -> memref<640x128xf32, #tpu.memory_space<hbm>>
      %dma_wait3A_31 = arith.constant 0 : i32
      %dma_wait3A_32 = tpu.memref_slice %arg8[%mul3A_22, %dma_wait3A_31] : memref<10240x128xf32, #tpu.memory_space<vmem_shared>> -> memref<640x128xf32, #tpu.memory_space<vmem_shared>>
      tpu.wait_dma2 semaphore(%run_scoped3A : memref<!tpu.dma_semaphore, #tpu.memory_space<semaphore_mem>>) src(%dma_wait3A_32 : memref<640x128xf32, #tpu.memory_space<vmem_shared>>) dst(%dma_wait3A_30 : memref<640x128xf32, #tpu.memory_space<hbm>>)
      tpu.yield
    }) : () -> ()
    return
  }
}

#map = affine_map<(d0, d1) -> (0, 0)>
#map1 = affine_map<(d0, d1) -> (0, 0, 0)>
module attributes {stable_mosaic.version = 14 : i64} {
  func.func @agg_kernel(%arg0: i32, %arg1: i32, %arg2: memref<10240x128xf32, #tpu.memory_space<hbm>>, %arg3: memref<2688x128xi32, #tpu.memory_space<hbm>>, %arg4: memref<2688x128xi32, #tpu.memory_space<hbm>>, %arg5: memref<640x128xf32, #tpu.memory_space<hbm>>, %arg6: memref<2x10240x128xf32, #tpu.memory_space<hbm>>, %arg7: memref<40x128xi32, #tpu.memory_space<vmem>>, %arg8: memref<40x128xi32, #tpu.memory_space<vmem>>, %arg9: memref<2x128x128xf32, #tpu.memory_space<vmem>>, %arg10: memref<10240x128xf32, #tpu.memory_space<vmem_shared>>, %arg11: memref<!tpu.dma_semaphore, #tpu.memory_space<semaphore_mem>>, %arg12: memref<!tpu.dma_semaphore, #tpu.memory_space<semaphore_mem>>) attributes {dimension_semantics = [#tpu.dimension_semantics<core_parallel>, #tpu.dimension_semantics<subcore_parallel>], iteration_bounds = array<i64: 2, 16>, scalar_prefetch = 0 : i64, scratch_operands = 6 : i64, tpu.core_type = #tpu.core_type<sc_vector_subcore>, window_params = [{transform_indices = #map}, {transform_indices = #map}, {transform_indices = #map}, {transform_indices = #map}, {transform_indices = #map1}]} {
    %eq3A = arith.constant 0 : i32
    %eq3A_0 = arith.cmpi eq, %arg0, %eq3A : i32
    %mul3A = arith.constant 120 : i32
    %mul3A_1 = arith.muli %arg1, %mul3A : i32
    %mul3A_2 = arith.constant 40 : i32
    %mul3A_3 = arith.muli %arg1, %mul3A_2 : i32
    %add3A = arith.constant 1920 : i32
    %add3A_4 = arith.addi %add3A, %mul3A_3 : i32
    %select_n3A = arith.select %eq3A_0, %mul3A_1, %add3A_4 : i32
    %eq3A_5 = arith.constant 0 : i32
    %eq3A_6 = arith.cmpi eq, %arg0, %eq3A_5 : i32
    %jit3A = arith.constant 120 : i32
    %jit3A_7 = arith.constant 40 : i32
    %select_n3A_8 = arith.select %eq3A_6, %jit3A, %jit3A_7 : i32
    %mul3A_9 = arith.constant 640 : i32
    %mul3A_10 = arith.muli %arg1, %mul3A_9 : i32
    "tpu.region"() ({
      %run_scoped3A = tpu.sem_alloc : memref<!tpu.dma_semaphore, #tpu.memory_space<semaphore_mem>>
      %dma_start3A = arith.constant 0 : i32
      %dma_start3A_21 = tpu.memref_slice %arg10[%mul3A_10, %dma_start3A] : memref<10240x128xf32, #tpu.memory_space<vmem_shared>> -> memref<640x128xf32, #tpu.memory_space<vmem_shared>>
      tpu.enqueue_dma source(%arg5 : memref<640x128xf32, #tpu.memory_space<hbm>>) target(%dma_start3A_21 : memref<640x128xf32, #tpu.memory_space<vmem_shared>>) target_semaphore(%run_scoped3A : memref<!tpu.dma_semaphore, #tpu.memory_space<semaphore_mem>>)
      %dma_wait3A = arith.constant 0 : i32
      %dma_wait3A_22 = tpu.memref_slice %arg10[%mul3A_10, %dma_wait3A] : memref<10240x128xf32, #tpu.memory_space<vmem_shared>> -> memref<640x128xf32, #tpu.memory_space<vmem_shared>>
      tpu.wait_dma2 semaphore(%run_scoped3A : memref<!tpu.dma_semaphore, #tpu.memory_space<semaphore_mem>>) src(%arg5 : memref<640x128xf32, #tpu.memory_space<hbm>>) dst(%dma_wait3A_22 : memref<640x128xf32, #tpu.memory_space<vmem_shared>>)
      tpu.yield
    }) : () -> ()
    %barrier3A = arith.constant 0 : index
    tpu.barrier barrier_id(%barrier3A)
    %scan3A = arith.constant 0 : i32
    %scan3A_11 = arith.constant 0 : i32
    %scan3A_12 = arith.constant 3 : i32
    %scan3A_13 = arith.addi %scan3A_11, %scan3A_12 : i32
    %scan3A_14 = arith.constant 1 : i32
    scf.for %scan3A_21 = %scan3A_11 to %scan3A_13 step %scan3A_14  : i32 {
      %mul3A_22 = arith.constant 40 : i32
      %mul3A_23 = arith.muli %scan3A_21, %mul3A_22 : i32
      %lt3A = arith.cmpi slt, %mul3A_23, %select_n3A_8 : i32
      %convert_element_type3A = arith.extui %lt3A : i1 to i32
      %cond3A = arith.constant 0 : i32
      %cond3A_24 = arith.cmpi ne, %convert_element_type3A, %cond3A : i32
      scf.if %cond3A_24 {
        %mul3A_25 = arith.constant 40 : i32
        %mul3A_26 = arith.muli %scan3A_21, %mul3A_25 : i32
        %add3A_27 = arith.addi %select_n3A, %mul3A_26 : i32
        "tpu.region"() ({
          %run_scoped3A = tpu.sem_alloc : memref<!tpu.dma_semaphore, #tpu.memory_space<semaphore_mem>>
          %dma_start3A_48 = arith.constant 0 : i32
          %dma_start3A_49 = tpu.memref_slice %arg3[%add3A_27, %dma_start3A_48] : memref<2688x128xi32, #tpu.memory_space<hbm>> -> memref<40x128xi32, #tpu.memory_space<hbm>>
          %dma_start3A_50 = arith.constant 0 : i32
          %dma_start3A_51 = tpu.memref_slice %arg3[%add3A_27, %dma_start3A_50] : memref<2688x128xi32, #tpu.memory_space<hbm>> -> memref<40x128xi32, #tpu.memory_space<hbm>>
          tpu.enqueue_dma source(%dma_start3A_51 : memref<40x128xi32, #tpu.memory_space<hbm>>) target(%arg7 : memref<40x128xi32, #tpu.memory_space<vmem>>) target_semaphore(%run_scoped3A : memref<!tpu.dma_semaphore, #tpu.memory_space<semaphore_mem>>)
          %dma_wait3A = arith.constant 0 : i32
          %dma_wait3A_52 = tpu.memref_slice %arg3[%add3A_27, %dma_wait3A] : memref<2688x128xi32, #tpu.memory_space<hbm>> -> memref<40x128xi32, #tpu.memory_space<hbm>>
          %dma_wait3A_53 = arith.constant 0 : i32
          %dma_wait3A_54 = tpu.memref_slice %arg3[%add3A_27, %dma_wait3A_53] : memref<2688x128xi32, #tpu.memory_space<hbm>> -> memref<40x128xi32, #tpu.memory_space<hbm>>
          tpu.wait_dma2 semaphore(%run_scoped3A : memref<!tpu.dma_semaphore, #tpu.memory_space<semaphore_mem>>) src(%dma_wait3A_54 : memref<40x128xi32, #tpu.memory_space<hbm>>) dst(%arg7 : memref<40x128xi32, #tpu.memory_space<vmem>>)
          tpu.yield
        }) : () -> ()
        %mul3A_28 = arith.constant 40 : i32
        %mul3A_29 = arith.muli %scan3A_21, %mul3A_28 : i32
        %add3A_30 = arith.addi %select_n3A, %mul3A_29 : i32
        "tpu.region"() ({
          %run_scoped3A = tpu.sem_alloc : memref<!tpu.dma_semaphore, #tpu.memory_space<semaphore_mem>>
          %dma_start3A_48 = arith.constant 0 : i32
          %dma_start3A_49 = tpu.memref_slice %arg4[%add3A_30, %dma_start3A_48] : memref<2688x128xi32, #tpu.memory_space<hbm>> -> memref<40x128xi32, #tpu.memory_space<hbm>>
          %dma_start3A_50 = arith.constant 0 : i32
          %dma_start3A_51 = tpu.memref_slice %arg4[%add3A_30, %dma_start3A_50] : memref<2688x128xi32, #tpu.memory_space<hbm>> -> memref<40x128xi32, #tpu.memory_space<hbm>>
          tpu.enqueue_dma source(%dma_start3A_51 : memref<40x128xi32, #tpu.memory_space<hbm>>) target(%arg8 : memref<40x128xi32, #tpu.memory_space<vmem>>) target_semaphore(%run_scoped3A : memref<!tpu.dma_semaphore, #tpu.memory_space<semaphore_mem>>)
          %dma_wait3A = arith.constant 0 : i32
          %dma_wait3A_52 = tpu.memref_slice %arg4[%add3A_30, %dma_wait3A] : memref<2688x128xi32, #tpu.memory_space<hbm>> -> memref<40x128xi32, #tpu.memory_space<hbm>>
          %dma_wait3A_53 = arith.constant 0 : i32
          %dma_wait3A_54 = tpu.memref_slice %arg4[%add3A_30, %dma_wait3A_53] : memref<2688x128xi32, #tpu.memory_space<hbm>> -> memref<40x128xi32, #tpu.memory_space<hbm>>
          tpu.wait_dma2 semaphore(%run_scoped3A : memref<!tpu.dma_semaphore, #tpu.memory_space<semaphore_mem>>) src(%dma_wait3A_54 : memref<40x128xi32, #tpu.memory_space<hbm>>) dst(%arg8 : memref<40x128xi32, #tpu.memory_space<vmem>>)
          tpu.yield
        }) : () -> ()
        %dma_start3A = arith.constant 0 : i32
        %dma_start3A_31 = arith.constant 0 : i32
        %dma_start3A_32 = arith.constant 0 : i32
        %dma_start3A_33 = arith.constant 0 : i32
        %dma_start3A_34 = tpu.memref_slice %arg9[%dma_start3A_31, %dma_start3A_32, %dma_start3A_33] : memref<2x128x128xf32, #tpu.memory_space<vmem>> -> memref<1x128x128xf32, #tpu.memory_space<vmem>>
        %dma_start3A_35 = tpu.memref_squeeze %dma_start3A_34 : memref<1x128x128xf32, #tpu.memory_space<vmem>> -> memref<128x128xf32, #tpu.memory_space<vmem>>
        %dma_start3A_36 = arith.constant 0 : i32
        %dma_start3A_37 = tpu.memref_slice %arg7[%dma_start3A, %dma_start3A_36] : memref<40x128xi32, #tpu.memory_space<vmem>> -> memref<1x128xi32, #tpu.memory_space<vmem>>
        %dma_start3A_38 = tpu.memref_squeeze %dma_start3A_37 : memref<1x128xi32, #tpu.memory_space<vmem>> -> memref<128xi32, #tpu.memory_space<vmem>>
        %dma_start3A_39 = arith.constant 0 : i32
        %dma_start3A_40 = arith.constant 0 : i32
        %dma_start3A_41 = tpu.memref_slice %arg2[%dma_start3A_39, %dma_start3A_40] : memref<10240x128xf32, #tpu.memory_space<hbm>> -> memref<10240x128xf32, #tpu.memory_space<hbm>>
        tpu.enqueue_indirect_dma source(%dma_start3A_41 : memref<10240x128xf32, #tpu.memory_space<hbm>>) target(%dma_start3A_35 : memref<128x128xf32, #tpu.memory_space<vmem>>) offsets(%dma_start3A_38 : memref<128xi32, #tpu.memory_space<vmem>>) semaphore(%arg11 : memref<!tpu.dma_semaphore, #tpu.memory_space<semaphore_mem>>)
        %scan3A_42 = arith.constant 0 : i32
        %scan3A_43 = arith.constant 0 : i32
        %scan3A_44 = arith.constant 20 : i32
        %scan3A_45 = arith.addi %scan3A_43, %scan3A_44 : i32
        %scan3A_46 = arith.constant 1 : i32
        scf.for %scan3A_48 = %scan3A_43 to %scan3A_45 step %scan3A_46  : i32 {
          %mul3A_49 = arith.constant 2 : i32
          %mul3A_50 = arith.muli %mul3A_49, %scan3A_48 : i32
          %add3A_51 = arith.constant 1 : i32
          %add3A_52 = arith.addi %mul3A_50, %add3A_51 : i32
          %dma_start3A_53 = arith.constant 1 : i32
          %dma_start3A_54 = arith.constant 0 : i32
          %dma_start3A_55 = arith.constant 0 : i32
          %dma_start3A_56 = tpu.memref_slice %arg9[%dma_start3A_53, %dma_start3A_54, %dma_start3A_55] : memref<2x128x128xf32, #tpu.memory_space<vmem>> -> memref<1x128x128xf32, #tpu.memory_space<vmem>>
          %dma_start3A_57 = tpu.memref_squeeze %dma_start3A_56 : memref<1x128x128xf32, #tpu.memory_space<vmem>> -> memref<128x128xf32, #tpu.memory_space<vmem>>
          %dma_start3A_58 = arith.constant 0 : i32
          %dma_start3A_59 = tpu.memref_slice %arg7[%add3A_52, %dma_start3A_58] : memref<40x128xi32, #tpu.memory_space<vmem>> -> memref<1x128xi32, #tpu.memory_space<vmem>>
          %dma_start3A_60 = tpu.memref_squeeze %dma_start3A_59 : memref<1x128xi32, #tpu.memory_space<vmem>> -> memref<128xi32, #tpu.memory_space<vmem>>
          %dma_start3A_61 = arith.constant 0 : i32
          %dma_start3A_62 = arith.constant 0 : i32
          %dma_start3A_63 = tpu.memref_slice %arg2[%dma_start3A_61, %dma_start3A_62] : memref<10240x128xf32, #tpu.memory_space<hbm>> -> memref<10240x128xf32, #tpu.memory_space<hbm>>
          tpu.enqueue_indirect_dma source(%dma_start3A_63 : memref<10240x128xf32, #tpu.memory_space<hbm>>) target(%dma_start3A_57 : memref<128x128xf32, #tpu.memory_space<vmem>>) offsets(%dma_start3A_60 : memref<128xi32, #tpu.memory_space<vmem>>) semaphore(%arg12 : memref<!tpu.dma_semaphore, #tpu.memory_space<semaphore_mem>>)
          %dma_wait3A = arith.constant 0 : i32
          %dma_wait3A_64 = arith.constant 0 : i32
          %dma_wait3A_65 = arith.constant 0 : i32
          %dma_wait3A_66 = tpu.memref_slice %arg9[%dma_wait3A, %dma_wait3A_64, %dma_wait3A_65] : memref<2x128x128xf32, #tpu.memory_space<vmem>> -> memref<1x128x128xf32, #tpu.memory_space<vmem>>
          %dma_wait3A_67 = tpu.memref_squeeze %dma_wait3A_66 : memref<1x128x128xf32, #tpu.memory_space<vmem>> -> memref<128x128xf32, #tpu.memory_space<vmem>>
          %dma_wait3A_68 = arith.constant 0 : i32
          %dma_wait3A_69 = tpu.memref_slice %arg7[%mul3A_50, %dma_wait3A_68] : memref<40x128xi32, #tpu.memory_space<vmem>> -> memref<1x128xi32, #tpu.memory_space<vmem>>
          %dma_wait3A_70 = tpu.memref_squeeze %dma_wait3A_69 : memref<1x128xi32, #tpu.memory_space<vmem>> -> memref<128xi32, #tpu.memory_space<vmem>>
          %dma_wait3A_71 = arith.constant 0 : i32
          %dma_wait3A_72 = arith.constant 0 : i32
          %dma_wait3A_73 = tpu.memref_slice %arg2[%dma_wait3A_71, %dma_wait3A_72] : memref<10240x128xf32, #tpu.memory_space<hbm>> -> memref<10240x128xf32, #tpu.memory_space<hbm>>
          tpu.wait_indirect_dma semaphore(%arg11 : memref<!tpu.dma_semaphore, #tpu.memory_space<semaphore_mem>>) src(%dma_wait3A_73 : memref<10240x128xf32, #tpu.memory_space<hbm>>) dst(%dma_wait3A_67 : memref<128x128xf32, #tpu.memory_space<vmem>>)
          %run_scoped3A = arith.constant 0 : i32
          "tpu.region"() ({
            %run_scoped3A_93 = tpu.sem_alloc : memref<!tpu.dma_semaphore, #tpu.memory_space<semaphore_mem>>
            %dma_start3A_94 = arith.constant 0 : i32
            %dma_start3A_95 = arith.constant 0 : i32
            %dma_start3A_96 = tpu.memref_slice %arg9[%run_scoped3A, %dma_start3A_94, %dma_start3A_95] : memref<2x128x128xf32, #tpu.memory_space<vmem>> -> memref<1x128x128xf32, #tpu.memory_space<vmem>>
            %dma_start3A_97 = tpu.memref_squeeze %dma_start3A_96 : memref<1x128x128xf32, #tpu.memory_space<vmem>> -> memref<128x128xf32, #tpu.memory_space<vmem>>
            %dma_start3A_98 = arith.constant 0 : i32
            %dma_start3A_99 = tpu.memref_slice %arg8[%mul3A_50, %dma_start3A_98] : memref<40x128xi32, #tpu.memory_space<vmem>> -> memref<1x128xi32, #tpu.memory_space<vmem>>
            %dma_start3A_100 = tpu.memref_squeeze %dma_start3A_99 : memref<1x128xi32, #tpu.memory_space<vmem>> -> memref<128xi32, #tpu.memory_space<vmem>>
            %dma_start3A_101 = arith.constant 0 : i32
            %dma_start3A_102 = arith.constant 0 : i32
            %dma_start3A_103 = tpu.memref_slice %arg10[%dma_start3A_101, %dma_start3A_102] : memref<10240x128xf32, #tpu.memory_space<vmem_shared>> -> memref<10240x128xf32, #tpu.memory_space<vmem_shared>>
            tpu.enqueue_indirect_dma source(%dma_start3A_97 : memref<128x128xf32, #tpu.memory_space<vmem>>) target(%dma_start3A_103 : memref<10240x128xf32, #tpu.memory_space<vmem_shared>>) offsets(%dma_start3A_100 : memref<128xi32, #tpu.memory_space<vmem>>) semaphore(%run_scoped3A_93 : memref<!tpu.dma_semaphore, #tpu.memory_space<semaphore_mem>>) {add = true}
            %dma_wait3A_104 = arith.constant 0 : i32
            %dma_wait3A_105 = arith.constant 0 : i32
            %dma_wait3A_106 = tpu.memref_slice %arg9[%run_scoped3A, %dma_wait3A_104, %dma_wait3A_105] : memref<2x128x128xf32, #tpu.memory_space<vmem>> -> memref<1x128x128xf32, #tpu.memory_space<vmem>>
            %dma_wait3A_107 = tpu.memref_squeeze %dma_wait3A_106 : memref<1x128x128xf32, #tpu.memory_space<vmem>> -> memref<128x128xf32, #tpu.memory_space<vmem>>
            %dma_wait3A_108 = arith.constant 0 : i32
            %dma_wait3A_109 = tpu.memref_slice %arg8[%mul3A_50, %dma_wait3A_108] : memref<40x128xi32, #tpu.memory_space<vmem>> -> memref<1x128xi32, #tpu.memory_space<vmem>>
            %dma_wait3A_110 = tpu.memref_squeeze %dma_wait3A_109 : memref<1x128xi32, #tpu.memory_space<vmem>> -> memref<128xi32, #tpu.memory_space<vmem>>
            %dma_wait3A_111 = arith.constant 0 : i32
            %dma_wait3A_112 = arith.constant 0 : i32
            %dma_wait3A_113 = tpu.memref_slice %arg10[%dma_wait3A_111, %dma_wait3A_112] : memref<10240x128xf32, #tpu.memory_space<vmem_shared>> -> memref<10240x128xf32, #tpu.memory_space<vmem_shared>>
            tpu.wait_indirect_dma semaphore(%run_scoped3A_93 : memref<!tpu.dma_semaphore, #tpu.memory_space<semaphore_mem>>) src(%dma_wait3A_107 : memref<128x128xf32, #tpu.memory_space<vmem>>) dst(%dma_wait3A_113 : memref<10240x128xf32, #tpu.memory_space<vmem_shared>>)
            tpu.yield
          }) : () -> ()
          %add3A_74 = arith.constant 1 : i32
          %add3A_75 = arith.addi %scan3A_48, %add3A_74 : i32
          %lt3A_76 = arith.constant 20 : i32
          %lt3A_77 = arith.cmpi slt, %add3A_75, %lt3A_76 : i32
          %convert_element_type3A_78 = arith.extui %lt3A_77 : i1 to i32
          %cond3A_79 = arith.constant 0 : i32
          %cond3A_80 = arith.cmpi ne, %convert_element_type3A_78, %cond3A_79 : i32
          scf.if %cond3A_80 {
            %add3A_93 = arith.constant 2 : i32
            %add3A_94 = arith.addi %mul3A_50, %add3A_93 : i32
            %dma_start3A_95 = arith.constant 0 : i32
            %dma_start3A_96 = arith.constant 0 : i32
            %dma_start3A_97 = arith.constant 0 : i32
            %dma_start3A_98 = tpu.memref_slice %arg9[%dma_start3A_95, %dma_start3A_96, %dma_start3A_97] : memref<2x128x128xf32, #tpu.memory_space<vmem>> -> memref<1x128x128xf32, #tpu.memory_space<vmem>>
            %dma_start3A_99 = tpu.memref_squeeze %dma_start3A_98 : memref<1x128x128xf32, #tpu.memory_space<vmem>> -> memref<128x128xf32, #tpu.memory_space<vmem>>
            %dma_start3A_100 = arith.constant 0 : i32
            %dma_start3A_101 = tpu.memref_slice %arg7[%add3A_94, %dma_start3A_100] : memref<40x128xi32, #tpu.memory_space<vmem>> -> memref<1x128xi32, #tpu.memory_space<vmem>>
            %dma_start3A_102 = tpu.memref_squeeze %dma_start3A_101 : memref<1x128xi32, #tpu.memory_space<vmem>> -> memref<128xi32, #tpu.memory_space<vmem>>
            %dma_start3A_103 = arith.constant 0 : i32
            %dma_start3A_104 = arith.constant 0 : i32
            %dma_start3A_105 = tpu.memref_slice %arg2[%dma_start3A_103, %dma_start3A_104] : memref<10240x128xf32, #tpu.memory_space<hbm>> -> memref<10240x128xf32, #tpu.memory_space<hbm>>
            tpu.enqueue_indirect_dma source(%dma_start3A_105 : memref<10240x128xf32, #tpu.memory_space<hbm>>) target(%dma_start3A_99 : memref<128x128xf32, #tpu.memory_space<vmem>>) offsets(%dma_start3A_102 : memref<128xi32, #tpu.memory_space<vmem>>) semaphore(%arg11 : memref<!tpu.dma_semaphore, #tpu.memory_space<semaphore_mem>>)
          } else {
          }
          %dma_wait3A_81 = arith.constant 1 : i32
          %dma_wait3A_82 = arith.constant 0 : i32
          %dma_wait3A_83 = arith.constant 0 : i32
          %dma_wait3A_84 = tpu.memref_slice %arg9[%dma_wait3A_81, %dma_wait3A_82, %dma_wait3A_83] : memref<2x128x128xf32, #tpu.memory_space<vmem>> -> memref<1x128x128xf32, #tpu.memory_space<vmem>>
          %dma_wait3A_85 = tpu.memref_squeeze %dma_wait3A_84 : memref<1x128x128xf32, #tpu.memory_space<vmem>> -> memref<128x128xf32, #tpu.memory_space<vmem>>
          %dma_wait3A_86 = arith.constant 0 : i32
          %dma_wait3A_87 = tpu.memref_slice %arg7[%add3A_52, %dma_wait3A_86] : memref<40x128xi32, #tpu.memory_space<vmem>> -> memref<1x128xi32, #tpu.memory_space<vmem>>
          %dma_wait3A_88 = tpu.memref_squeeze %dma_wait3A_87 : memref<1x128xi32, #tpu.memory_space<vmem>> -> memref<128xi32, #tpu.memory_space<vmem>>
          %dma_wait3A_89 = arith.constant 0 : i32
          %dma_wait3A_90 = arith.constant 0 : i32
          %dma_wait3A_91 = tpu.memref_slice %arg2[%dma_wait3A_89, %dma_wait3A_90] : memref<10240x128xf32, #tpu.memory_space<hbm>> -> memref<10240x128xf32, #tpu.memory_space<hbm>>
          tpu.wait_indirect_dma semaphore(%arg12 : memref<!tpu.dma_semaphore, #tpu.memory_space<semaphore_mem>>) src(%dma_wait3A_91 : memref<10240x128xf32, #tpu.memory_space<hbm>>) dst(%dma_wait3A_85 : memref<128x128xf32, #tpu.memory_space<vmem>>)
          %run_scoped3A_92 = arith.constant 1 : i32
          "tpu.region"() ({
            %run_scoped3A_93 = tpu.sem_alloc : memref<!tpu.dma_semaphore, #tpu.memory_space<semaphore_mem>>
            %dma_start3A_94 = arith.constant 0 : i32
            %dma_start3A_95 = arith.constant 0 : i32
            %dma_start3A_96 = tpu.memref_slice %arg9[%run_scoped3A_92, %dma_start3A_94, %dma_start3A_95] : memref<2x128x128xf32, #tpu.memory_space<vmem>> -> memref<1x128x128xf32, #tpu.memory_space<vmem>>
            %dma_start3A_97 = tpu.memref_squeeze %dma_start3A_96 : memref<1x128x128xf32, #tpu.memory_space<vmem>> -> memref<128x128xf32, #tpu.memory_space<vmem>>
            %dma_start3A_98 = arith.constant 0 : i32
            %dma_start3A_99 = tpu.memref_slice %arg8[%add3A_52, %dma_start3A_98] : memref<40x128xi32, #tpu.memory_space<vmem>> -> memref<1x128xi32, #tpu.memory_space<vmem>>
            %dma_start3A_100 = tpu.memref_squeeze %dma_start3A_99 : memref<1x128xi32, #tpu.memory_space<vmem>> -> memref<128xi32, #tpu.memory_space<vmem>>
            %dma_start3A_101 = arith.constant 0 : i32
            %dma_start3A_102 = arith.constant 0 : i32
            %dma_start3A_103 = tpu.memref_slice %arg10[%dma_start3A_101, %dma_start3A_102] : memref<10240x128xf32, #tpu.memory_space<vmem_shared>> -> memref<10240x128xf32, #tpu.memory_space<vmem_shared>>
            tpu.enqueue_indirect_dma source(%dma_start3A_97 : memref<128x128xf32, #tpu.memory_space<vmem>>) target(%dma_start3A_103 : memref<10240x128xf32, #tpu.memory_space<vmem_shared>>) offsets(%dma_start3A_100 : memref<128xi32, #tpu.memory_space<vmem>>) semaphore(%run_scoped3A_93 : memref<!tpu.dma_semaphore, #tpu.memory_space<semaphore_mem>>) {add = true}
            %dma_wait3A_104 = arith.constant 0 : i32
            %dma_wait3A_105 = arith.constant 0 : i32
            %dma_wait3A_106 = tpu.memref_slice %arg9[%run_scoped3A_92, %dma_wait3A_104, %dma_wait3A_105] : memref<2x128x128xf32, #tpu.memory_space<vmem>> -> memref<1x128x128xf32, #tpu.memory_space<vmem>>
            %dma_wait3A_107 = tpu.memref_squeeze %dma_wait3A_106 : memref<1x128x128xf32, #tpu.memory_space<vmem>> -> memref<128x128xf32, #tpu.memory_space<vmem>>
            %dma_wait3A_108 = arith.constant 0 : i32
            %dma_wait3A_109 = tpu.memref_slice %arg8[%add3A_52, %dma_wait3A_108] : memref<40x128xi32, #tpu.memory_space<vmem>> -> memref<1x128xi32, #tpu.memory_space<vmem>>
            %dma_wait3A_110 = tpu.memref_squeeze %dma_wait3A_109 : memref<1x128xi32, #tpu.memory_space<vmem>> -> memref<128xi32, #tpu.memory_space<vmem>>
            %dma_wait3A_111 = arith.constant 0 : i32
            %dma_wait3A_112 = arith.constant 0 : i32
            %dma_wait3A_113 = tpu.memref_slice %arg10[%dma_wait3A_111, %dma_wait3A_112] : memref<10240x128xf32, #tpu.memory_space<vmem_shared>> -> memref<10240x128xf32, #tpu.memory_space<vmem_shared>>
            tpu.wait_indirect_dma semaphore(%run_scoped3A_93 : memref<!tpu.dma_semaphore, #tpu.memory_space<semaphore_mem>>) src(%dma_wait3A_107 : memref<128x128xf32, #tpu.memory_space<vmem>>) dst(%dma_wait3A_113 : memref<10240x128xf32, #tpu.memory_space<vmem_shared>>)
            tpu.yield
          }) : () -> ()
        }
        %scan3A_47 = arith.constant 20 : i32
      } else {
      }
    }
    %scan3A_15 = arith.constant 3 : i32
    %barrier3A_16 = arith.constant 0 : index
    tpu.barrier barrier_id(%barrier3A_16)
    %mul3A_17 = arith.constant 640 : i32
    %mul3A_18 = arith.muli %arg1, %mul3A_17 : i32
    %mul3A_19 = arith.constant 640 : i32
    %mul3A_20 = arith.muli %arg1, %mul3A_19 : i32
    "tpu.region"() ({
      %run_scoped3A = tpu.sem_alloc : memref<!tpu.dma_semaphore, #tpu.memory_space<semaphore_mem>>
      %dma_start3A = arith.constant 0 : i32
      %dma_start3A_21 = tpu.memref_slice %arg6[%arg0, %mul3A_20, %dma_start3A] : memref<2x10240x128xf32, #tpu.memory_space<hbm>> -> memref<1x640x128xf32, #tpu.memory_space<hbm>>
      %dma_start3A_22 = tpu.memref_squeeze %dma_start3A_21 : memref<1x640x128xf32, #tpu.memory_space<hbm>> -> memref<640x128xf32, #tpu.memory_space<hbm>>
      %dma_start3A_23 = arith.constant 0 : i32
      %dma_start3A_24 = tpu.memref_slice %arg10[%mul3A_18, %dma_start3A_23] : memref<10240x128xf32, #tpu.memory_space<vmem_shared>> -> memref<640x128xf32, #tpu.memory_space<vmem_shared>>
      tpu.enqueue_dma source(%dma_start3A_24 : memref<640x128xf32, #tpu.memory_space<vmem_shared>>) target(%dma_start3A_22 : memref<640x128xf32, #tpu.memory_space<hbm>>) target_semaphore(%run_scoped3A : memref<!tpu.dma_semaphore, #tpu.memory_space<semaphore_mem>>)
      %dma_wait3A = arith.constant 0 : i32
      %dma_wait3A_25 = tpu.memref_slice %arg6[%arg0, %mul3A_20, %dma_wait3A] : memref<2x10240x128xf32, #tpu.memory_space<hbm>> -> memref<1x640x128xf32, #tpu.memory_space<hbm>>
      %dma_wait3A_26 = tpu.memref_squeeze %dma_wait3A_25 : memref<1x640x128xf32, #tpu.memory_space<hbm>> -> memref<640x128xf32, #tpu.memory_space<hbm>>
      %dma_wait3A_27 = arith.constant 0 : i32
      %dma_wait3A_28 = tpu.memref_slice %arg10[%mul3A_18, %dma_wait3A_27] : memref<10240x128xf32, #tpu.memory_space<vmem_shared>> -> memref<640x128xf32, #tpu.memory_space<vmem_shared>>
      tpu.wait_dma2 semaphore(%run_scoped3A : memref<!tpu.dma_semaphore, #tpu.memory_space<semaphore_mem>>) src(%dma_wait3A_28 : memref<640x128xf32, #tpu.memory_space<vmem_shared>>) dst(%dma_wait3A_26 : memref<640x128xf32, #tpu.memory_space<hbm>>)
      tpu.yield
    }) : () -> ()
    return
  }
}

#map = affine_map<(d0, d1) -> (0, 0)>
#map1 = affine_map<(d0, d1) -> (0, 0, 0)>
module attributes {stable_mosaic.version = 14 : i64} {
  func.func @agg_kernel(%arg0: i32, %arg1: i32, %arg2: memref<10240x128xf32, #tpu.memory_space<hbm>>, %arg3: memref<2688x128xi32, #tpu.memory_space<hbm>>, %arg4: memref<2688x128xi32, #tpu.memory_space<hbm>>, %arg5: memref<640x128xf32, #tpu.memory_space<hbm>>, %arg6: memref<2x10240x128xf32, #tpu.memory_space<hbm>>, %arg7: memref<40x128xi32, #tpu.memory_space<vmem>>, %arg8: memref<40x128xi32, #tpu.memory_space<vmem>>, %arg9: memref<2x128x128xf32, #tpu.memory_space<vmem>>, %arg10: memref<10240x128xf32, #tpu.memory_space<vmem_shared>>, %arg11: memref<!tpu.dma_semaphore, #tpu.memory_space<semaphore_mem>>, %arg12: memref<!tpu.dma_semaphore, #tpu.memory_space<semaphore_mem>>) attributes {dimension_semantics = [#tpu.dimension_semantics<core_parallel>, #tpu.dimension_semantics<subcore_parallel>], iteration_bounds = array<i64: 2, 16>, scalar_prefetch = 0 : i64, scratch_operands = 6 : i64, tpu.core_type = #tpu.core_type<sc_vector_subcore>, window_params = [{transform_indices = #map}, {transform_indices = #map}, {transform_indices = #map}, {transform_indices = #map}, {transform_indices = #map1}]} {
    %eq3A = arith.constant 0 : i32
    %eq3A_0 = arith.cmpi eq, %arg0, %eq3A : i32
    %mul3A = arith.constant 120 : i32
    %mul3A_1 = arith.muli %arg1, %mul3A : i32
    %mul3A_2 = arith.constant 40 : i32
    %mul3A_3 = arith.muli %arg1, %mul3A_2 : i32
    %add3A = arith.constant 1920 : i32
    %add3A_4 = arith.addi %add3A, %mul3A_3 : i32
    %select_n3A = arith.select %eq3A_0, %mul3A_1, %add3A_4 : i32
    %eq3A_5 = arith.constant 0 : i32
    %eq3A_6 = arith.cmpi eq, %arg0, %eq3A_5 : i32
    %jit3A = arith.constant 120 : i32
    %jit3A_7 = arith.constant 40 : i32
    %select_n3A_8 = arith.select %eq3A_6, %jit3A, %jit3A_7 : i32
    %mul3A_9 = arith.constant 640 : i32
    %mul3A_10 = arith.muli %arg1, %mul3A_9 : i32
    "tpu.region"() ({
      %run_scoped3A = tpu.sem_alloc : memref<!tpu.dma_semaphore, #tpu.memory_space<semaphore_mem>>
      %dma_start3A = arith.constant 0 : i32
      %dma_start3A_21 = tpu.memref_slice %arg10[%mul3A_10, %dma_start3A] : memref<10240x128xf32, #tpu.memory_space<vmem_shared>> -> memref<640x128xf32, #tpu.memory_space<vmem_shared>>
      tpu.enqueue_dma source(%arg5 : memref<640x128xf32, #tpu.memory_space<hbm>>) target(%dma_start3A_21 : memref<640x128xf32, #tpu.memory_space<vmem_shared>>) target_semaphore(%run_scoped3A : memref<!tpu.dma_semaphore, #tpu.memory_space<semaphore_mem>>)
      %dma_wait3A = arith.constant 0 : i32
      %dma_wait3A_22 = tpu.memref_slice %arg10[%mul3A_10, %dma_wait3A] : memref<10240x128xf32, #tpu.memory_space<vmem_shared>> -> memref<640x128xf32, #tpu.memory_space<vmem_shared>>
      tpu.wait_dma2 semaphore(%run_scoped3A : memref<!tpu.dma_semaphore, #tpu.memory_space<semaphore_mem>>) src(%arg5 : memref<640x128xf32, #tpu.memory_space<hbm>>) dst(%dma_wait3A_22 : memref<640x128xf32, #tpu.memory_space<vmem_shared>>)
      tpu.yield
    }) : () -> ()
    %barrier3A = arith.constant 0 : index
    tpu.barrier barrier_id(%barrier3A)
    %scan3A = arith.constant 0 : i32
    %scan3A_11 = arith.constant 0 : i32
    %scan3A_12 = arith.constant 3 : i32
    %scan3A_13 = arith.addi %scan3A_11, %scan3A_12 : i32
    %scan3A_14 = arith.constant 1 : i32
    scf.for %scan3A_21 = %scan3A_11 to %scan3A_13 step %scan3A_14  : i32 {
      %mul3A_22 = arith.constant 40 : i32
      %mul3A_23 = arith.muli %scan3A_21, %mul3A_22 : i32
      %lt3A = arith.cmpi slt, %mul3A_23, %select_n3A_8 : i32
      %convert_element_type3A = arith.extui %lt3A : i1 to i32
      %cond3A = arith.constant 0 : i32
      %cond3A_24 = arith.cmpi ne, %convert_element_type3A, %cond3A : i32
      scf.if %cond3A_24 {
        %mul3A_25 = arith.constant 40 : i32
        %mul3A_26 = arith.muli %scan3A_21, %mul3A_25 : i32
        %add3A_27 = arith.addi %select_n3A, %mul3A_26 : i32
        "tpu.region"() ({
          %run_scoped3A = tpu.sem_alloc : memref<!tpu.dma_semaphore, #tpu.memory_space<semaphore_mem>>
          %dma_start3A_48 = arith.constant 0 : i32
          %dma_start3A_49 = tpu.memref_slice %arg3[%add3A_27, %dma_start3A_48] : memref<2688x128xi32, #tpu.memory_space<hbm>> -> memref<40x128xi32, #tpu.memory_space<hbm>>
          %dma_start3A_50 = arith.constant 0 : i32
          %dma_start3A_51 = tpu.memref_slice %arg3[%add3A_27, %dma_start3A_50] : memref<2688x128xi32, #tpu.memory_space<hbm>> -> memref<40x128xi32, #tpu.memory_space<hbm>>
          tpu.enqueue_dma source(%dma_start3A_51 : memref<40x128xi32, #tpu.memory_space<hbm>>) target(%arg7 : memref<40x128xi32, #tpu.memory_space<vmem>>) target_semaphore(%run_scoped3A : memref<!tpu.dma_semaphore, #tpu.memory_space<semaphore_mem>>)
          %dma_wait3A = arith.constant 0 : i32
          %dma_wait3A_52 = tpu.memref_slice %arg3[%add3A_27, %dma_wait3A] : memref<2688x128xi32, #tpu.memory_space<hbm>> -> memref<40x128xi32, #tpu.memory_space<hbm>>
          %dma_wait3A_53 = arith.constant 0 : i32
          %dma_wait3A_54 = tpu.memref_slice %arg3[%add3A_27, %dma_wait3A_53] : memref<2688x128xi32, #tpu.memory_space<hbm>> -> memref<40x128xi32, #tpu.memory_space<hbm>>
          tpu.wait_dma2 semaphore(%run_scoped3A : memref<!tpu.dma_semaphore, #tpu.memory_space<semaphore_mem>>) src(%dma_wait3A_54 : memref<40x128xi32, #tpu.memory_space<hbm>>) dst(%arg7 : memref<40x128xi32, #tpu.memory_space<vmem>>)
          tpu.yield
        }) : () -> ()
        %mul3A_28 = arith.constant 40 : i32
        %mul3A_29 = arith.muli %scan3A_21, %mul3A_28 : i32
        %add3A_30 = arith.addi %select_n3A, %mul3A_29 : i32
        "tpu.region"() ({
          %run_scoped3A = tpu.sem_alloc : memref<!tpu.dma_semaphore, #tpu.memory_space<semaphore_mem>>
          %dma_start3A_48 = arith.constant 0 : i32
          %dma_start3A_49 = tpu.memref_slice %arg4[%add3A_30, %dma_start3A_48] : memref<2688x128xi32, #tpu.memory_space<hbm>> -> memref<40x128xi32, #tpu.memory_space<hbm>>
          %dma_start3A_50 = arith.constant 0 : i32
          %dma_start3A_51 = tpu.memref_slice %arg4[%add3A_30, %dma_start3A_50] : memref<2688x128xi32, #tpu.memory_space<hbm>> -> memref<40x128xi32, #tpu.memory_space<hbm>>
          tpu.enqueue_dma source(%dma_start3A_51 : memref<40x128xi32, #tpu.memory_space<hbm>>) target(%arg8 : memref<40x128xi32, #tpu.memory_space<vmem>>) target_semaphore(%run_scoped3A : memref<!tpu.dma_semaphore, #tpu.memory_space<semaphore_mem>>)
          %dma_wait3A = arith.constant 0 : i32
          %dma_wait3A_52 = tpu.memref_slice %arg4[%add3A_30, %dma_wait3A] : memref<2688x128xi32, #tpu.memory_space<hbm>> -> memref<40x128xi32, #tpu.memory_space<hbm>>
          %dma_wait3A_53 = arith.constant 0 : i32
          %dma_wait3A_54 = tpu.memref_slice %arg4[%add3A_30, %dma_wait3A_53] : memref<2688x128xi32, #tpu.memory_space<hbm>> -> memref<40x128xi32, #tpu.memory_space<hbm>>
          tpu.wait_dma2 semaphore(%run_scoped3A : memref<!tpu.dma_semaphore, #tpu.memory_space<semaphore_mem>>) src(%dma_wait3A_54 : memref<40x128xi32, #tpu.memory_space<hbm>>) dst(%arg8 : memref<40x128xi32, #tpu.memory_space<vmem>>)
          tpu.yield
        }) : () -> ()
        %dma_start3A = arith.constant 0 : i32
        %dma_start3A_31 = arith.constant 0 : i32
        %dma_start3A_32 = arith.constant 0 : i32
        %dma_start3A_33 = arith.constant 0 : i32
        %dma_start3A_34 = tpu.memref_slice %arg9[%dma_start3A_31, %dma_start3A_32, %dma_start3A_33] : memref<2x128x128xf32, #tpu.memory_space<vmem>> -> memref<1x128x128xf32, #tpu.memory_space<vmem>>
        %dma_start3A_35 = tpu.memref_squeeze %dma_start3A_34 : memref<1x128x128xf32, #tpu.memory_space<vmem>> -> memref<128x128xf32, #tpu.memory_space<vmem>>
        %dma_start3A_36 = arith.constant 0 : i32
        %dma_start3A_37 = tpu.memref_slice %arg7[%dma_start3A, %dma_start3A_36] : memref<40x128xi32, #tpu.memory_space<vmem>> -> memref<1x128xi32, #tpu.memory_space<vmem>>
        %dma_start3A_38 = tpu.memref_squeeze %dma_start3A_37 : memref<1x128xi32, #tpu.memory_space<vmem>> -> memref<128xi32, #tpu.memory_space<vmem>>
        %dma_start3A_39 = arith.constant 0 : i32
        %dma_start3A_40 = arith.constant 0 : i32
        %dma_start3A_41 = tpu.memref_slice %arg2[%dma_start3A_39, %dma_start3A_40] : memref<10240x128xf32, #tpu.memory_space<hbm>> -> memref<10240x128xf32, #tpu.memory_space<hbm>>
        tpu.enqueue_indirect_dma source(%dma_start3A_41 : memref<10240x128xf32, #tpu.memory_space<hbm>>) target(%dma_start3A_35 : memref<128x128xf32, #tpu.memory_space<vmem>>) offsets(%dma_start3A_38 : memref<128xi32, #tpu.memory_space<vmem>>) semaphore(%arg11 : memref<!tpu.dma_semaphore, #tpu.memory_space<semaphore_mem>>)
        %scan3A_42 = arith.constant 0 : i32
        %scan3A_43 = arith.constant 0 : i32
        %scan3A_44 = arith.constant 20 : i32
        %scan3A_45 = arith.addi %scan3A_43, %scan3A_44 : i32
        %scan3A_46 = arith.constant 1 : i32
        scf.for %scan3A_48 = %scan3A_43 to %scan3A_45 step %scan3A_46  : i32 {
          %mul3A_49 = arith.constant 2 : i32
          %mul3A_50 = arith.muli %mul3A_49, %scan3A_48 : i32
          %add3A_51 = arith.constant 1 : i32
          %add3A_52 = arith.addi %mul3A_50, %add3A_51 : i32
          %dma_start3A_53 = arith.constant 1 : i32
          %dma_start3A_54 = arith.constant 0 : i32
          %dma_start3A_55 = arith.constant 0 : i32
          %dma_start3A_56 = tpu.memref_slice %arg9[%dma_start3A_53, %dma_start3A_54, %dma_start3A_55] : memref<2x128x128xf32, #tpu.memory_space<vmem>> -> memref<1x128x128xf32, #tpu.memory_space<vmem>>
          %dma_start3A_57 = tpu.memref_squeeze %dma_start3A_56 : memref<1x128x128xf32, #tpu.memory_space<vmem>> -> memref<128x128xf32, #tpu.memory_space<vmem>>
          %dma_start3A_58 = arith.constant 0 : i32
          %dma_start3A_59 = tpu.memref_slice %arg7[%add3A_52, %dma_start3A_58] : memref<40x128xi32, #tpu.memory_space<vmem>> -> memref<1x128xi32, #tpu.memory_space<vmem>>
          %dma_start3A_60 = tpu.memref_squeeze %dma_start3A_59 : memref<1x128xi32, #tpu.memory_space<vmem>> -> memref<128xi32, #tpu.memory_space<vmem>>
          %dma_start3A_61 = arith.constant 0 : i32
          %dma_start3A_62 = arith.constant 0 : i32
          %dma_start3A_63 = tpu.memref_slice %arg2[%dma_start3A_61, %dma_start3A_62] : memref<10240x128xf32, #tpu.memory_space<hbm>> -> memref<10240x128xf32, #tpu.memory_space<hbm>>
          tpu.enqueue_indirect_dma source(%dma_start3A_63 : memref<10240x128xf32, #tpu.memory_space<hbm>>) target(%dma_start3A_57 : memref<128x128xf32, #tpu.memory_space<vmem>>) offsets(%dma_start3A_60 : memref<128xi32, #tpu.memory_space<vmem>>) semaphore(%arg12 : memref<!tpu.dma_semaphore, #tpu.memory_space<semaphore_mem>>)
          %dma_wait3A = arith.constant 0 : i32
          %dma_wait3A_64 = arith.constant 0 : i32
          %dma_wait3A_65 = arith.constant 0 : i32
          %dma_wait3A_66 = tpu.memref_slice %arg9[%dma_wait3A, %dma_wait3A_64, %dma_wait3A_65] : memref<2x128x128xf32, #tpu.memory_space<vmem>> -> memref<1x128x128xf32, #tpu.memory_space<vmem>>
          %dma_wait3A_67 = tpu.memref_squeeze %dma_wait3A_66 : memref<1x128x128xf32, #tpu.memory_space<vmem>> -> memref<128x128xf32, #tpu.memory_space<vmem>>
          %dma_wait3A_68 = arith.constant 0 : i32
          %dma_wait3A_69 = tpu.memref_slice %arg7[%mul3A_50, %dma_wait3A_68] : memref<40x128xi32, #tpu.memory_space<vmem>> -> memref<1x128xi32, #tpu.memory_space<vmem>>
          %dma_wait3A_70 = tpu.memref_squeeze %dma_wait3A_69 : memref<1x128xi32, #tpu.memory_space<vmem>> -> memref<128xi32, #tpu.memory_space<vmem>>
          %dma_wait3A_71 = arith.constant 0 : i32
          %dma_wait3A_72 = arith.constant 0 : i32
          %dma_wait3A_73 = tpu.memref_slice %arg2[%dma_wait3A_71, %dma_wait3A_72] : memref<10240x128xf32, #tpu.memory_space<hbm>> -> memref<10240x128xf32, #tpu.memory_space<hbm>>
          tpu.wait_indirect_dma semaphore(%arg11 : memref<!tpu.dma_semaphore, #tpu.memory_space<semaphore_mem>>) src(%dma_wait3A_73 : memref<10240x128xf32, #tpu.memory_space<hbm>>) dst(%dma_wait3A_67 : memref<128x128xf32, #tpu.memory_space<vmem>>)
          %run_scoped3A = arith.constant 0 : i32
          "tpu.region"() ({
            %run_scoped3A_93 = tpu.sem_alloc : memref<!tpu.dma_semaphore, #tpu.memory_space<semaphore_mem>>
            %dma_start3A_94 = arith.constant 0 : i32
            %dma_start3A_95 = arith.constant 0 : i32
            %dma_start3A_96 = tpu.memref_slice %arg9[%run_scoped3A, %dma_start3A_94, %dma_start3A_95] : memref<2x128x128xf32, #tpu.memory_space<vmem>> -> memref<1x128x128xf32, #tpu.memory_space<vmem>>
            %dma_start3A_97 = tpu.memref_squeeze %dma_start3A_96 : memref<1x128x128xf32, #tpu.memory_space<vmem>> -> memref<128x128xf32, #tpu.memory_space<vmem>>
            %dma_start3A_98 = arith.constant 0 : i32
            %dma_start3A_99 = tpu.memref_slice %arg8[%mul3A_50, %dma_start3A_98] : memref<40x128xi32, #tpu.memory_space<vmem>> -> memref<1x128xi32, #tpu.memory_space<vmem>>
            %dma_start3A_100 = tpu.memref_squeeze %dma_start3A_99 : memref<1x128xi32, #tpu.memory_space<vmem>> -> memref<128xi32, #tpu.memory_space<vmem>>
            %dma_start3A_101 = arith.constant 0 : i32
            %dma_start3A_102 = arith.constant 0 : i32
            %dma_start3A_103 = tpu.memref_slice %arg10[%dma_start3A_101, %dma_start3A_102] : memref<10240x128xf32, #tpu.memory_space<vmem_shared>> -> memref<10240x128xf32, #tpu.memory_space<vmem_shared>>
            tpu.enqueue_indirect_dma source(%dma_start3A_97 : memref<128x128xf32, #tpu.memory_space<vmem>>) target(%dma_start3A_103 : memref<10240x128xf32, #tpu.memory_space<vmem_shared>>) offsets(%dma_start3A_100 : memref<128xi32, #tpu.memory_space<vmem>>) semaphore(%run_scoped3A_93 : memref<!tpu.dma_semaphore, #tpu.memory_space<semaphore_mem>>) {add = true}
            %dma_wait3A_104 = arith.constant 0 : i32
            %dma_wait3A_105 = arith.constant 0 : i32
            %dma_wait3A_106 = tpu.memref_slice %arg9[%run_scoped3A, %dma_wait3A_104, %dma_wait3A_105] : memref<2x128x128xf32, #tpu.memory_space<vmem>> -> memref<1x128x128xf32, #tpu.memory_space<vmem>>
            %dma_wait3A_107 = tpu.memref_squeeze %dma_wait3A_106 : memref<1x128x128xf32, #tpu.memory_space<vmem>> -> memref<128x128xf32, #tpu.memory_space<vmem>>
            %dma_wait3A_108 = arith.constant 0 : i32
            %dma_wait3A_109 = tpu.memref_slice %arg8[%mul3A_50, %dma_wait3A_108] : memref<40x128xi32, #tpu.memory_space<vmem>> -> memref<1x128xi32, #tpu.memory_space<vmem>>
            %dma_wait3A_110 = tpu.memref_squeeze %dma_wait3A_109 : memref<1x128xi32, #tpu.memory_space<vmem>> -> memref<128xi32, #tpu.memory_space<vmem>>
            %dma_wait3A_111 = arith.constant 0 : i32
            %dma_wait3A_112 = arith.constant 0 : i32
            %dma_wait3A_113 = tpu.memref_slice %arg10[%dma_wait3A_111, %dma_wait3A_112] : memref<10240x128xf32, #tpu.memory_space<vmem_shared>> -> memref<10240x128xf32, #tpu.memory_space<vmem_shared>>
            tpu.wait_indirect_dma semaphore(%run_scoped3A_93 : memref<!tpu.dma_semaphore, #tpu.memory_space<semaphore_mem>>) src(%dma_wait3A_107 : memref<128x128xf32, #tpu.memory_space<vmem>>) dst(%dma_wait3A_113 : memref<10240x128xf32, #tpu.memory_space<vmem_shared>>)
            tpu.yield
          }) : () -> ()
          %add3A_74 = arith.constant 1 : i32
          %add3A_75 = arith.addi %scan3A_48, %add3A_74 : i32
          %lt3A_76 = arith.constant 20 : i32
          %lt3A_77 = arith.cmpi slt, %add3A_75, %lt3A_76 : i32
          %convert_element_type3A_78 = arith.extui %lt3A_77 : i1 to i32
          %cond3A_79 = arith.constant 0 : i32
          %cond3A_80 = arith.cmpi ne, %convert_element_type3A_78, %cond3A_79 : i32
          scf.if %cond3A_80 {
            %add3A_93 = arith.constant 2 : i32
            %add3A_94 = arith.addi %mul3A_50, %add3A_93 : i32
            %dma_start3A_95 = arith.constant 0 : i32
            %dma_start3A_96 = arith.constant 0 : i32
            %dma_start3A_97 = arith.constant 0 : i32
            %dma_start3A_98 = tpu.memref_slice %arg9[%dma_start3A_95, %dma_start3A_96, %dma_start3A_97] : memref<2x128x128xf32, #tpu.memory_space<vmem>> -> memref<1x128x128xf32, #tpu.memory_space<vmem>>
            %dma_start3A_99 = tpu.memref_squeeze %dma_start3A_98 : memref<1x128x128xf32, #tpu.memory_space<vmem>> -> memref<128x128xf32, #tpu.memory_space<vmem>>
            %dma_start3A_100 = arith.constant 0 : i32
            %dma_start3A_101 = tpu.memref_slice %arg7[%add3A_94, %dma_start3A_100] : memref<40x128xi32, #tpu.memory_space<vmem>> -> memref<1x128xi32, #tpu.memory_space<vmem>>
            %dma_start3A_102 = tpu.memref_squeeze %dma_start3A_101 : memref<1x128xi32, #tpu.memory_space<vmem>> -> memref<128xi32, #tpu.memory_space<vmem>>
            %dma_start3A_103 = arith.constant 0 : i32
            %dma_start3A_104 = arith.constant 0 : i32
            %dma_start3A_105 = tpu.memref_slice %arg2[%dma_start3A_103, %dma_start3A_104] : memref<10240x128xf32, #tpu.memory_space<hbm>> -> memref<10240x128xf32, #tpu.memory_space<hbm>>
            tpu.enqueue_indirect_dma source(%dma_start3A_105 : memref<10240x128xf32, #tpu.memory_space<hbm>>) target(%dma_start3A_99 : memref<128x128xf32, #tpu.memory_space<vmem>>) offsets(%dma_start3A_102 : memref<128xi32, #tpu.memory_space<vmem>>) semaphore(%arg11 : memref<!tpu.dma_semaphore, #tpu.memory_space<semaphore_mem>>)
          } else {
          }
          %dma_wait3A_81 = arith.constant 1 : i32
          %dma_wait3A_82 = arith.constant 0 : i32
          %dma_wait3A_83 = arith.constant 0 : i32
          %dma_wait3A_84 = tpu.memref_slice %arg9[%dma_wait3A_81, %dma_wait3A_82, %dma_wait3A_83] : memref<2x128x128xf32, #tpu.memory_space<vmem>> -> memref<1x128x128xf32, #tpu.memory_space<vmem>>
          %dma_wait3A_85 = tpu.memref_squeeze %dma_wait3A_84 : memref<1x128x128xf32, #tpu.memory_space<vmem>> -> memref<128x128xf32, #tpu.memory_space<vmem>>
          %dma_wait3A_86 = arith.constant 0 : i32
          %dma_wait3A_87 = tpu.memref_slice %arg7[%add3A_52, %dma_wait3A_86] : memref<40x128xi32, #tpu.memory_space<vmem>> -> memref<1x128xi32, #tpu.memory_space<vmem>>
          %dma_wait3A_88 = tpu.memref_squeeze %dma_wait3A_87 : memref<1x128xi32, #tpu.memory_space<vmem>> -> memref<128xi32, #tpu.memory_space<vmem>>
          %dma_wait3A_89 = arith.constant 0 : i32
          %dma_wait3A_90 = arith.constant 0 : i32
          %dma_wait3A_91 = tpu.memref_slice %arg2[%dma_wait3A_89, %dma_wait3A_90] : memref<10240x128xf32, #tpu.memory_space<hbm>> -> memref<10240x128xf32, #tpu.memory_space<hbm>>
          tpu.wait_indirect_dma semaphore(%arg12 : memref<!tpu.dma_semaphore, #tpu.memory_space<semaphore_mem>>) src(%dma_wait3A_91 : memref<10240x128xf32, #tpu.memory_space<hbm>>) dst(%dma_wait3A_85 : memref<128x128xf32, #tpu.memory_space<vmem>>)
          %run_scoped3A_92 = arith.constant 1 : i32
          "tpu.region"() ({
            %run_scoped3A_93 = tpu.sem_alloc : memref<!tpu.dma_semaphore, #tpu.memory_space<semaphore_mem>>
            %dma_start3A_94 = arith.constant 0 : i32
            %dma_start3A_95 = arith.constant 0 : i32
            %dma_start3A_96 = tpu.memref_slice %arg9[%run_scoped3A_92, %dma_start3A_94, %dma_start3A_95] : memref<2x128x128xf32, #tpu.memory_space<vmem>> -> memref<1x128x128xf32, #tpu.memory_space<vmem>>
            %dma_start3A_97 = tpu.memref_squeeze %dma_start3A_96 : memref<1x128x128xf32, #tpu.memory_space<vmem>> -> memref<128x128xf32, #tpu.memory_space<vmem>>
            %dma_start3A_98 = arith.constant 0 : i32
            %dma_start3A_99 = tpu.memref_slice %arg8[%add3A_52, %dma_start3A_98] : memref<40x128xi32, #tpu.memory_space<vmem>> -> memref<1x128xi32, #tpu.memory_space<vmem>>
            %dma_start3A_100 = tpu.memref_squeeze %dma_start3A_99 : memref<1x128xi32, #tpu.memory_space<vmem>> -> memref<128xi32, #tpu.memory_space<vmem>>
            %dma_start3A_101 = arith.constant 0 : i32
            %dma_start3A_102 = arith.constant 0 : i32
            %dma_start3A_103 = tpu.memref_slice %arg10[%dma_start3A_101, %dma_start3A_102] : memref<10240x128xf32, #tpu.memory_space<vmem_shared>> -> memref<10240x128xf32, #tpu.memory_space<vmem_shared>>
            tpu.enqueue_indirect_dma source(%dma_start3A_97 : memref<128x128xf32, #tpu.memory_space<vmem>>) target(%dma_start3A_103 : memref<10240x128xf32, #tpu.memory_space<vmem_shared>>) offsets(%dma_start3A_100 : memref<128xi32, #tpu.memory_space<vmem>>) semaphore(%run_scoped3A_93 : memref<!tpu.dma_semaphore, #tpu.memory_space<semaphore_mem>>) {add = true}
            %dma_wait3A_104 = arith.constant 0 : i32
            %dma_wait3A_105 = arith.constant 0 : i32
            %dma_wait3A_106 = tpu.memref_slice %arg9[%run_scoped3A_92, %dma_wait3A_104, %dma_wait3A_105] : memref<2x128x128xf32, #tpu.memory_space<vmem>> -> memref<1x128x128xf32, #tpu.memory_space<vmem>>
            %dma_wait3A_107 = tpu.memref_squeeze %dma_wait3A_106 : memref<1x128x128xf32, #tpu.memory_space<vmem>> -> memref<128x128xf32, #tpu.memory_space<vmem>>
            %dma_wait3A_108 = arith.constant 0 : i32
            %dma_wait3A_109 = tpu.memref_slice %arg8[%add3A_52, %dma_wait3A_108] : memref<40x128xi32, #tpu.memory_space<vmem>> -> memref<1x128xi32, #tpu.memory_space<vmem>>
            %dma_wait3A_110 = tpu.memref_squeeze %dma_wait3A_109 : memref<1x128xi32, #tpu.memory_space<vmem>> -> memref<128xi32, #tpu.memory_space<vmem>>
            %dma_wait3A_111 = arith.constant 0 : i32
            %dma_wait3A_112 = arith.constant 0 : i32
            %dma_wait3A_113 = tpu.memref_slice %arg10[%dma_wait3A_111, %dma_wait3A_112] : memref<10240x128xf32, #tpu.memory_space<vmem_shared>> -> memref<10240x128xf32, #tpu.memory_space<vmem_shared>>
            tpu.wait_indirect_dma semaphore(%run_scoped3A_93 : memref<!tpu.dma_semaphore, #tpu.memory_space<semaphore_mem>>) src(%dma_wait3A_107 : memref<128x128xf32, #tpu.memory_space<vmem>>) dst(%dma_wait3A_113 : memref<10240x128xf32, #tpu.memory_space<vmem_shared>>)
            tpu.yield
          }) : () -> ()
        }
        %scan3A_47 = arith.constant 20 : i32
      } else {
      }
    }
    %scan3A_15 = arith.constant 3 : i32
    %barrier3A_16 = arith.constant 0 : index
    tpu.barrier barrier_id(%barrier3A_16)
    %mul3A_17 = arith.constant 640 : i32
    %mul3A_18 = arith.muli %arg1, %mul3A_17 : i32
    %mul3A_19 = arith.constant 640 : i32
    %mul3A_20 = arith.muli %arg1, %mul3A_19 : i32
    "tpu.region"() ({
      %run_scoped3A = tpu.sem_alloc : memref<!tpu.dma_semaphore, #tpu.memory_space<semaphore_mem>>
      %dma_start3A = arith.constant 0 : i32
      %dma_start3A_21 = tpu.memref_slice %arg6[%arg0, %mul3A_20, %dma_start3A] : memref<2x10240x128xf32, #tpu.memory_space<hbm>> -> memref<1x640x128xf32, #tpu.memory_space<hbm>>
      %dma_start3A_22 = tpu.memref_squeeze %dma_start3A_21 : memref<1x640x128xf32, #tpu.memory_space<hbm>> -> memref<640x128xf32, #tpu.memory_space<hbm>>
      %dma_start3A_23 = arith.constant 0 : i32
      %dma_start3A_24 = tpu.memref_slice %arg10[%mul3A_18, %dma_start3A_23] : memref<10240x128xf32, #tpu.memory_space<vmem_shared>> -> memref<640x128xf32, #tpu.memory_space<vmem_shared>>
      tpu.enqueue_dma source(%dma_start3A_24 : memref<640x128xf32, #tpu.memory_space<vmem_shared>>) target(%dma_start3A_22 : memref<640x128xf32, #tpu.memory_space<hbm>>) target_semaphore(%run_scoped3A : memref<!tpu.dma_semaphore, #tpu.memory_space<semaphore_mem>>)
      %dma_wait3A = arith.constant 0 : i32
      %dma_wait3A_25 = tpu.memref_slice %arg6[%arg0, %mul3A_20, %dma_wait3A] : memref<2x10240x128xf32, #tpu.memory_space<hbm>> -> memref<1x640x128xf32, #tpu.memory_space<hbm>>
      %dma_wait3A_26 = tpu.memref_squeeze %dma_wait3A_25 : memref<1x640x128xf32, #tpu.memory_space<hbm>> -> memref<640x128xf32, #tpu.memory_space<hbm>>
      %dma_wait3A_27 = arith.constant 0 : i32
      %dma_wait3A_28 = tpu.memref_slice %arg10[%mul3A_18, %dma_wait3A_27] : memref<10240x128xf32, #tpu.memory_space<vmem_shared>> -> memref<640x128xf32, #tpu.memory_space<vmem_shared>>
      tpu.wait_dma2 semaphore(%run_scoped3A : memref<!tpu.dma_semaphore, #tpu.memory_space<semaphore_mem>>) src(%dma_wait3A_28 : memref<640x128xf32, #tpu.memory_space<vmem_shared>>) dst(%dma_wait3A_26 : memref<640x128xf32, #tpu.memory_space<hbm>>)
      tpu.yield
    }) : () -> ()
    return
  }
}

#map = affine_map<(d0, d1) -> (0, 0)>
module attributes {stable_mosaic.version = 14 : i64} {
  func.func @edge_kernel(%arg0: i32, %arg1: i32, %arg2: memref<10240x128xf32, #tpu.memory_space<hbm>>, %arg3: memref<10240x128xf32, #tpu.memory_space<hbm>>, %arg4: memref<2688x128xi32, #tpu.memory_space<hbm>>, %arg5: memref<2688x128xi32, #tpu.memory_space<hbm>>, %arg6: memref<327680x128xf32, #tpu.memory_space<hbm>>, %arg7: memref<327680x128xf32, #tpu.memory_space<hbm>>, %arg8: memref<120x128xi32, #tpu.memory_space<vmem>>, %arg9: memref<120x128xi32, #tpu.memory_space<vmem>>, %arg10: memref<2x128x128xf32, #tpu.memory_space<vmem>>, %arg11: memref<2x128x128xf32, #tpu.memory_space<vmem>>, %arg12: memref<!tpu.dma_semaphore, #tpu.memory_space<semaphore_mem>>, %arg13: memref<!tpu.dma_semaphore, #tpu.memory_space<semaphore_mem>>, %arg14: memref<!tpu.dma_semaphore, #tpu.memory_space<semaphore_mem>>, %arg15: memref<!tpu.dma_semaphore, #tpu.memory_space<semaphore_mem>>, %arg16: memref<!tpu.dma_semaphore, #tpu.memory_space<semaphore_mem>>, %arg17: memref<!tpu.dma_semaphore, #tpu.memory_space<semaphore_mem>>, %arg18: memref<!tpu.dma_semaphore, #tpu.memory_space<semaphore_mem>>, %arg19: memref<!tpu.dma_semaphore, #tpu.memory_space<semaphore_mem>>) attributes {dimension_semantics = [#tpu.dimension_semantics<core_parallel>, #tpu.dimension_semantics<subcore_parallel>], iteration_bounds = array<i64: 2, 16>, scalar_prefetch = 0 : i64, scratch_operands = 12 : i64, tpu.core_type = #tpu.core_type<sc_vector_subcore>, window_params = [{transform_indices = #map}, {transform_indices = #map}, {transform_indices = #map}, {transform_indices = #map}, {transform_indices = #map}, {transform_indices = #map}]} {
    %eq3A = arith.constant 0 : i32
    %eq3A_0 = arith.cmpi eq, %arg0, %eq3A : i32
    %mul3A = arith.constant 120 : i32
    %mul3A_1 = arith.muli %arg1, %mul3A : i32
    %mul3A_2 = arith.constant 40 : i32
    %mul3A_3 = arith.muli %arg1, %mul3A_2 : i32
    %add3A = arith.constant 1920 : i32
    %add3A_4 = arith.addi %add3A, %mul3A_3 : i32
    %select_n3A = arith.select %eq3A_0, %mul3A_1, %add3A_4 : i32
    %eq3A_5 = arith.constant 0 : i32
    %eq3A_6 = arith.cmpi eq, %arg0, %eq3A_5 : i32
    %jit3A = arith.constant 120 : i32
    %jit3A_7 = arith.constant 40 : i32
    %select_n3A_8 = arith.select %eq3A_6, %jit3A, %jit3A_7 : i32
    %mul3A_9 = arith.constant 128 : i32
    %mul3A_10 = arith.muli %select_n3A, %mul3A_9 : i32
    "tpu.region"() ({
      %run_scoped3A = tpu.sem_alloc : memref<!tpu.dma_semaphore, #tpu.memory_space<semaphore_mem>>
      %dma_start3A = arith.constant 0 : i32
      %dma_start3A_45 = tpu.memref_slice %arg4[%select_n3A, %dma_start3A] : memref<2688x128xi32, #tpu.memory_space<hbm>> -> memref<120x128xi32, #tpu.memory_space<hbm>>
      %dma_start3A_46 = arith.constant 0 : i32
      %dma_start3A_47 = tpu.memref_slice %arg4[%select_n3A, %dma_start3A_46] : memref<2688x128xi32, #tpu.memory_space<hbm>> -> memref<120x128xi32, #tpu.memory_space<hbm>>
      tpu.enqueue_dma source(%dma_start3A_47 : memref<120x128xi32, #tpu.memory_space<hbm>>) target(%arg8 : memref<120x128xi32, #tpu.memory_space<vmem>>) target_semaphore(%run_scoped3A : memref<!tpu.dma_semaphore, #tpu.memory_space<semaphore_mem>>)
      %dma_wait3A = arith.constant 0 : i32
      %dma_wait3A_48 = tpu.memref_slice %arg4[%select_n3A, %dma_wait3A] : memref<2688x128xi32, #tpu.memory_space<hbm>> -> memref<120x128xi32, #tpu.memory_space<hbm>>
      %dma_wait3A_49 = arith.constant 0 : i32
      %dma_wait3A_50 = tpu.memref_slice %arg4[%select_n3A, %dma_wait3A_49] : memref<2688x128xi32, #tpu.memory_space<hbm>> -> memref<120x128xi32, #tpu.memory_space<hbm>>
      tpu.wait_dma2 semaphore(%run_scoped3A : memref<!tpu.dma_semaphore, #tpu.memory_space<semaphore_mem>>) src(%dma_wait3A_50 : memref<120x128xi32, #tpu.memory_space<hbm>>) dst(%arg8 : memref<120x128xi32, #tpu.memory_space<vmem>>)
      tpu.yield
    }) : () -> ()
    "tpu.region"() ({
      %run_scoped3A = tpu.sem_alloc : memref<!tpu.dma_semaphore, #tpu.memory_space<semaphore_mem>>
      %dma_start3A = arith.constant 0 : i32
      %dma_start3A_45 = tpu.memref_slice %arg5[%select_n3A, %dma_start3A] : memref<2688x128xi32, #tpu.memory_space<hbm>> -> memref<120x128xi32, #tpu.memory_space<hbm>>
      %dma_start3A_46 = arith.constant 0 : i32
      %dma_start3A_47 = tpu.memref_slice %arg5[%select_n3A, %dma_start3A_46] : memref<2688x128xi32, #tpu.memory_space<hbm>> -> memref<120x128xi32, #tpu.memory_space<hbm>>
      tpu.enqueue_dma source(%dma_start3A_47 : memref<120x128xi32, #tpu.memory_space<hbm>>) target(%arg9 : memref<120x128xi32, #tpu.memory_space<vmem>>) target_semaphore(%run_scoped3A : memref<!tpu.dma_semaphore, #tpu.memory_space<semaphore_mem>>)
      %dma_wait3A = arith.constant 0 : i32
      %dma_wait3A_48 = tpu.memref_slice %arg5[%select_n3A, %dma_wait3A] : memref<2688x128xi32, #tpu.memory_space<hbm>> -> memref<120x128xi32, #tpu.memory_space<hbm>>
      %dma_wait3A_49 = arith.constant 0 : i32
      %dma_wait3A_50 = tpu.memref_slice %arg5[%select_n3A, %dma_wait3A_49] : memref<2688x128xi32, #tpu.memory_space<hbm>> -> memref<120x128xi32, #tpu.memory_space<hbm>>
      tpu.wait_dma2 semaphore(%run_scoped3A : memref<!tpu.dma_semaphore, #tpu.memory_space<semaphore_mem>>) src(%dma_wait3A_50 : memref<120x128xi32, #tpu.memory_space<hbm>>) dst(%arg9 : memref<120x128xi32, #tpu.memory_space<vmem>>)
      tpu.yield
    }) : () -> ()
    %gt3A = arith.constant 0 : i32
    %gt3A_11 = arith.cmpi sgt, %select_n3A_8, %gt3A : i32
    %convert_element_type3A = arith.extui %gt3A_11 : i1 to i32
    %cond3A = arith.constant 0 : i32
    %cond3A_12 = arith.cmpi ne, %convert_element_type3A, %cond3A : i32
    scf.if %cond3A_12 {
      %dma_start3A = arith.constant 0 : i32
      %dma_start3A_45 = arith.constant 0 : i32
      %dma_start3A_46 = arith.constant 0 : i32
      %dma_start3A_47 = arith.constant 0 : i32
      %dma_start3A_48 = tpu.memref_slice %arg10[%dma_start3A_45, %dma_start3A_46, %dma_start3A_47] : memref<2x128x128xf32, #tpu.memory_space<vmem>> -> memref<1x128x128xf32, #tpu.memory_space<vmem>>
      %dma_start3A_49 = tpu.memref_squeeze %dma_start3A_48 : memref<1x128x128xf32, #tpu.memory_space<vmem>> -> memref<128x128xf32, #tpu.memory_space<vmem>>
      %dma_start3A_50 = arith.constant 0 : i32
      %dma_start3A_51 = tpu.memref_slice %arg8[%dma_start3A, %dma_start3A_50] : memref<120x128xi32, #tpu.memory_space<vmem>> -> memref<1x128xi32, #tpu.memory_space<vmem>>
      %dma_start3A_52 = tpu.memref_squeeze %dma_start3A_51 : memref<1x128xi32, #tpu.memory_space<vmem>> -> memref<128xi32, #tpu.memory_space<vmem>>
      %dma_start3A_53 = arith.constant 0 : i32
      %dma_start3A_54 = arith.constant 0 : i32
      %dma_start3A_55 = tpu.memref_slice %arg2[%dma_start3A_53, %dma_start3A_54] : memref<10240x128xf32, #tpu.memory_space<hbm>> -> memref<10240x128xf32, #tpu.memory_space<hbm>>
      tpu.enqueue_indirect_dma source(%dma_start3A_55 : memref<10240x128xf32, #tpu.memory_space<hbm>>) target(%dma_start3A_49 : memref<128x128xf32, #tpu.memory_space<vmem>>) offsets(%dma_start3A_52 : memref<128xi32, #tpu.memory_space<vmem>>) semaphore(%arg12 : memref<!tpu.dma_semaphore, #tpu.memory_space<semaphore_mem>>)
      %dma_start3A_56 = arith.constant 0 : i32
      %dma_start3A_57 = arith.constant 0 : i32
      %dma_start3A_58 = arith.constant 0 : i32
      %dma_start3A_59 = arith.constant 0 : i32
      %dma_start3A_60 = tpu.memref_slice %arg11[%dma_start3A_57, %dma_start3A_58, %dma_start3A_59] : memref<2x128x128xf32, #tpu.memory_space<vmem>> -> memref<1x128x128xf32, #tpu.memory_space<vmem>>
      %dma_start3A_61 = tpu.memref_squeeze %dma_start3A_60 : memref<1x128x128xf32, #tpu.memory_space<vmem>> -> memref<128x128xf32, #tpu.memory_space<vmem>>
      %dma_start3A_62 = arith.constant 0 : i32
      %dma_start3A_63 = tpu.memref_slice %arg9[%dma_start3A_56, %dma_start3A_62] : memref<120x128xi32, #tpu.memory_space<vmem>> -> memref<1x128xi32, #tpu.memory_space<vmem>>
      %dma_start3A_64 = tpu.memref_squeeze %dma_start3A_63 : memref<1x128xi32, #tpu.memory_space<vmem>> -> memref<128xi32, #tpu.memory_space<vmem>>
      %dma_start3A_65 = arith.constant 0 : i32
      %dma_start3A_66 = arith.constant 0 : i32
      %dma_start3A_67 = tpu.memref_slice %arg3[%dma_start3A_65, %dma_start3A_66] : memref<10240x128xf32, #tpu.memory_space<hbm>> -> memref<10240x128xf32, #tpu.memory_space<hbm>>
      tpu.enqueue_indirect_dma source(%dma_start3A_67 : memref<10240x128xf32, #tpu.memory_space<hbm>>) target(%dma_start3A_61 : memref<128x128xf32, #tpu.memory_space<vmem>>) offsets(%dma_start3A_64 : memref<128xi32, #tpu.memory_space<vmem>>) semaphore(%arg13 : memref<!tpu.dma_semaphore, #tpu.memory_space<semaphore_mem>>)
      %dma_start3A_68 = arith.constant 1 : i32
      %dma_start3A_69 = arith.constant 1 : i32
      %dma_start3A_70 = arith.constant 0 : i32
      %dma_start3A_71 = arith.constant 0 : i32
      %dma_start3A_72 = tpu.memref_slice %arg10[%dma_start3A_69, %dma_start3A_70, %dma_start3A_71] : memref<2x128x128xf32, #tpu.memory_space<vmem>> -> memref<1x128x128xf32, #tpu.memory_space<vmem>>
      %dma_start3A_73 = tpu.memref_squeeze %dma_start3A_72 : memref<1x128x128xf32, #tpu.memory_space<vmem>> -> memref<128x128xf32, #tpu.memory_space<vmem>>
      %dma_start3A_74 = arith.constant 0 : i32
      %dma_start3A_75 = tpu.memref_slice %arg8[%dma_start3A_68, %dma_start3A_74] : memref<120x128xi32, #tpu.memory_space<vmem>> -> memref<1x128xi32, #tpu.memory_space<vmem>>
      %dma_start3A_76 = tpu.memref_squeeze %dma_start3A_75 : memref<1x128xi32, #tpu.memory_space<vmem>> -> memref<128xi32, #tpu.memory_space<vmem>>
      %dma_start3A_77 = arith.constant 0 : i32
      %dma_start3A_78 = arith.constant 0 : i32
      %dma_start3A_79 = tpu.memref_slice %arg2[%dma_start3A_77, %dma_start3A_78] : memref<10240x128xf32, #tpu.memory_space<hbm>> -> memref<10240x128xf32, #tpu.memory_space<hbm>>
      tpu.enqueue_indirect_dma source(%dma_start3A_79 : memref<10240x128xf32, #tpu.memory_space<hbm>>) target(%dma_start3A_73 : memref<128x128xf32, #tpu.memory_space<vmem>>) offsets(%dma_start3A_76 : memref<128xi32, #tpu.memory_space<vmem>>) semaphore(%arg14 : memref<!tpu.dma_semaphore, #tpu.memory_space<semaphore_mem>>)
      %dma_start3A_80 = arith.constant 1 : i32
      %dma_start3A_81 = arith.constant 1 : i32
      %dma_start3A_82 = arith.constant 0 : i32
      %dma_start3A_83 = arith.constant 0 : i32
      %dma_start3A_84 = tpu.memref_slice %arg11[%dma_start3A_81, %dma_start3A_82, %dma_start3A_83] : memref<2x128x128xf32, #tpu.memory_space<vmem>> -> memref<1x128x128xf32, #tpu.memory_space<vmem>>
      %dma_start3A_85 = tpu.memref_squeeze %dma_start3A_84 : memref<1x128x128xf32, #tpu.memory_space<vmem>> -> memref<128x128xf32, #tpu.memory_space<vmem>>
      %dma_start3A_86 = arith.constant 0 : i32
      %dma_start3A_87 = tpu.memref_slice %arg9[%dma_start3A_80, %dma_start3A_86] : memref<120x128xi32, #tpu.memory_space<vmem>> -> memref<1x128xi32, #tpu.memory_space<vmem>>
      %dma_start3A_88 = tpu.memref_squeeze %dma_start3A_87 : memref<1x128xi32, #tpu.memory_space<vmem>> -> memref<128xi32, #tpu.memory_space<vmem>>
      %dma_start3A_89 = arith.constant 0 : i32
      %dma_start3A_90 = arith.constant 0 : i32
      %dma_start3A_91 = tpu.memref_slice %arg3[%dma_start3A_89, %dma_start3A_90] : memref<10240x128xf32, #tpu.memory_space<hbm>> -> memref<10240x128xf32, #tpu.memory_space<hbm>>
      tpu.enqueue_indirect_dma source(%dma_start3A_91 : memref<10240x128xf32, #tpu.memory_space<hbm>>) target(%dma_start3A_85 : memref<128x128xf32, #tpu.memory_space<vmem>>) offsets(%dma_start3A_88 : memref<128xi32, #tpu.memory_space<vmem>>) semaphore(%arg15 : memref<!tpu.dma_semaphore, #tpu.memory_space<semaphore_mem>>)
    } else {
    }
    %jit3A_13 = arith.constant 2 : i32
    %div3A = arith.divsi %select_n3A_8, %jit3A_13 : i32
    %sign3A = arith.constant 0 : i32
    %sign3A_14 = arith.cmpi sgt, %select_n3A_8, %sign3A : i32
    %sign3A_15 = arith.extui %sign3A_14 : i1 to i32
    %sign3A_16 = arith.constant 0 : i32
    %sign3A_17 = arith.cmpi slt, %select_n3A_8, %sign3A_16 : i32
    %sign3A_18 = arith.extui %sign3A_17 : i1 to i32
    %sign3A_19 = arith.subi %sign3A_15, %sign3A_18 : i32
    %sign3A_20 = arith.constant 0 : i32
    %sign3A_21 = arith.cmpi sgt, %jit3A_13, %sign3A_20 : i32
    %sign3A_22 = arith.extui %sign3A_21 : i1 to i32
    %sign3A_23 = arith.constant 0 : i32
    %sign3A_24 = arith.cmpi slt, %jit3A_13, %sign3A_23 : i32
    %sign3A_25 = arith.extui %sign3A_24 : i1 to i32
    %sign3A_26 = arith.subi %sign3A_22, %sign3A_25 : i32
    %ne3A = arith.cmpi ne, %sign3A_19, %sign3A_26 : i32
    %rem3A = arith.remsi %select_n3A_8, %jit3A_13 : i32
    %ne3A_27 = arith.constant 0 : i32
    %ne3A_28 = arith.cmpi ne, %rem3A, %ne3A_27 : i32
    %and3A = arith.andi %ne3A, %ne3A_28 : i1
    %sub3A = arith.constant 1 : i32
    %sub3A_29 = arith.subi %div3A, %sub3A : i32
    %select_n3A_30 = arith.select %and3A, %sub3A_29, %div3A : i32
    %while3A = arith.constant 0 : i32
    %while3A_31 = arith.constant 0 : i32
    %while3A_32 = arith.subi %select_n3A_30, %while3A_31 : i32
    %while3A_33 = arith.addi %while3A_31, %while3A_32 : i32
    %while3A_34 = arith.constant 1 : i32
    %while3A_35 = arith.divsi %while3A_32, %while3A_34 : i32
    %while3A_36 = arith.muli %while3A_35, %while3A_34 : i32
    %while3A_37 = arith.addi %while3A_31, %while3A_36 : i32
    %while3A_38 = arith.constant 1 : i32
    scf.for %while3A_45 = %while3A_31 to %while3A_37 step %while3A_38  : i32 {
      %mul3A_46 = arith.constant 2 : i32
      %mul3A_47 = arith.muli %mul3A_46, %while3A_45 : i32
      %add3A_48 = arith.constant 1 : i32
      %add3A_49 = arith.addi %mul3A_47, %add3A_48 : i32
      %dma_wait3A = arith.constant 0 : i32
      %dma_wait3A_50 = arith.constant 0 : i32
      %dma_wait3A_51 = arith.constant 0 : i32
      %dma_wait3A_52 = tpu.memref_slice %arg10[%dma_wait3A, %dma_wait3A_50, %dma_wait3A_51] : memref<2x128x128xf32, #tpu.memory_space<vmem>> -> memref<1x128x128xf32, #tpu.memory_space<vmem>>
      %dma_wait3A_53 = tpu.memref_squeeze %dma_wait3A_52 : memref<1x128x128xf32, #tpu.memory_space<vmem>> -> memref<128x128xf32, #tpu.memory_space<vmem>>
      %dma_wait3A_54 = arith.constant 0 : i32
      %dma_wait3A_55 = tpu.memref_slice %arg8[%mul3A_47, %dma_wait3A_54] : memref<120x128xi32, #tpu.memory_space<vmem>> -> memref<1x128xi32, #tpu.memory_space<vmem>>
      %dma_wait3A_56 = tpu.memref_squeeze %dma_wait3A_55 : memref<1x128xi32, #tpu.memory_space<vmem>> -> memref<128xi32, #tpu.memory_space<vmem>>
      %dma_wait3A_57 = arith.constant 0 : i32
      %dma_wait3A_58 = arith.constant 0 : i32
      %dma_wait3A_59 = tpu.memref_slice %arg2[%dma_wait3A_57, %dma_wait3A_58] : memref<10240x128xf32, #tpu.memory_space<hbm>> -> memref<10240x128xf32, #tpu.memory_space<hbm>>
      tpu.wait_indirect_dma semaphore(%arg12 : memref<!tpu.dma_semaphore, #tpu.memory_space<semaphore_mem>>) src(%dma_wait3A_59 : memref<10240x128xf32, #tpu.memory_space<hbm>>) dst(%dma_wait3A_53 : memref<128x128xf32, #tpu.memory_space<vmem>>)
      %mul3A_60 = arith.constant 128 : i32
      %mul3A_61 = arith.muli %mul3A_47, %mul3A_60 : i32
      %add3A_62 = arith.addi %mul3A_10, %mul3A_61 : i32
      %dma_start3A = arith.constant 0 : i32
      %dma_start3A_63 = arith.constant 0 : i32
      %dma_start3A_64 = arith.constant 0 : i32
      %dma_start3A_65 = tpu.memref_slice %arg10[%dma_start3A, %dma_start3A_63, %dma_start3A_64] : memref<2x128x128xf32, #tpu.memory_space<vmem>> -> memref<1x128x128xf32, #tpu.memory_space<vmem>>
      %dma_start3A_66 = tpu.memref_squeeze %dma_start3A_65 : memref<1x128x128xf32, #tpu.memory_space<vmem>> -> memref<128x128xf32, #tpu.memory_space<vmem>>
      %dma_start3A_67 = arith.constant 0 : i32
      %dma_start3A_68 = tpu.memref_slice %arg6[%add3A_62, %dma_start3A_67] : memref<327680x128xf32, #tpu.memory_space<hbm>> -> memref<128x128xf32, #tpu.memory_space<hbm>>
      %dma_start3A_69 = arith.constant 0 : i32
      %dma_start3A_70 = tpu.memref_slice %arg6[%add3A_62, %dma_start3A_69] : memref<327680x128xf32, #tpu.memory_space<hbm>> -> memref<128x128xf32, #tpu.memory_space<hbm>>
      %dma_start3A_71 = arith.constant 0 : i32
      %dma_start3A_72 = arith.constant 0 : i32
      %dma_start3A_73 = tpu.memref_slice %arg10[%dma_start3A, %dma_start3A_71, %dma_start3A_72] : memref<2x128x128xf32, #tpu.memory_space<vmem>> -> memref<1x128x128xf32, #tpu.memory_space<vmem>>
      %dma_start3A_74 = tpu.memref_squeeze %dma_start3A_73 : memref<1x128x128xf32, #tpu.memory_space<vmem>> -> memref<128x128xf32, #tpu.memory_space<vmem>>
      tpu.enqueue_dma source(%dma_start3A_74 : memref<128x128xf32, #tpu.memory_space<vmem>>) target(%dma_start3A_70 : memref<128x128xf32, #tpu.memory_space<hbm>>) target_semaphore(%arg16 : memref<!tpu.dma_semaphore, #tpu.memory_space<semaphore_mem>>)
      %dma_wait3A_75 = arith.constant 0 : i32
      %dma_wait3A_76 = arith.constant 0 : i32
      %dma_wait3A_77 = arith.constant 0 : i32
      %dma_wait3A_78 = tpu.memref_slice %arg11[%dma_wait3A_75, %dma_wait3A_76, %dma_wait3A_77] : memref<2x128x128xf32, #tpu.memory_space<vmem>> -> memref<1x128x128xf32, #tpu.memory_space<vmem>>
      %dma_wait3A_79 = tpu.memref_squeeze %dma_wait3A_78 : memref<1x128x128xf32, #tpu.memory_space<vmem>> -> memref<128x128xf32, #tpu.memory_space<vmem>>
      %dma_wait3A_80 = arith.constant 0 : i32
      %dma_wait3A_81 = tpu.memref_slice %arg9[%mul3A_47, %dma_wait3A_80] : memref<120x128xi32, #tpu.memory_space<vmem>> -> memref<1x128xi32, #tpu.memory_space<vmem>>
      %dma_wait3A_82 = tpu.memref_squeeze %dma_wait3A_81 : memref<1x128xi32, #tpu.memory_space<vmem>> -> memref<128xi32, #tpu.memory_space<vmem>>
      %dma_wait3A_83 = arith.constant 0 : i32
      %dma_wait3A_84 = arith.constant 0 : i32
      %dma_wait3A_85 = tpu.memref_slice %arg3[%dma_wait3A_83, %dma_wait3A_84] : memref<10240x128xf32, #tpu.memory_space<hbm>> -> memref<10240x128xf32, #tpu.memory_space<hbm>>
      tpu.wait_indirect_dma semaphore(%arg13 : memref<!tpu.dma_semaphore, #tpu.memory_space<semaphore_mem>>) src(%dma_wait3A_85 : memref<10240x128xf32, #tpu.memory_space<hbm>>) dst(%dma_wait3A_79 : memref<128x128xf32, #tpu.memory_space<vmem>>)
      %mul3A_86 = arith.constant 128 : i32
      %mul3A_87 = arith.muli %mul3A_47, %mul3A_86 : i32
      %add3A_88 = arith.addi %mul3A_10, %mul3A_87 : i32
      %dma_start3A_89 = arith.constant 0 : i32
      %dma_start3A_90 = arith.constant 0 : i32
      %dma_start3A_91 = arith.constant 0 : i32
      %dma_start3A_92 = tpu.memref_slice %arg11[%dma_start3A_89, %dma_start3A_90, %dma_start3A_91] : memref<2x128x128xf32, #tpu.memory_space<vmem>> -> memref<1x128x128xf32, #tpu.memory_space<vmem>>
      %dma_start3A_93 = tpu.memref_squeeze %dma_start3A_92 : memref<1x128x128xf32, #tpu.memory_space<vmem>> -> memref<128x128xf32, #tpu.memory_space<vmem>>
      %dma_start3A_94 = arith.constant 0 : i32
      %dma_start3A_95 = tpu.memref_slice %arg7[%add3A_88, %dma_start3A_94] : memref<327680x128xf32, #tpu.memory_space<hbm>> -> memref<128x128xf32, #tpu.memory_space<hbm>>
      %dma_start3A_96 = arith.constant 0 : i32
      %dma_start3A_97 = tpu.memref_slice %arg7[%add3A_88, %dma_start3A_96] : memref<327680x128xf32, #tpu.memory_space<hbm>> -> memref<128x128xf32, #tpu.memory_space<hbm>>
      %dma_start3A_98 = arith.constant 0 : i32
      %dma_start3A_99 = arith.constant 0 : i32
      %dma_start3A_100 = tpu.memref_slice %arg11[%dma_start3A_89, %dma_start3A_98, %dma_start3A_99] : memref<2x128x128xf32, #tpu.memory_space<vmem>> -> memref<1x128x128xf32, #tpu.memory_space<vmem>>
      %dma_start3A_101 = tpu.memref_squeeze %dma_start3A_100 : memref<1x128x128xf32, #tpu.memory_space<vmem>> -> memref<128x128xf32, #tpu.memory_space<vmem>>
      tpu.enqueue_dma source(%dma_start3A_101 : memref<128x128xf32, #tpu.memory_space<vmem>>) target(%dma_start3A_97 : memref<128x128xf32, #tpu.memory_space<hbm>>) target_semaphore(%arg18 : memref<!tpu.dma_semaphore, #tpu.memory_space<semaphore_mem>>)
      %dma_wait3A_102 = arith.constant 1 : i32
      %dma_wait3A_103 = arith.constant 0 : i32
      %dma_wait3A_104 = arith.constant 0 : i32
      %dma_wait3A_105 = tpu.memref_slice %arg10[%dma_wait3A_102, %dma_wait3A_103, %dma_wait3A_104] : memref<2x128x128xf32, #tpu.memory_space<vmem>> -> memref<1x128x128xf32, #tpu.memory_space<vmem>>
      %dma_wait3A_106 = tpu.memref_squeeze %dma_wait3A_105 : memref<1x128x128xf32, #tpu.memory_space<vmem>> -> memref<128x128xf32, #tpu.memory_space<vmem>>
      %dma_wait3A_107 = arith.constant 0 : i32
      %dma_wait3A_108 = tpu.memref_slice %arg8[%add3A_49, %dma_wait3A_107] : memref<120x128xi32, #tpu.memory_space<vmem>> -> memref<1x128xi32, #tpu.memory_space<vmem>>
      %dma_wait3A_109 = tpu.memref_squeeze %dma_wait3A_108 : memref<1x128xi32, #tpu.memory_space<vmem>> -> memref<128xi32, #tpu.memory_space<vmem>>
      %dma_wait3A_110 = arith.constant 0 : i32
      %dma_wait3A_111 = arith.constant 0 : i32
      %dma_wait3A_112 = tpu.memref_slice %arg2[%dma_wait3A_110, %dma_wait3A_111] : memref<10240x128xf32, #tpu.memory_space<hbm>> -> memref<10240x128xf32, #tpu.memory_space<hbm>>
      tpu.wait_indirect_dma semaphore(%arg14 : memref<!tpu.dma_semaphore, #tpu.memory_space<semaphore_mem>>) src(%dma_wait3A_112 : memref<10240x128xf32, #tpu.memory_space<hbm>>) dst(%dma_wait3A_106 : memref<128x128xf32, #tpu.memory_space<vmem>>)
      %mul3A_113 = arith.constant 128 : i32
      %mul3A_114 = arith.muli %add3A_49, %mul3A_113 : i32
      %add3A_115 = arith.addi %mul3A_10, %mul3A_114 : i32
      %dma_start3A_116 = arith.constant 1 : i32
      %dma_start3A_117 = arith.constant 0 : i32
      %dma_start3A_118 = arith.constant 0 : i32
      %dma_start3A_119 = tpu.memref_slice %arg10[%dma_start3A_116, %dma_start3A_117, %dma_start3A_118] : memref<2x128x128xf32, #tpu.memory_space<vmem>> -> memref<1x128x128xf32, #tpu.memory_space<vmem>>
      %dma_start3A_120 = tpu.memref_squeeze %dma_start3A_119 : memref<1x128x128xf32, #tpu.memory_space<vmem>> -> memref<128x128xf32, #tpu.memory_space<vmem>>
      %dma_start3A_121 = arith.constant 0 : i32
      %dma_start3A_122 = tpu.memref_slice %arg6[%add3A_115, %dma_start3A_121] : memref<327680x128xf32, #tpu.memory_space<hbm>> -> memref<128x128xf32, #tpu.memory_space<hbm>>
      %dma_start3A_123 = arith.constant 0 : i32
      %dma_start3A_124 = tpu.memref_slice %arg6[%add3A_115, %dma_start3A_123] : memref<327680x128xf32, #tpu.memory_space<hbm>> -> memref<128x128xf32, #tpu.memory_space<hbm>>
      %dma_start3A_125 = arith.constant 0 : i32
      %dma_start3A_126 = arith.constant 0 : i32
      %dma_start3A_127 = tpu.memref_slice %arg10[%dma_start3A_116, %dma_start3A_125, %dma_start3A_126] : memref<2x128x128xf32, #tpu.memory_space<vmem>> -> memref<1x128x128xf32, #tpu.memory_space<vmem>>
      %dma_start3A_128 = tpu.memref_squeeze %dma_start3A_127 : memref<1x128x128xf32, #tpu.memory_space<vmem>> -> memref<128x128xf32, #tpu.memory_space<vmem>>
      tpu.enqueue_dma source(%dma_start3A_128 : memref<128x128xf32, #tpu.memory_space<vmem>>) target(%dma_start3A_124 : memref<128x128xf32, #tpu.memory_space<hbm>>) target_semaphore(%arg17 : memref<!tpu.dma_semaphore, #tpu.memory_space<semaphore_mem>>)
      %dma_wait3A_129 = arith.constant 1 : i32
      %dma_wait3A_130 = arith.constant 0 : i32
      %dma_wait3A_131 = arith.constant 0 : i32
      %dma_wait3A_132 = tpu.memref_slice %arg11[%dma_wait3A_129, %dma_wait3A_130, %dma_wait3A_131] : memref<2x128x128xf32, #tpu.memory_space<vmem>> -> memref<1x128x128xf32, #tpu.memory_space<vmem>>
      %dma_wait3A_133 = tpu.memref_squeeze %dma_wait3A_132 : memref<1x128x128xf32, #tpu.memory_space<vmem>> -> memref<128x128xf32, #tpu.memory_space<vmem>>
      %dma_wait3A_134 = arith.constant 0 : i32
      %dma_wait3A_135 = tpu.memref_slice %arg9[%add3A_49, %dma_wait3A_134] : memref<120x128xi32, #tpu.memory_space<vmem>> -> memref<1x128xi32, #tpu.memory_space<vmem>>
      %dma_wait3A_136 = tpu.memref_squeeze %dma_wait3A_135 : memref<1x128xi32, #tpu.memory_space<vmem>> -> memref<128xi32, #tpu.memory_space<vmem>>
      %dma_wait3A_137 = arith.constant 0 : i32
      %dma_wait3A_138 = arith.constant 0 : i32
      %dma_wait3A_139 = tpu.memref_slice %arg3[%dma_wait3A_137, %dma_wait3A_138] : memref<10240x128xf32, #tpu.memory_space<hbm>> -> memref<10240x128xf32, #tpu.memory_space<hbm>>
      tpu.wait_indirect_dma semaphore(%arg15 : memref<!tpu.dma_semaphore, #tpu.memory_space<semaphore_mem>>) src(%dma_wait3A_139 : memref<10240x128xf32, #tpu.memory_space<hbm>>) dst(%dma_wait3A_133 : memref<128x128xf32, #tpu.memory_space<vmem>>)
      %mul3A_140 = arith.constant 128 : i32
      %mul3A_141 = arith.muli %add3A_49, %mul3A_140 : i32
      %add3A_142 = arith.addi %mul3A_10, %mul3A_141 : i32
      %dma_start3A_143 = arith.constant 1 : i32
      %dma_start3A_144 = arith.constant 0 : i32
      %dma_start3A_145 = arith.constant 0 : i32
      %dma_start3A_146 = tpu.memref_slice %arg11[%dma_start3A_143, %dma_start3A_144, %dma_start3A_145] : memref<2x128x128xf32, #tpu.memory_space<vmem>> -> memref<1x128x128xf32, #tpu.memory_space<vmem>>
      %dma_start3A_147 = tpu.memref_squeeze %dma_start3A_146 : memref<1x128x128xf32, #tpu.memory_space<vmem>> -> memref<128x128xf32, #tpu.memory_space<vmem>>
      %dma_start3A_148 = arith.constant 0 : i32
      %dma_start3A_149 = tpu.memref_slice %arg7[%add3A_142, %dma_start3A_148] : memref<327680x128xf32, #tpu.memory_space<hbm>> -> memref<128x128xf32, #tpu.memory_space<hbm>>
      %dma_start3A_150 = arith.constant 0 : i32
      %dma_start3A_151 = tpu.memref_slice %arg7[%add3A_142, %dma_start3A_150] : memref<327680x128xf32, #tpu.memory_space<hbm>> -> memref<128x128xf32, #tpu.memory_space<hbm>>
      %dma_start3A_152 = arith.constant 0 : i32
      %dma_start3A_153 = arith.constant 0 : i32
      %dma_start3A_154 = tpu.memref_slice %arg11[%dma_start3A_143, %dma_start3A_152, %dma_start3A_153] : memref<2x128x128xf32, #tpu.memory_space<vmem>> -> memref<1x128x128xf32, #tpu.memory_space<vmem>>
      %dma_start3A_155 = tpu.memref_squeeze %dma_start3A_154 : memref<1x128x128xf32, #tpu.memory_space<vmem>> -> memref<128x128xf32, #tpu.memory_space<vmem>>
      tpu.enqueue_dma source(%dma_start3A_155 : memref<128x128xf32, #tpu.memory_space<vmem>>) target(%dma_start3A_151 : memref<128x128xf32, #tpu.memory_space<hbm>>) target_semaphore(%arg19 : memref<!tpu.dma_semaphore, #tpu.memory_space<semaphore_mem>>)
      %add3A_156 = arith.constant 1 : i32
      %add3A_157 = arith.addi %while3A_45, %add3A_156 : i32
      %jit3A_158 = arith.constant 2 : i32
      %div3A_159 = arith.divsi %select_n3A_8, %jit3A_158 : i32
      %sign3A_160 = arith.constant 0 : i32
      %sign3A_161 = arith.cmpi sgt, %select_n3A_8, %sign3A_160 : i32
      %sign3A_162 = arith.extui %sign3A_161 : i1 to i32
      %sign3A_163 = arith.constant 0 : i32
      %sign3A_164 = arith.cmpi slt, %select_n3A_8, %sign3A_163 : i32
      %sign3A_165 = arith.extui %sign3A_164 : i1 to i32
      %sign3A_166 = arith.subi %sign3A_162, %sign3A_165 : i32
      %sign3A_167 = arith.constant 0 : i32
      %sign3A_168 = arith.cmpi sgt, %jit3A_158, %sign3A_167 : i32
      %sign3A_169 = arith.extui %sign3A_168 : i1 to i32
      %sign3A_170 = arith.constant 0 : i32
      %sign3A_171 = arith.cmpi slt, %jit3A_158, %sign3A_170 : i32
      %sign3A_172 = arith.extui %sign3A_171 : i1 to i32
      %sign3A_173 = arith.subi %sign3A_169, %sign3A_172 : i32
      %ne3A_174 = arith.cmpi ne, %sign3A_166, %sign3A_173 : i32
      %rem3A_175 = arith.remsi %select_n3A_8, %jit3A_158 : i32
      %ne3A_176 = arith.constant 0 : i32
      %ne3A_177 = arith.cmpi ne, %rem3A_175, %ne3A_176 : i32
      %and3A_178 = arith.andi %ne3A_174, %ne3A_177 : i1
      %sub3A_179 = arith.constant 1 : i32
      %sub3A_180 = arith.subi %div3A_159, %sub3A_179 : i32
      %select_n3A_181 = arith.select %and3A_178, %sub3A_180, %div3A_159 : i32
      %lt3A = arith.cmpi slt, %add3A_157, %select_n3A_181 : i32
      %convert_element_type3A_182 = arith.extui %lt3A : i1 to i32
      %cond3A_183 = arith.constant 0 : i32
      %cond3A_184 = arith.cmpi ne, %convert_element_type3A_182, %cond3A_183 : i32
      scf.if %cond3A_184 {
        %dma_wait3A_185 = arith.constant 0 : i32
        %dma_wait3A_186 = arith.constant 0 : i32
        %dma_wait3A_187 = arith.constant 0 : i32
        %dma_wait3A_188 = tpu.memref_slice %arg10[%dma_wait3A_185, %dma_wait3A_186, %dma_wait3A_187] : memref<2x128x128xf32, #tpu.memory_space<vmem>> -> memref<1x128x128xf32, #tpu.memory_space<vmem>>
        %dma_wait3A_189 = tpu.memref_squeeze %dma_wait3A_188 : memref<1x128x128xf32, #tpu.memory_space<vmem>> -> memref<128x128xf32, #tpu.memory_space<vmem>>
        %dma_wait3A_190 = arith.constant 0 : i32
        %dma_wait3A_191 = tpu.memref_slice %arg6[%mul3A_10, %dma_wait3A_190] : memref<327680x128xf32, #tpu.memory_space<hbm>> -> memref<128x128xf32, #tpu.memory_space<hbm>>
        %dma_wait3A_192 = arith.constant 0 : i32
        %dma_wait3A_193 = tpu.memref_slice %arg6[%mul3A_10, %dma_wait3A_192] : memref<327680x128xf32, #tpu.memory_space<hbm>> -> memref<128x128xf32, #tpu.memory_space<hbm>>
        %dma_wait3A_194 = arith.constant 0 : i32
        %dma_wait3A_195 = arith.constant 0 : i32
        %dma_wait3A_196 = tpu.memref_slice %arg10[%dma_wait3A_185, %dma_wait3A_194, %dma_wait3A_195] : memref<2x128x128xf32, #tpu.memory_space<vmem>> -> memref<1x128x128xf32, #tpu.memory_space<vmem>>
        %dma_wait3A_197 = tpu.memref_squeeze %dma_wait3A_196 : memref<1x128x128xf32, #tpu.memory_space<vmem>> -> memref<128x128xf32, #tpu.memory_space<vmem>>
        tpu.wait_dma2 semaphore(%arg16 : memref<!tpu.dma_semaphore, #tpu.memory_space<semaphore_mem>>) src(%dma_wait3A_197 : memref<128x128xf32, #tpu.memory_space<vmem>>) dst(%dma_wait3A_193 : memref<128x128xf32, #tpu.memory_space<hbm>>)
        %add3A_198 = arith.constant 2 : i32
        %add3A_199 = arith.addi %mul3A_47, %add3A_198 : i32
        %dma_start3A_200 = arith.constant 0 : i32
        %dma_start3A_201 = arith.constant 0 : i32
        %dma_start3A_202 = arith.constant 0 : i32
        %dma_start3A_203 = tpu.memref_slice %arg10[%dma_start3A_200, %dma_start3A_201, %dma_start3A_202] : memref<2x128x128xf32, #tpu.memory_space<vmem>> -> memref<1x128x128xf32, #tpu.memory_space<vmem>>
        %dma_start3A_204 = tpu.memref_squeeze %dma_start3A_203 : memref<1x128x128xf32, #tpu.memory_space<vmem>> -> memref<128x128xf32, #tpu.memory_space<vmem>>
        %dma_start3A_205 = arith.constant 0 : i32
        %dma_start3A_206 = tpu.memref_slice %arg8[%add3A_199, %dma_start3A_205] : memref<120x128xi32, #tpu.memory_space<vmem>> -> memref<1x128xi32, #tpu.memory_space<vmem>>
        %dma_start3A_207 = tpu.memref_squeeze %dma_start3A_206 : memref<1x128xi32, #tpu.memory_space<vmem>> -> memref<128xi32, #tpu.memory_space<vmem>>
        %dma_start3A_208 = arith.constant 0 : i32
        %dma_start3A_209 = arith.constant 0 : i32
        %dma_start3A_210 = tpu.memref_slice %arg2[%dma_start3A_208, %dma_start3A_209] : memref<10240x128xf32, #tpu.memory_space<hbm>> -> memref<10240x128xf32, #tpu.memory_space<hbm>>
        tpu.enqueue_indirect_dma source(%dma_start3A_210 : memref<10240x128xf32, #tpu.memory_space<hbm>>) target(%dma_start3A_204 : memref<128x128xf32, #tpu.memory_space<vmem>>) offsets(%dma_start3A_207 : memref<128xi32, #tpu.memory_space<vmem>>) semaphore(%arg12 : memref<!tpu.dma_semaphore, #tpu.memory_space<semaphore_mem>>)
        %dma_wait3A_211 = arith.constant 0 : i32
        %dma_wait3A_212 = arith.constant 0 : i32
        %dma_wait3A_213 = arith.constant 0 : i32
        %dma_wait3A_214 = tpu.memref_slice %arg11[%dma_wait3A_211, %dma_wait3A_212, %dma_wait3A_213] : memref<2x128x128xf32, #tpu.memory_space<vmem>> -> memref<1x128x128xf32, #tpu.memory_space<vmem>>
        %dma_wait3A_215 = tpu.memref_squeeze %dma_wait3A_214 : memref<1x128x128xf32, #tpu.memory_space<vmem>> -> memref<128x128xf32, #tpu.memory_space<vmem>>
        %dma_wait3A_216 = arith.constant 0 : i32
        %dma_wait3A_217 = tpu.memref_slice %arg7[%mul3A_10, %dma_wait3A_216] : memref<327680x128xf32, #tpu.memory_space<hbm>> -> memref<128x128xf32, #tpu.memory_space<hbm>>
        %dma_wait3A_218 = arith.constant 0 : i32
        %dma_wait3A_219 = tpu.memref_slice %arg7[%mul3A_10, %dma_wait3A_218] : memref<327680x128xf32, #tpu.memory_space<hbm>> -> memref<128x128xf32, #tpu.memory_space<hbm>>
        %dma_wait3A_220 = arith.constant 0 : i32
        %dma_wait3A_221 = arith.constant 0 : i32
        %dma_wait3A_222 = tpu.memref_slice %arg11[%dma_wait3A_211, %dma_wait3A_220, %dma_wait3A_221] : memref<2x128x128xf32, #tpu.memory_space<vmem>> -> memref<1x128x128xf32, #tpu.memory_space<vmem>>
        %dma_wait3A_223 = tpu.memref_squeeze %dma_wait3A_222 : memref<1x128x128xf32, #tpu.memory_space<vmem>> -> memref<128x128xf32, #tpu.memory_space<vmem>>
        tpu.wait_dma2 semaphore(%arg18 : memref<!tpu.dma_semaphore, #tpu.memory_space<semaphore_mem>>) src(%dma_wait3A_223 : memref<128x128xf32, #tpu.memory_space<vmem>>) dst(%dma_wait3A_219 : memref<128x128xf32, #tpu.memory_space<hbm>>)
        %add3A_224 = arith.constant 2 : i32
        %add3A_225 = arith.addi %mul3A_47, %add3A_224 : i32
        %dma_start3A_226 = arith.constant 0 : i32
        %dma_start3A_227 = arith.constant 0 : i32
        %dma_start3A_228 = arith.constant 0 : i32
        %dma_start3A_229 = tpu.memref_slice %arg11[%dma_start3A_226, %dma_start3A_227, %dma_start3A_228] : memref<2x128x128xf32, #tpu.memory_space<vmem>> -> memref<1x128x128xf32, #tpu.memory_space<vmem>>
        %dma_start3A_230 = tpu.memref_squeeze %dma_start3A_229 : memref<1x128x128xf32, #tpu.memory_space<vmem>> -> memref<128x128xf32, #tpu.memory_space<vmem>>
        %dma_start3A_231 = arith.constant 0 : i32
        %dma_start3A_232 = tpu.memref_slice %arg9[%add3A_225, %dma_start3A_231] : memref<120x128xi32, #tpu.memory_space<vmem>> -> memref<1x128xi32, #tpu.memory_space<vmem>>
        %dma_start3A_233 = tpu.memref_squeeze %dma_start3A_232 : memref<1x128xi32, #tpu.memory_space<vmem>> -> memref<128xi32, #tpu.memory_space<vmem>>
        %dma_start3A_234 = arith.constant 0 : i32
        %dma_start3A_235 = arith.constant 0 : i32
        %dma_start3A_236 = tpu.memref_slice %arg3[%dma_start3A_234, %dma_start3A_235] : memref<10240x128xf32, #tpu.memory_space<hbm>> -> memref<10240x128xf32, #tpu.memory_space<hbm>>
        tpu.enqueue_indirect_dma source(%dma_start3A_236 : memref<10240x128xf32, #tpu.memory_space<hbm>>) target(%dma_start3A_230 : memref<128x128xf32, #tpu.memory_space<vmem>>) offsets(%dma_start3A_233 : memref<128xi32, #tpu.memory_space<vmem>>) semaphore(%arg13 : memref<!tpu.dma_semaphore, #tpu.memory_space<semaphore_mem>>)
        %dma_wait3A_237 = arith.constant 1 : i32
        %dma_wait3A_238 = arith.constant 0 : i32
        %dma_wait3A_239 = arith.constant 0 : i32
        %dma_wait3A_240 = tpu.memref_slice %arg10[%dma_wait3A_237, %dma_wait3A_238, %dma_wait3A_239] : memref<2x128x128xf32, #tpu.memory_space<vmem>> -> memref<1x128x128xf32, #tpu.memory_space<vmem>>
        %dma_wait3A_241 = tpu.memref_squeeze %dma_wait3A_240 : memref<1x128x128xf32, #tpu.memory_space<vmem>> -> memref<128x128xf32, #tpu.memory_space<vmem>>
        %dma_wait3A_242 = arith.constant 0 : i32
        %dma_wait3A_243 = tpu.memref_slice %arg6[%mul3A_10, %dma_wait3A_242] : memref<327680x128xf32, #tpu.memory_space<hbm>> -> memref<128x128xf32, #tpu.memory_space<hbm>>
        %dma_wait3A_244 = arith.constant 0 : i32
        %dma_wait3A_245 = tpu.memref_slice %arg6[%mul3A_10, %dma_wait3A_244] : memref<327680x128xf32, #tpu.memory_space<hbm>> -> memref<128x128xf32, #tpu.memory_space<hbm>>
        %dma_wait3A_246 = arith.constant 0 : i32
        %dma_wait3A_247 = arith.constant 0 : i32
        %dma_wait3A_248 = tpu.memref_slice %arg10[%dma_wait3A_237, %dma_wait3A_246, %dma_wait3A_247] : memref<2x128x128xf32, #tpu.memory_space<vmem>> -> memref<1x128x128xf32, #tpu.memory_space<vmem>>
        %dma_wait3A_249 = tpu.memref_squeeze %dma_wait3A_248 : memref<1x128x128xf32, #tpu.memory_space<vmem>> -> memref<128x128xf32, #tpu.memory_space<vmem>>
        tpu.wait_dma2 semaphore(%arg17 : memref<!tpu.dma_semaphore, #tpu.memory_space<semaphore_mem>>) src(%dma_wait3A_249 : memref<128x128xf32, #tpu.memory_space<vmem>>) dst(%dma_wait3A_245 : memref<128x128xf32, #tpu.memory_space<hbm>>)
        %add3A_250 = arith.constant 2 : i32
        %add3A_251 = arith.addi %add3A_49, %add3A_250 : i32
        %dma_start3A_252 = arith.constant 1 : i32
        %dma_start3A_253 = arith.constant 0 : i32
        %dma_start3A_254 = arith.constant 0 : i32
        %dma_start3A_255 = tpu.memref_slice %arg10[%dma_start3A_252, %dma_start3A_253, %dma_start3A_254] : memref<2x128x128xf32, #tpu.memory_space<vmem>> -> memref<1x128x128xf32, #tpu.memory_space<vmem>>
        %dma_start3A_256 = tpu.memref_squeeze %dma_start3A_255 : memref<1x128x128xf32, #tpu.memory_space<vmem>> -> memref<128x128xf32, #tpu.memory_space<vmem>>
        %dma_start3A_257 = arith.constant 0 : i32
        %dma_start3A_258 = tpu.memref_slice %arg8[%add3A_251, %dma_start3A_257] : memref<120x128xi32, #tpu.memory_space<vmem>> -> memref<1x128xi32, #tpu.memory_space<vmem>>
        %dma_start3A_259 = tpu.memref_squeeze %dma_start3A_258 : memref<1x128xi32, #tpu.memory_space<vmem>> -> memref<128xi32, #tpu.memory_space<vmem>>
        %dma_start3A_260 = arith.constant 0 : i32
        %dma_start3A_261 = arith.constant 0 : i32
        %dma_start3A_262 = tpu.memref_slice %arg2[%dma_start3A_260, %dma_start3A_261] : memref<10240x128xf32, #tpu.memory_space<hbm>> -> memref<10240x128xf32, #tpu.memory_space<hbm>>
        tpu.enqueue_indirect_dma source(%dma_start3A_262 : memref<10240x128xf32, #tpu.memory_space<hbm>>) target(%dma_start3A_256 : memref<128x128xf32, #tpu.memory_space<vmem>>) offsets(%dma_start3A_259 : memref<128xi32, #tpu.memory_space<vmem>>) semaphore(%arg14 : memref<!tpu.dma_semaphore, #tpu.memory_space<semaphore_mem>>)
        %dma_wait3A_263 = arith.constant 1 : i32
        %dma_wait3A_264 = arith.constant 0 : i32
        %dma_wait3A_265 = arith.constant 0 : i32
        %dma_wait3A_266 = tpu.memref_slice %arg11[%dma_wait3A_263, %dma_wait3A_264, %dma_wait3A_265] : memref<2x128x128xf32, #tpu.memory_space<vmem>> -> memref<1x128x128xf32, #tpu.memory_space<vmem>>
        %dma_wait3A_267 = tpu.memref_squeeze %dma_wait3A_266 : memref<1x128x128xf32, #tpu.memory_space<vmem>> -> memref<128x128xf32, #tpu.memory_space<vmem>>
        %dma_wait3A_268 = arith.constant 0 : i32
        %dma_wait3A_269 = tpu.memref_slice %arg7[%mul3A_10, %dma_wait3A_268] : memref<327680x128xf32, #tpu.memory_space<hbm>> -> memref<128x128xf32, #tpu.memory_space<hbm>>
        %dma_wait3A_270 = arith.constant 0 : i32
        %dma_wait3A_271 = tpu.memref_slice %arg7[%mul3A_10, %dma_wait3A_270] : memref<327680x128xf32, #tpu.memory_space<hbm>> -> memref<128x128xf32, #tpu.memory_space<hbm>>
        %dma_wait3A_272 = arith.constant 0 : i32
        %dma_wait3A_273 = arith.constant 0 : i32
        %dma_wait3A_274 = tpu.memref_slice %arg11[%dma_wait3A_263, %dma_wait3A_272, %dma_wait3A_273] : memref<2x128x128xf32, #tpu.memory_space<vmem>> -> memref<1x128x128xf32, #tpu.memory_space<vmem>>
        %dma_wait3A_275 = tpu.memref_squeeze %dma_wait3A_274 : memref<1x128x128xf32, #tpu.memory_space<vmem>> -> memref<128x128xf32, #tpu.memory_space<vmem>>
        tpu.wait_dma2 semaphore(%arg19 : memref<!tpu.dma_semaphore, #tpu.memory_space<semaphore_mem>>) src(%dma_wait3A_275 : memref<128x128xf32, #tpu.memory_space<vmem>>) dst(%dma_wait3A_271 : memref<128x128xf32, #tpu.memory_space<hbm>>)
        %add3A_276 = arith.constant 2 : i32
        %add3A_277 = arith.addi %add3A_49, %add3A_276 : i32
        %dma_start3A_278 = arith.constant 1 : i32
        %dma_start3A_279 = arith.constant 0 : i32
        %dma_start3A_280 = arith.constant 0 : i32
        %dma_start3A_281 = tpu.memref_slice %arg11[%dma_start3A_278, %dma_start3A_279, %dma_start3A_280] : memref<2x128x128xf32, #tpu.memory_space<vmem>> -> memref<1x128x128xf32, #tpu.memory_space<vmem>>
        %dma_start3A_282 = tpu.memref_squeeze %dma_start3A_281 : memref<1x128x128xf32, #tpu.memory_space<vmem>> -> memref<128x128xf32, #tpu.memory_space<vmem>>
        %dma_start3A_283 = arith.constant 0 : i32
        %dma_start3A_284 = tpu.memref_slice %arg9[%add3A_277, %dma_start3A_283] : memref<120x128xi32, #tpu.memory_space<vmem>> -> memref<1x128xi32, #tpu.memory_space<vmem>>
        %dma_start3A_285 = tpu.memref_squeeze %dma_start3A_284 : memref<1x128xi32, #tpu.memory_space<vmem>> -> memref<128xi32, #tpu.memory_space<vmem>>
        %dma_start3A_286 = arith.constant 0 : i32
        %dma_start3A_287 = arith.constant 0 : i32
        %dma_start3A_288 = tpu.memref_slice %arg3[%dma_start3A_286, %dma_start3A_287] : memref<10240x128xf32, #tpu.memory_space<hbm>> -> memref<10240x128xf32, #tpu.memory_space<hbm>>
        tpu.enqueue_indirect_dma source(%dma_start3A_288 : memref<10240x128xf32, #tpu.memory_space<hbm>>) target(%dma_start3A_282 : memref<128x128xf32, #tpu.memory_space<vmem>>) offsets(%dma_start3A_285 : memref<128xi32, #tpu.memory_space<vmem>>) semaphore(%arg15 : memref<!tpu.dma_semaphore, #tpu.memory_space<semaphore_mem>>)
      } else {
      }
    }
    %while3A_39 = arith.constant 1 : i32
    scf.for %while3A_45 = %while3A_37 to %while3A_33 step %while3A_39  : i32 {
      %mul3A_46 = arith.constant 2 : i32
      %mul3A_47 = arith.muli %mul3A_46, %while3A_45 : i32
      %add3A_48 = arith.constant 1 : i32
      %add3A_49 = arith.addi %mul3A_47, %add3A_48 : i32
      %dma_wait3A = arith.constant 0 : i32
      %dma_wait3A_50 = arith.constant 0 : i32
      %dma_wait3A_51 = arith.constant 0 : i32
      %dma_wait3A_52 = tpu.memref_slice %arg10[%dma_wait3A, %dma_wait3A_50, %dma_wait3A_51] : memref<2x128x128xf32, #tpu.memory_space<vmem>> -> memref<1x128x128xf32, #tpu.memory_space<vmem>>
      %dma_wait3A_53 = tpu.memref_squeeze %dma_wait3A_52 : memref<1x128x128xf32, #tpu.memory_space<vmem>> -> memref<128x128xf32, #tpu.memory_space<vmem>>
      %dma_wait3A_54 = arith.constant 0 : i32
      %dma_wait3A_55 = tpu.memref_slice %arg8[%mul3A_47, %dma_wait3A_54] : memref<120x128xi32, #tpu.memory_space<vmem>> -> memref<1x128xi32, #tpu.memory_space<vmem>>
      %dma_wait3A_56 = tpu.memref_squeeze %dma_wait3A_55 : memref<1x128xi32, #tpu.memory_space<vmem>> -> memref<128xi32, #tpu.memory_space<vmem>>
      %dma_wait3A_57 = arith.constant 0 : i32
      %dma_wait3A_58 = arith.constant 0 : i32
      %dma_wait3A_59 = tpu.memref_slice %arg2[%dma_wait3A_57, %dma_wait3A_58] : memref<10240x128xf32, #tpu.memory_space<hbm>> -> memref<10240x128xf32, #tpu.memory_space<hbm>>
      tpu.wait_indirect_dma semaphore(%arg12 : memref<!tpu.dma_semaphore, #tpu.memory_space<semaphore_mem>>) src(%dma_wait3A_59 : memref<10240x128xf32, #tpu.memory_space<hbm>>) dst(%dma_wait3A_53 : memref<128x128xf32, #tpu.memory_space<vmem>>)
      %mul3A_60 = arith.constant 128 : i32
      %mul3A_61 = arith.muli %mul3A_47, %mul3A_60 : i32
      %add3A_62 = arith.addi %mul3A_10, %mul3A_61 : i32
      %dma_start3A = arith.constant 0 : i32
      %dma_start3A_63 = arith.constant 0 : i32
      %dma_start3A_64 = arith.constant 0 : i32
      %dma_start3A_65 = tpu.memref_slice %arg10[%dma_start3A, %dma_start3A_63, %dma_start3A_64] : memref<2x128x128xf32, #tpu.memory_space<vmem>> -> memref<1x128x128xf32, #tpu.memory_space<vmem>>
      %dma_start3A_66 = tpu.memref_squeeze %dma_start3A_65 : memref<1x128x128xf32, #tpu.memory_space<vmem>> -> memref<128x128xf32, #tpu.memory_space<vmem>>
      %dma_start3A_67 = arith.constant 0 : i32
      %dma_start3A_68 = tpu.memref_slice %arg6[%add3A_62, %dma_start3A_67] : memref<327680x128xf32, #tpu.memory_space<hbm>> -> memref<128x128xf32, #tpu.memory_space<hbm>>
      %dma_start3A_69 = arith.constant 0 : i32
      %dma_start3A_70 = tpu.memref_slice %arg6[%add3A_62, %dma_start3A_69] : memref<327680x128xf32, #tpu.memory_space<hbm>> -> memref<128x128xf32, #tpu.memory_space<hbm>>
      %dma_start3A_71 = arith.constant 0 : i32
      %dma_start3A_72 = arith.constant 0 : i32
      %dma_start3A_73 = tpu.memref_slice %arg10[%dma_start3A, %dma_start3A_71, %dma_start3A_72] : memref<2x128x128xf32, #tpu.memory_space<vmem>> -> memref<1x128x128xf32, #tpu.memory_space<vmem>>
      %dma_start3A_74 = tpu.memref_squeeze %dma_start3A_73 : memref<1x128x128xf32, #tpu.memory_space<vmem>> -> memref<128x128xf32, #tpu.memory_space<vmem>>
      tpu.enqueue_dma source(%dma_start3A_74 : memref<128x128xf32, #tpu.memory_space<vmem>>) target(%dma_start3A_70 : memref<128x128xf32, #tpu.memory_space<hbm>>) target_semaphore(%arg16 : memref<!tpu.dma_semaphore, #tpu.memory_space<semaphore_mem>>)
      %dma_wait3A_75 = arith.constant 0 : i32
      %dma_wait3A_76 = arith.constant 0 : i32
      %dma_wait3A_77 = arith.constant 0 : i32
      %dma_wait3A_78 = tpu.memref_slice %arg11[%dma_wait3A_75, %dma_wait3A_76, %dma_wait3A_77] : memref<2x128x128xf32, #tpu.memory_space<vmem>> -> memref<1x128x128xf32, #tpu.memory_space<vmem>>
      %dma_wait3A_79 = tpu.memref_squeeze %dma_wait3A_78 : memref<1x128x128xf32, #tpu.memory_space<vmem>> -> memref<128x128xf32, #tpu.memory_space<vmem>>
      %dma_wait3A_80 = arith.constant 0 : i32
      %dma_wait3A_81 = tpu.memref_slice %arg9[%mul3A_47, %dma_wait3A_80] : memref<120x128xi32, #tpu.memory_space<vmem>> -> memref<1x128xi32, #tpu.memory_space<vmem>>
      %dma_wait3A_82 = tpu.memref_squeeze %dma_wait3A_81 : memref<1x128xi32, #tpu.memory_space<vmem>> -> memref<128xi32, #tpu.memory_space<vmem>>
      %dma_wait3A_83 = arith.constant 0 : i32
      %dma_wait3A_84 = arith.constant 0 : i32
      %dma_wait3A_85 = tpu.memref_slice %arg3[%dma_wait3A_83, %dma_wait3A_84] : memref<10240x128xf32, #tpu.memory_space<hbm>> -> memref<10240x128xf32, #tpu.memory_space<hbm>>
      tpu.wait_indirect_dma semaphore(%arg13 : memref<!tpu.dma_semaphore, #tpu.memory_space<semaphore_mem>>) src(%dma_wait3A_85 : memref<10240x128xf32, #tpu.memory_space<hbm>>) dst(%dma_wait3A_79 : memref<128x128xf32, #tpu.memory_space<vmem>>)
      %mul3A_86 = arith.constant 128 : i32
      %mul3A_87 = arith.muli %mul3A_47, %mul3A_86 : i32
      %add3A_88 = arith.addi %mul3A_10, %mul3A_87 : i32
      %dma_start3A_89 = arith.constant 0 : i32
      %dma_start3A_90 = arith.constant 0 : i32
      %dma_start3A_91 = arith.constant 0 : i32
      %dma_start3A_92 = tpu.memref_slice %arg11[%dma_start3A_89, %dma_start3A_90, %dma_start3A_91] : memref<2x128x128xf32, #tpu.memory_space<vmem>> -> memref<1x128x128xf32, #tpu.memory_space<vmem>>
      %dma_start3A_93 = tpu.memref_squeeze %dma_start3A_92 : memref<1x128x128xf32, #tpu.memory_space<vmem>> -> memref<128x128xf32, #tpu.memory_space<vmem>>
      %dma_start3A_94 = arith.constant 0 : i32
      %dma_start3A_95 = tpu.memref_slice %arg7[%add3A_88, %dma_start3A_94] : memref<327680x128xf32, #tpu.memory_space<hbm>> -> memref<128x128xf32, #tpu.memory_space<hbm>>
      %dma_start3A_96 = arith.constant 0 : i32
      %dma_start3A_97 = tpu.memref_slice %arg7[%add3A_88, %dma_start3A_96] : memref<327680x128xf32, #tpu.memory_space<hbm>> -> memref<128x128xf32, #tpu.memory_space<hbm>>
      %dma_start3A_98 = arith.constant 0 : i32
      %dma_start3A_99 = arith.constant 0 : i32
      %dma_start3A_100 = tpu.memref_slice %arg11[%dma_start3A_89, %dma_start3A_98, %dma_start3A_99] : memref<2x128x128xf32, #tpu.memory_space<vmem>> -> memref<1x128x128xf32, #tpu.memory_space<vmem>>
      %dma_start3A_101 = tpu.memref_squeeze %dma_start3A_100 : memref<1x128x128xf32, #tpu.memory_space<vmem>> -> memref<128x128xf32, #tpu.memory_space<vmem>>
      tpu.enqueue_dma source(%dma_start3A_101 : memref<128x128xf32, #tpu.memory_space<vmem>>) target(%dma_start3A_97 : memref<128x128xf32, #tpu.memory_space<hbm>>) target_semaphore(%arg18 : memref<!tpu.dma_semaphore, #tpu.memory_space<semaphore_mem>>)
      %dma_wait3A_102 = arith.constant 1 : i32
      %dma_wait3A_103 = arith.constant 0 : i32
      %dma_wait3A_104 = arith.constant 0 : i32
      %dma_wait3A_105 = tpu.memref_slice %arg10[%dma_wait3A_102, %dma_wait3A_103, %dma_wait3A_104] : memref<2x128x128xf32, #tpu.memory_space<vmem>> -> memref<1x128x128xf32, #tpu.memory_space<vmem>>
      %dma_wait3A_106 = tpu.memref_squeeze %dma_wait3A_105 : memref<1x128x128xf32, #tpu.memory_space<vmem>> -> memref<128x128xf32, #tpu.memory_space<vmem>>
      %dma_wait3A_107 = arith.constant 0 : i32
      %dma_wait3A_108 = tpu.memref_slice %arg8[%add3A_49, %dma_wait3A_107] : memref<120x128xi32, #tpu.memory_space<vmem>> -> memref<1x128xi32, #tpu.memory_space<vmem>>
      %dma_wait3A_109 = tpu.memref_squeeze %dma_wait3A_108 : memref<1x128xi32, #tpu.memory_space<vmem>> -> memref<128xi32, #tpu.memory_space<vmem>>
      %dma_wait3A_110 = arith.constant 0 : i32
      %dma_wait3A_111 = arith.constant 0 : i32
      %dma_wait3A_112 = tpu.memref_slice %arg2[%dma_wait3A_110, %dma_wait3A_111] : memref<10240x128xf32, #tpu.memory_space<hbm>> -> memref<10240x128xf32, #tpu.memory_space<hbm>>
      tpu.wait_indirect_dma semaphore(%arg14 : memref<!tpu.dma_semaphore, #tpu.memory_space<semaphore_mem>>) src(%dma_wait3A_112 : memref<10240x128xf32, #tpu.memory_space<hbm>>) dst(%dma_wait3A_106 : memref<128x128xf32, #tpu.memory_space<vmem>>)
      %mul3A_113 = arith.constant 128 : i32
      %mul3A_114 = arith.muli %add3A_49, %mul3A_113 : i32
      %add3A_115 = arith.addi %mul3A_10, %mul3A_114 : i32
      %dma_start3A_116 = arith.constant 1 : i32
      %dma_start3A_117 = arith.constant 0 : i32
      %dma_start3A_118 = arith.constant 0 : i32
      %dma_start3A_119 = tpu.memref_slice %arg10[%dma_start3A_116, %dma_start3A_117, %dma_start3A_118] : memref<2x128x128xf32, #tpu.memory_space<vmem>> -> memref<1x128x128xf32, #tpu.memory_space<vmem>>
      %dma_start3A_120 = tpu.memref_squeeze %dma_start3A_119 : memref<1x128x128xf32, #tpu.memory_space<vmem>> -> memref<128x128xf32, #tpu.memory_space<vmem>>
      %dma_start3A_121 = arith.constant 0 : i32
      %dma_start3A_122 = tpu.memref_slice %arg6[%add3A_115, %dma_start3A_121] : memref<327680x128xf32, #tpu.memory_space<hbm>> -> memref<128x128xf32, #tpu.memory_space<hbm>>
      %dma_start3A_123 = arith.constant 0 : i32
      %dma_start3A_124 = tpu.memref_slice %arg6[%add3A_115, %dma_start3A_123] : memref<327680x128xf32, #tpu.memory_space<hbm>> -> memref<128x128xf32, #tpu.memory_space<hbm>>
      %dma_start3A_125 = arith.constant 0 : i32
      %dma_start3A_126 = arith.constant 0 : i32
      %dma_start3A_127 = tpu.memref_slice %arg10[%dma_start3A_116, %dma_start3A_125, %dma_start3A_126] : memref<2x128x128xf32, #tpu.memory_space<vmem>> -> memref<1x128x128xf32, #tpu.memory_space<vmem>>
      %dma_start3A_128 = tpu.memref_squeeze %dma_start3A_127 : memref<1x128x128xf32, #tpu.memory_space<vmem>> -> memref<128x128xf32, #tpu.memory_space<vmem>>
      tpu.enqueue_dma source(%dma_start3A_128 : memref<128x128xf32, #tpu.memory_space<vmem>>) target(%dma_start3A_124 : memref<128x128xf32, #tpu.memory_space<hbm>>) target_semaphore(%arg17 : memref<!tpu.dma_semaphore, #tpu.memory_space<semaphore_mem>>)
      %dma_wait3A_129 = arith.constant 1 : i32
      %dma_wait3A_130 = arith.constant 0 : i32
      %dma_wait3A_131 = arith.constant 0 : i32
      %dma_wait3A_132 = tpu.memref_slice %arg11[%dma_wait3A_129, %dma_wait3A_130, %dma_wait3A_131] : memref<2x128x128xf32, #tpu.memory_space<vmem>> -> memref<1x128x128xf32, #tpu.memory_space<vmem>>
      %dma_wait3A_133 = tpu.memref_squeeze %dma_wait3A_132 : memref<1x128x128xf32, #tpu.memory_space<vmem>> -> memref<128x128xf32, #tpu.memory_space<vmem>>
      %dma_wait3A_134 = arith.constant 0 : i32
      %dma_wait3A_135 = tpu.memref_slice %arg9[%add3A_49, %dma_wait3A_134] : memref<120x128xi32, #tpu.memory_space<vmem>> -> memref<1x128xi32, #tpu.memory_space<vmem>>
      %dma_wait3A_136 = tpu.memref_squeeze %dma_wait3A_135 : memref<1x128xi32, #tpu.memory_space<vmem>> -> memref<128xi32, #tpu.memory_space<vmem>>
      %dma_wait3A_137 = arith.constant 0 : i32
      %dma_wait3A_138 = arith.constant 0 : i32
      %dma_wait3A_139 = tpu.memref_slice %arg3[%dma_wait3A_137, %dma_wait3A_138] : memref<10240x128xf32, #tpu.memory_space<hbm>> -> memref<10240x128xf32, #tpu.memory_space<hbm>>
      tpu.wait_indirect_dma semaphore(%arg15 : memref<!tpu.dma_semaphore, #tpu.memory_space<semaphore_mem>>) src(%dma_wait3A_139 : memref<10240x128xf32, #tpu.memory_space<hbm>>) dst(%dma_wait3A_133 : memref<128x128xf32, #tpu.memory_space<vmem>>)
      %mul3A_140 = arith.constant 128 : i32
      %mul3A_141 = arith.muli %add3A_49, %mul3A_140 : i32
      %add3A_142 = arith.addi %mul3A_10, %mul3A_141 : i32
      %dma_start3A_143 = arith.constant 1 : i32
      %dma_start3A_144 = arith.constant 0 : i32
      %dma_start3A_145 = arith.constant 0 : i32
      %dma_start3A_146 = tpu.memref_slice %arg11[%dma_start3A_143, %dma_start3A_144, %dma_start3A_145] : memref<2x128x128xf32, #tpu.memory_space<vmem>> -> memref<1x128x128xf32, #tpu.memory_space<vmem>>
      %dma_start3A_147 = tpu.memref_squeeze %dma_start3A_146 : memref<1x128x128xf32, #tpu.memory_space<vmem>> -> memref<128x128xf32, #tpu.memory_space<vmem>>
      %dma_start3A_148 = arith.constant 0 : i32
      %dma_start3A_149 = tpu.memref_slice %arg7[%add3A_142, %dma_start3A_148] : memref<327680x128xf32, #tpu.memory_space<hbm>> -> memref<128x128xf32, #tpu.memory_space<hbm>>
      %dma_start3A_150 = arith.constant 0 : i32
      %dma_start3A_151 = tpu.memref_slice %arg7[%add3A_142, %dma_start3A_150] : memref<327680x128xf32, #tpu.memory_space<hbm>> -> memref<128x128xf32, #tpu.memory_space<hbm>>
      %dma_start3A_152 = arith.constant 0 : i32
      %dma_start3A_153 = arith.constant 0 : i32
      %dma_start3A_154 = tpu.memref_slice %arg11[%dma_start3A_143, %dma_start3A_152, %dma_start3A_153] : memref<2x128x128xf32, #tpu.memory_space<vmem>> -> memref<1x128x128xf32, #tpu.memory_space<vmem>>
      %dma_start3A_155 = tpu.memref_squeeze %dma_start3A_154 : memref<1x128x128xf32, #tpu.memory_space<vmem>> -> memref<128x128xf32, #tpu.memory_space<vmem>>
      tpu.enqueue_dma source(%dma_start3A_155 : memref<128x128xf32, #tpu.memory_space<vmem>>) target(%dma_start3A_151 : memref<128x128xf32, #tpu.memory_space<hbm>>) target_semaphore(%arg19 : memref<!tpu.dma_semaphore, #tpu.memory_space<semaphore_mem>>)
      %add3A_156 = arith.constant 1 : i32
      %add3A_157 = arith.addi %while3A_45, %add3A_156 : i32
      %jit3A_158 = arith.constant 2 : i32
      %div3A_159 = arith.divsi %select_n3A_8, %jit3A_158 : i32
      %sign3A_160 = arith.constant 0 : i32
      %sign3A_161 = arith.cmpi sgt, %select_n3A_8, %sign3A_160 : i32
      %sign3A_162 = arith.extui %sign3A_161 : i1 to i32
      %sign3A_163 = arith.constant 0 : i32
      %sign3A_164 = arith.cmpi slt, %select_n3A_8, %sign3A_163 : i32
      %sign3A_165 = arith.extui %sign3A_164 : i1 to i32
      %sign3A_166 = arith.subi %sign3A_162, %sign3A_165 : i32
      %sign3A_167 = arith.constant 0 : i32
      %sign3A_168 = arith.cmpi sgt, %jit3A_158, %sign3A_167 : i32
      %sign3A_169 = arith.extui %sign3A_168 : i1 to i32
      %sign3A_170 = arith.constant 0 : i32
      %sign3A_171 = arith.cmpi slt, %jit3A_158, %sign3A_170 : i32
      %sign3A_172 = arith.extui %sign3A_171 : i1 to i32
      %sign3A_173 = arith.subi %sign3A_169, %sign3A_172 : i32
      %ne3A_174 = arith.cmpi ne, %sign3A_166, %sign3A_173 : i32
      %rem3A_175 = arith.remsi %select_n3A_8, %jit3A_158 : i32
      %ne3A_176 = arith.constant 0 : i32
      %ne3A_177 = arith.cmpi ne, %rem3A_175, %ne3A_176 : i32
      %and3A_178 = arith.andi %ne3A_174, %ne3A_177 : i1
      %sub3A_179 = arith.constant 1 : i32
      %sub3A_180 = arith.subi %div3A_159, %sub3A_179 : i32
      %select_n3A_181 = arith.select %and3A_178, %sub3A_180, %div3A_159 : i32
      %lt3A = arith.cmpi slt, %add3A_157, %select_n3A_181 : i32
      %convert_element_type3A_182 = arith.extui %lt3A : i1 to i32
      %cond3A_183 = arith.constant 0 : i32
      %cond3A_184 = arith.cmpi ne, %convert_element_type3A_182, %cond3A_183 : i32
      scf.if %cond3A_184 {
        %dma_wait3A_185 = arith.constant 0 : i32
        %dma_wait3A_186 = arith.constant 0 : i32
        %dma_wait3A_187 = arith.constant 0 : i32
        %dma_wait3A_188 = tpu.memref_slice %arg10[%dma_wait3A_185, %dma_wait3A_186, %dma_wait3A_187] : memref<2x128x128xf32, #tpu.memory_space<vmem>> -> memref<1x128x128xf32, #tpu.memory_space<vmem>>
        %dma_wait3A_189 = tpu.memref_squeeze %dma_wait3A_188 : memref<1x128x128xf32, #tpu.memory_space<vmem>> -> memref<128x128xf32, #tpu.memory_space<vmem>>
        %dma_wait3A_190 = arith.constant 0 : i32
        %dma_wait3A_191 = tpu.memref_slice %arg6[%mul3A_10, %dma_wait3A_190] : memref<327680x128xf32, #tpu.memory_space<hbm>> -> memref<128x128xf32, #tpu.memory_space<hbm>>
        %dma_wait3A_192 = arith.constant 0 : i32
        %dma_wait3A_193 = tpu.memref_slice %arg6[%mul3A_10, %dma_wait3A_192] : memref<327680x128xf32, #tpu.memory_space<hbm>> -> memref<128x128xf32, #tpu.memory_space<hbm>>
        %dma_wait3A_194 = arith.constant 0 : i32
        %dma_wait3A_195 = arith.constant 0 : i32
        %dma_wait3A_196 = tpu.memref_slice %arg10[%dma_wait3A_185, %dma_wait3A_194, %dma_wait3A_195] : memref<2x128x128xf32, #tpu.memory_space<vmem>> -> memref<1x128x128xf32, #tpu.memory_space<vmem>>
        %dma_wait3A_197 = tpu.memref_squeeze %dma_wait3A_196 : memref<1x128x128xf32, #tpu.memory_space<vmem>> -> memref<128x128xf32, #tpu.memory_space<vmem>>
        tpu.wait_dma2 semaphore(%arg16 : memref<!tpu.dma_semaphore, #tpu.memory_space<semaphore_mem>>) src(%dma_wait3A_197 : memref<128x128xf32, #tpu.memory_space<vmem>>) dst(%dma_wait3A_193 : memref<128x128xf32, #tpu.memory_space<hbm>>)
        %add3A_198 = arith.constant 2 : i32
        %add3A_199 = arith.addi %mul3A_47, %add3A_198 : i32
        %dma_start3A_200 = arith.constant 0 : i32
        %dma_start3A_201 = arith.constant 0 : i32
        %dma_start3A_202 = arith.constant 0 : i32
        %dma_start3A_203 = tpu.memref_slice %arg10[%dma_start3A_200, %dma_start3A_201, %dma_start3A_202] : memref<2x128x128xf32, #tpu.memory_space<vmem>> -> memref<1x128x128xf32, #tpu.memory_space<vmem>>
        %dma_start3A_204 = tpu.memref_squeeze %dma_start3A_203 : memref<1x128x128xf32, #tpu.memory_space<vmem>> -> memref<128x128xf32, #tpu.memory_space<vmem>>
        %dma_start3A_205 = arith.constant 0 : i32
        %dma_start3A_206 = tpu.memref_slice %arg8[%add3A_199, %dma_start3A_205] : memref<120x128xi32, #tpu.memory_space<vmem>> -> memref<1x128xi32, #tpu.memory_space<vmem>>
        %dma_start3A_207 = tpu.memref_squeeze %dma_start3A_206 : memref<1x128xi32, #tpu.memory_space<vmem>> -> memref<128xi32, #tpu.memory_space<vmem>>
        %dma_start3A_208 = arith.constant 0 : i32
        %dma_start3A_209 = arith.constant 0 : i32
        %dma_start3A_210 = tpu.memref_slice %arg2[%dma_start3A_208, %dma_start3A_209] : memref<10240x128xf32, #tpu.memory_space<hbm>> -> memref<10240x128xf32, #tpu.memory_space<hbm>>
        tpu.enqueue_indirect_dma source(%dma_start3A_210 : memref<10240x128xf32, #tpu.memory_space<hbm>>) target(%dma_start3A_204 : memref<128x128xf32, #tpu.memory_space<vmem>>) offsets(%dma_start3A_207 : memref<128xi32, #tpu.memory_space<vmem>>) semaphore(%arg12 : memref<!tpu.dma_semaphore, #tpu.memory_space<semaphore_mem>>)
        %dma_wait3A_211 = arith.constant 0 : i32
        %dma_wait3A_212 = arith.constant 0 : i32
        %dma_wait3A_213 = arith.constant 0 : i32
        %dma_wait3A_214 = tpu.memref_slice %arg11[%dma_wait3A_211, %dma_wait3A_212, %dma_wait3A_213] : memref<2x128x128xf32, #tpu.memory_space<vmem>> -> memref<1x128x128xf32, #tpu.memory_space<vmem>>
        %dma_wait3A_215 = tpu.memref_squeeze %dma_wait3A_214 : memref<1x128x128xf32, #tpu.memory_space<vmem>> -> memref<128x128xf32, #tpu.memory_space<vmem>>
        %dma_wait3A_216 = arith.constant 0 : i32
        %dma_wait3A_217 = tpu.memref_slice %arg7[%mul3A_10, %dma_wait3A_216] : memref<327680x128xf32, #tpu.memory_space<hbm>> -> memref<128x128xf32, #tpu.memory_space<hbm>>
        %dma_wait3A_218 = arith.constant 0 : i32
        %dma_wait3A_219 = tpu.memref_slice %arg7[%mul3A_10, %dma_wait3A_218] : memref<327680x128xf32, #tpu.memory_space<hbm>> -> memref<128x128xf32, #tpu.memory_space<hbm>>
        %dma_wait3A_220 = arith.constant 0 : i32
        %dma_wait3A_221 = arith.constant 0 : i32
        %dma_wait3A_222 = tpu.memref_slice %arg11[%dma_wait3A_211, %dma_wait3A_220, %dma_wait3A_221] : memref<2x128x128xf32, #tpu.memory_space<vmem>> -> memref<1x128x128xf32, #tpu.memory_space<vmem>>
        %dma_wait3A_223 = tpu.memref_squeeze %dma_wait3A_222 : memref<1x128x128xf32, #tpu.memory_space<vmem>> -> memref<128x128xf32, #tpu.memory_space<vmem>>
        tpu.wait_dma2 semaphore(%arg18 : memref<!tpu.dma_semaphore, #tpu.memory_space<semaphore_mem>>) src(%dma_wait3A_223 : memref<128x128xf32, #tpu.memory_space<vmem>>) dst(%dma_wait3A_219 : memref<128x128xf32, #tpu.memory_space<hbm>>)
        %add3A_224 = arith.constant 2 : i32
        %add3A_225 = arith.addi %mul3A_47, %add3A_224 : i32
        %dma_start3A_226 = arith.constant 0 : i32
        %dma_start3A_227 = arith.constant 0 : i32
        %dma_start3A_228 = arith.constant 0 : i32
        %dma_start3A_229 = tpu.memref_slice %arg11[%dma_start3A_226, %dma_start3A_227, %dma_start3A_228] : memref<2x128x128xf32, #tpu.memory_space<vmem>> -> memref<1x128x128xf32, #tpu.memory_space<vmem>>
        %dma_start3A_230 = tpu.memref_squeeze %dma_start3A_229 : memref<1x128x128xf32, #tpu.memory_space<vmem>> -> memref<128x128xf32, #tpu.memory_space<vmem>>
        %dma_start3A_231 = arith.constant 0 : i32
        %dma_start3A_232 = tpu.memref_slice %arg9[%add3A_225, %dma_start3A_231] : memref<120x128xi32, #tpu.memory_space<vmem>> -> memref<1x128xi32, #tpu.memory_space<vmem>>
        %dma_start3A_233 = tpu.memref_squeeze %dma_start3A_232 : memref<1x128xi32, #tpu.memory_space<vmem>> -> memref<128xi32, #tpu.memory_space<vmem>>
        %dma_start3A_234 = arith.constant 0 : i32
        %dma_start3A_235 = arith.constant 0 : i32
        %dma_start3A_236 = tpu.memref_slice %arg3[%dma_start3A_234, %dma_start3A_235] : memref<10240x128xf32, #tpu.memory_space<hbm>> -> memref<10240x128xf32, #tpu.memory_space<hbm>>
        tpu.enqueue_indirect_dma source(%dma_start3A_236 : memref<10240x128xf32, #tpu.memory_space<hbm>>) target(%dma_start3A_230 : memref<128x128xf32, #tpu.memory_space<vmem>>) offsets(%dma_start3A_233 : memref<128xi32, #tpu.memory_space<vmem>>) semaphore(%arg13 : memref<!tpu.dma_semaphore, #tpu.memory_space<semaphore_mem>>)
        %dma_wait3A_237 = arith.constant 1 : i32
        %dma_wait3A_238 = arith.constant 0 : i32
        %dma_wait3A_239 = arith.constant 0 : i32
        %dma_wait3A_240 = tpu.memref_slice %arg10[%dma_wait3A_237, %dma_wait3A_238, %dma_wait3A_239] : memref<2x128x128xf32, #tpu.memory_space<vmem>> -> memref<1x128x128xf32, #tpu.memory_space<vmem>>
        %dma_wait3A_241 = tpu.memref_squeeze %dma_wait3A_240 : memref<1x128x128xf32, #tpu.memory_space<vmem>> -> memref<128x128xf32, #tpu.memory_space<vmem>>
        %dma_wait3A_242 = arith.constant 0 : i32
        %dma_wait3A_243 = tpu.memref_slice %arg6[%mul3A_10, %dma_wait3A_242] : memref<327680x128xf32, #tpu.memory_space<hbm>> -> memref<128x128xf32, #tpu.memory_space<hbm>>
        %dma_wait3A_244 = arith.constant 0 : i32
        %dma_wait3A_245 = tpu.memref_slice %arg6[%mul3A_10, %dma_wait3A_244] : memref<327680x128xf32, #tpu.memory_space<hbm>> -> memref<128x128xf32, #tpu.memory_space<hbm>>
        %dma_wait3A_246 = arith.constant 0 : i32
        %dma_wait3A_247 = arith.constant 0 : i32
        %dma_wait3A_248 = tpu.memref_slice %arg10[%dma_wait3A_237, %dma_wait3A_246, %dma_wait3A_247] : memref<2x128x128xf32, #tpu.memory_space<vmem>> -> memref<1x128x128xf32, #tpu.memory_space<vmem>>
        %dma_wait3A_249 = tpu.memref_squeeze %dma_wait3A_248 : memref<1x128x128xf32, #tpu.memory_space<vmem>> -> memref<128x128xf32, #tpu.memory_space<vmem>>
        tpu.wait_dma2 semaphore(%arg17 : memref<!tpu.dma_semaphore, #tpu.memory_space<semaphore_mem>>) src(%dma_wait3A_249 : memref<128x128xf32, #tpu.memory_space<vmem>>) dst(%dma_wait3A_245 : memref<128x128xf32, #tpu.memory_space<hbm>>)
        %add3A_250 = arith.constant 2 : i32
        %add3A_251 = arith.addi %add3A_49, %add3A_250 : i32
        %dma_start3A_252 = arith.constant 1 : i32
        %dma_start3A_253 = arith.constant 0 : i32
        %dma_start3A_254 = arith.constant 0 : i32
        %dma_start3A_255 = tpu.memref_slice %arg10[%dma_start3A_252, %dma_start3A_253, %dma_start3A_254] : memref<2x128x128xf32, #tpu.memory_space<vmem>> -> memref<1x128x128xf32, #tpu.memory_space<vmem>>
        %dma_start3A_256 = tpu.memref_squeeze %dma_start3A_255 : memref<1x128x128xf32, #tpu.memory_space<vmem>> -> memref<128x128xf32, #tpu.memory_space<vmem>>
        %dma_start3A_257 = arith.constant 0 : i32
        %dma_start3A_258 = tpu.memref_slice %arg8[%add3A_251, %dma_start3A_257] : memref<120x128xi32, #tpu.memory_space<vmem>> -> memref<1x128xi32, #tpu.memory_space<vmem>>
        %dma_start3A_259 = tpu.memref_squeeze %dma_start3A_258 : memref<1x128xi32, #tpu.memory_space<vmem>> -> memref<128xi32, #tpu.memory_space<vmem>>
        %dma_start3A_260 = arith.constant 0 : i32
        %dma_start3A_261 = arith.constant 0 : i32
        %dma_start3A_262 = tpu.memref_slice %arg2[%dma_start3A_260, %dma_start3A_261] : memref<10240x128xf32, #tpu.memory_space<hbm>> -> memref<10240x128xf32, #tpu.memory_space<hbm>>
        tpu.enqueue_indirect_dma source(%dma_start3A_262 : memref<10240x128xf32, #tpu.memory_space<hbm>>) target(%dma_start3A_256 : memref<128x128xf32, #tpu.memory_space<vmem>>) offsets(%dma_start3A_259 : memref<128xi32, #tpu.memory_space<vmem>>) semaphore(%arg14 : memref<!tpu.dma_semaphore, #tpu.memory_space<semaphore_mem>>)
        %dma_wait3A_263 = arith.constant 1 : i32
        %dma_wait3A_264 = arith.constant 0 : i32
        %dma_wait3A_265 = arith.constant 0 : i32
        %dma_wait3A_266 = tpu.memref_slice %arg11[%dma_wait3A_263, %dma_wait3A_264, %dma_wait3A_265] : memref<2x128x128xf32, #tpu.memory_space<vmem>> -> memref<1x128x128xf32, #tpu.memory_space<vmem>>
        %dma_wait3A_267 = tpu.memref_squeeze %dma_wait3A_266 : memref<1x128x128xf32, #tpu.memory_space<vmem>> -> memref<128x128xf32, #tpu.memory_space<vmem>>
        %dma_wait3A_268 = arith.constant 0 : i32
        %dma_wait3A_269 = tpu.memref_slice %arg7[%mul3A_10, %dma_wait3A_268] : memref<327680x128xf32, #tpu.memory_space<hbm>> -> memref<128x128xf32, #tpu.memory_space<hbm>>
        %dma_wait3A_270 = arith.constant 0 : i32
        %dma_wait3A_271 = tpu.memref_slice %arg7[%mul3A_10, %dma_wait3A_270] : memref<327680x128xf32, #tpu.memory_space<hbm>> -> memref<128x128xf32, #tpu.memory_space<hbm>>
        %dma_wait3A_272 = arith.constant 0 : i32
        %dma_wait3A_273 = arith.constant 0 : i32
        %dma_wait3A_274 = tpu.memref_slice %arg11[%dma_wait3A_263, %dma_wait3A_272, %dma_wait3A_273] : memref<2x128x128xf32, #tpu.memory_space<vmem>> -> memref<1x128x128xf32, #tpu.memory_space<vmem>>
        %dma_wait3A_275 = tpu.memref_squeeze %dma_wait3A_274 : memref<1x128x128xf32, #tpu.memory_space<vmem>> -> memref<128x128xf32, #tpu.memory_space<vmem>>
        tpu.wait_dma2 semaphore(%arg19 : memref<!tpu.dma_semaphore, #tpu.memory_space<semaphore_mem>>) src(%dma_wait3A_275 : memref<128x128xf32, #tpu.memory_space<vmem>>) dst(%dma_wait3A_271 : memref<128x128xf32, #tpu.memory_space<hbm>>)
        %add3A_276 = arith.constant 2 : i32
        %add3A_277 = arith.addi %add3A_49, %add3A_276 : i32
        %dma_start3A_278 = arith.constant 1 : i32
        %dma_start3A_279 = arith.constant 0 : i32
        %dma_start3A_280 = arith.constant 0 : i32
        %dma_start3A_281 = tpu.memref_slice %arg11[%dma_start3A_278, %dma_start3A_279, %dma_start3A_280] : memref<2x128x128xf32, #tpu.memory_space<vmem>> -> memref<1x128x128xf32, #tpu.memory_space<vmem>>
        %dma_start3A_282 = tpu.memref_squeeze %dma_start3A_281 : memref<1x128x128xf32, #tpu.memory_space<vmem>> -> memref<128x128xf32, #tpu.memory_space<vmem>>
        %dma_start3A_283 = arith.constant 0 : i32
        %dma_start3A_284 = tpu.memref_slice %arg9[%add3A_277, %dma_start3A_283] : memref<120x128xi32, #tpu.memory_space<vmem>> -> memref<1x128xi32, #tpu.memory_space<vmem>>
        %dma_start3A_285 = tpu.memref_squeeze %dma_start3A_284 : memref<1x128xi32, #tpu.memory_space<vmem>> -> memref<128xi32, #tpu.memory_space<vmem>>
        %dma_start3A_286 = arith.constant 0 : i32
        %dma_start3A_287 = arith.constant 0 : i32
        %dma_start3A_288 = tpu.memref_slice %arg3[%dma_start3A_286, %dma_start3A_287] : memref<10240x128xf32, #tpu.memory_space<hbm>> -> memref<10240x128xf32, #tpu.memory_space<hbm>>
        tpu.enqueue_indirect_dma source(%dma_start3A_288 : memref<10240x128xf32, #tpu.memory_space<hbm>>) target(%dma_start3A_282 : memref<128x128xf32, #tpu.memory_space<vmem>>) offsets(%dma_start3A_285 : memref<128xi32, #tpu.memory_space<vmem>>) semaphore(%arg15 : memref<!tpu.dma_semaphore, #tpu.memory_space<semaphore_mem>>)
      } else {
      }
    }
    %gt3A_40 = arith.constant 0 : i32
    %gt3A_41 = arith.cmpi sgt, %select_n3A_8, %gt3A_40 : i32
    %convert_element_type3A_42 = arith.extui %gt3A_41 : i1 to i32
    %cond3A_43 = arith.constant 0 : i32
    %cond3A_44 = arith.cmpi ne, %convert_element_type3A_42, %cond3A_43 : i32
    scf.if %cond3A_44 {
      %dma_wait3A = arith.constant 0 : i32
      %dma_wait3A_45 = arith.constant 0 : i32
      %dma_wait3A_46 = arith.constant 0 : i32
      %dma_wait3A_47 = tpu.memref_slice %arg10[%dma_wait3A, %dma_wait3A_45, %dma_wait3A_46] : memref<2x128x128xf32, #tpu.memory_space<vmem>> -> memref<1x128x128xf32, #tpu.memory_space<vmem>>
      %dma_wait3A_48 = tpu.memref_squeeze %dma_wait3A_47 : memref<1x128x128xf32, #tpu.memory_space<vmem>> -> memref<128x128xf32, #tpu.memory_space<vmem>>
      %dma_wait3A_49 = arith.constant 0 : i32
      %dma_wait3A_50 = tpu.memref_slice %arg6[%mul3A_10, %dma_wait3A_49] : memref<327680x128xf32, #tpu.memory_space<hbm>> -> memref<128x128xf32, #tpu.memory_space<hbm>>
      %dma_wait3A_51 = arith.constant 0 : i32
      %dma_wait3A_52 = tpu.memref_slice %arg6[%mul3A_10, %dma_wait3A_51] : memref<327680x128xf32, #tpu.memory_space<hbm>> -> memref<128x128xf32, #tpu.memory_space<hbm>>
      %dma_wait3A_53 = arith.constant 0 : i32
      %dma_wait3A_54 = arith.constant 0 : i32
      %dma_wait3A_55 = tpu.memref_slice %arg10[%dma_wait3A, %dma_wait3A_53, %dma_wait3A_54] : memref<2x128x128xf32, #tpu.memory_space<vmem>> -> memref<1x128x128xf32, #tpu.memory_space<vmem>>
      %dma_wait3A_56 = tpu.memref_squeeze %dma_wait3A_55 : memref<1x128x128xf32, #tpu.memory_space<vmem>> -> memref<128x128xf32, #tpu.memory_space<vmem>>
      tpu.wait_dma2 semaphore(%arg16 : memref<!tpu.dma_semaphore, #tpu.memory_space<semaphore_mem>>) src(%dma_wait3A_56 : memref<128x128xf32, #tpu.memory_space<vmem>>) dst(%dma_wait3A_52 : memref<128x128xf32, #tpu.memory_space<hbm>>)
      %dma_wait3A_57 = arith.constant 1 : i32
      %dma_wait3A_58 = arith.constant 0 : i32
      %dma_wait3A_59 = arith.constant 0 : i32
      %dma_wait3A_60 = tpu.memref_slice %arg10[%dma_wait3A_57, %dma_wait3A_58, %dma_wait3A_59] : memref<2x128x128xf32, #tpu.memory_space<vmem>> -> memref<1x128x128xf32, #tpu.memory_space<vmem>>
      %dma_wait3A_61 = tpu.memref_squeeze %dma_wait3A_60 : memref<1x128x128xf32, #tpu.memory_space<vmem>> -> memref<128x128xf32, #tpu.memory_space<vmem>>
      %dma_wait3A_62 = arith.constant 0 : i32
      %dma_wait3A_63 = tpu.memref_slice %arg6[%mul3A_10, %dma_wait3A_62] : memref<327680x128xf32, #tpu.memory_space<hbm>> -> memref<128x128xf32, #tpu.memory_space<hbm>>
      %dma_wait3A_64 = arith.constant 0 : i32
      %dma_wait3A_65 = tpu.memref_slice %arg6[%mul3A_10, %dma_wait3A_64] : memref<327680x128xf32, #tpu.memory_space<hbm>> -> memref<128x128xf32, #tpu.memory_space<hbm>>
      %dma_wait3A_66 = arith.constant 0 : i32
      %dma_wait3A_67 = arith.constant 0 : i32
      %dma_wait3A_68 = tpu.memref_slice %arg10[%dma_wait3A_57, %dma_wait3A_66, %dma_wait3A_67] : memref<2x128x128xf32, #tpu.memory_space<vmem>> -> memref<1x128x128xf32, #tpu.memory_space<vmem>>
      %dma_wait3A_69 = tpu.memref_squeeze %dma_wait3A_68 : memref<1x128x128xf32, #tpu.memory_space<vmem>> -> memref<128x128xf32, #tpu.memory_space<vmem>>
      tpu.wait_dma2 semaphore(%arg17 : memref<!tpu.dma_semaphore, #tpu.memory_space<semaphore_mem>>) src(%dma_wait3A_69 : memref<128x128xf32, #tpu.memory_space<vmem>>) dst(%dma_wait3A_65 : memref<128x128xf32, #tpu.memory_space<hbm>>)
      %dma_wait3A_70 = arith.constant 0 : i32
      %dma_wait3A_71 = arith.constant 0 : i32
      %dma_wait3A_72 = arith.constant 0 : i32
      %dma_wait3A_73 = tpu.memref_slice %arg11[%dma_wait3A_70, %dma_wait3A_71, %dma_wait3A_72] : memref<2x128x128xf32, #tpu.memory_space<vmem>> -> memref<1x128x128xf32, #tpu.memory_space<vmem>>
      %dma_wait3A_74 = tpu.memref_squeeze %dma_wait3A_73 : memref<1x128x128xf32, #tpu.memory_space<vmem>> -> memref<128x128xf32, #tpu.memory_space<vmem>>
      %dma_wait3A_75 = arith.constant 0 : i32
      %dma_wait3A_76 = tpu.memref_slice %arg7[%mul3A_10, %dma_wait3A_75] : memref<327680x128xf32, #tpu.memory_space<hbm>> -> memref<128x128xf32, #tpu.memory_space<hbm>>
      %dma_wait3A_77 = arith.constant 0 : i32
      %dma_wait3A_78 = tpu.memref_slice %arg7[%mul3A_10, %dma_wait3A_77] : memref<327680x128xf32, #tpu.memory_space<hbm>> -> memref<128x128xf32, #tpu.memory_space<hbm>>
      %dma_wait3A_79 = arith.constant 0 : i32
      %dma_wait3A_80 = arith.constant 0 : i32
      %dma_wait3A_81 = tpu.memref_slice %arg11[%dma_wait3A_70, %dma_wait3A_79, %dma_wait3A_80] : memref<2x128x128xf32, #tpu.memory_space<vmem>> -> memref<1x128x128xf32, #tpu.memory_space<vmem>>
      %dma_wait3A_82 = tpu.memref_squeeze %dma_wait3A_81 : memref<1x128x128xf32, #tpu.memory_space<vmem>> -> memref<128x128xf32, #tpu.memory_space<vmem>>
      tpu.wait_dma2 semaphore(%arg18 : memref<!tpu.dma_semaphore, #tpu.memory_space<semaphore_mem>>) src(%dma_wait3A_82 : memref<128x128xf32, #tpu.memory_space<vmem>>) dst(%dma_wait3A_78 : memref<128x128xf32, #tpu.memory_space<hbm>>)
      %dma_wait3A_83 = arith.constant 1 : i32
      %dma_wait3A_84 = arith.constant 0 : i32
      %dma_wait3A_85 = arith.constant 0 : i32
      %dma_wait3A_86 = tpu.memref_slice %arg11[%dma_wait3A_83, %dma_wait3A_84, %dma_wait3A_85] : memref<2x128x128xf32, #tpu.memory_space<vmem>> -> memref<1x128x128xf32, #tpu.memory_space<vmem>>
      %dma_wait3A_87 = tpu.memref_squeeze %dma_wait3A_86 : memref<1x128x128xf32, #tpu.memory_space<vmem>> -> memref<128x128xf32, #tpu.memory_space<vmem>>
      %dma_wait3A_88 = arith.constant 0 : i32
      %dma_wait3A_89 = tpu.memref_slice %arg7[%mul3A_10, %dma_wait3A_88] : memref<327680x128xf32, #tpu.memory_space<hbm>> -> memref<128x128xf32, #tpu.memory_space<hbm>>
      %dma_wait3A_90 = arith.constant 0 : i32
      %dma_wait3A_91 = tpu.memref_slice %arg7[%mul3A_10, %dma_wait3A_90] : memref<327680x128xf32, #tpu.memory_space<hbm>> -> memref<128x128xf32, #tpu.memory_space<hbm>>
      %dma_wait3A_92 = arith.constant 0 : i32
      %dma_wait3A_93 = arith.constant 0 : i32
      %dma_wait3A_94 = tpu.memref_slice %arg11[%dma_wait3A_83, %dma_wait3A_92, %dma_wait3A_93] : memref<2x128x128xf32, #tpu.memory_space<vmem>> -> memref<1x128x128xf32, #tpu.memory_space<vmem>>
      %dma_wait3A_95 = tpu.memref_squeeze %dma_wait3A_94 : memref<1x128x128xf32, #tpu.memory_space<vmem>> -> memref<128x128xf32, #tpu.memory_space<vmem>>
      tpu.wait_dma2 semaphore(%arg19 : memref<!tpu.dma_semaphore, #tpu.memory_space<semaphore_mem>>) src(%dma_wait3A_95 : memref<128x128xf32, #tpu.memory_space<vmem>>) dst(%dma_wait3A_91 : memref<128x128xf32, #tpu.memory_space<hbm>>)
    } else {
    }
    return
  }
}

module attributes {stable_mosaic.version = 14 : i64} {
  func.func @_t1_body(%arg0: i32, %arg1: memref<2x640x128xf32, #tpu.memory_space<vmem>>, %arg2: memref<640x128xf32, #tpu.memory_space<vmem>>, %arg3: memref<128x128xf32, #tpu.memory_space<vmem>>, %arg4: memref<640x16xf32, #tpu.memory_space<vmem>>, %arg5: memref<640x128xf32, #tpu.memory_space<vmem>>) attributes {dimension_semantics = [#tpu.dimension_semantics<arbitrary>], iteration_bounds = array<i64: 16>, scalar_prefetch = 0 : i64, scratch_operands = 0 : i64, tpu.core_type = #tpu.core_type<tc>, window_params = [{transform_indices = @transform_0, window_bounds = array<i64: 2, 640, 128>}, {transform_indices = @transform_1, window_bounds = array<i64: 640, 128>}, {pipeline_mode = #tpu.pipeline_mode<synchronous>, transform_indices = @transform_2, window_bounds = array<i64: 128, 128>}, {transform_indices = @transform_3, window_bounds = array<i64: 640, 16>}, {transform_indices = @transform_4, window_bounds = array<i64: 640, 128>}]} {
    %get3A = arith.constant 0 : index
    %get3A_0 = arith.constant 0 : index
    %get3A_1 = arith.constant 0 : index
    %get3A_2 = vector.load %arg1[%get3A, %get3A_0, %get3A_1] : memref<2x640x128xf32, #tpu.memory_space<vmem>>, vector<2x640x128xf32>
    %slice3A = vector.extract_strided_slice %get3A_2 {offsets = [0, 0, 0], sizes = [1, 640, 16], strides = [1, 1, 1]} : vector<2x640x128xf32> to vector<1x640x16xf32>
    %squeeze3A = vector.shape_cast %slice3A : vector<1x640x16xf32> to vector<640x16xf32>
    %slice3A_3 = vector.extract_strided_slice %get3A_2 {offsets = [1, 0, 0], sizes = [1, 640, 16], strides = [1, 1, 1]} : vector<2x640x128xf32> to vector<1x640x16xf32>
    %squeeze3A_4 = vector.shape_cast %slice3A_3 : vector<1x640x16xf32> to vector<640x16xf32>
    %add3A = arith.addf %squeeze3A, %squeeze3A_4 : vector<640x16xf32>
    %add3A_5 = arith.constant 1.000000e+00 : f32
    %add3A_6 = vector.broadcast %add3A_5 : f32 to vector<640x16xf32>
    %add3A_7 = arith.addf %add3A, %add3A_6 : vector<640x16xf32>
    %iota3A = tpu.iota {dimensions = array<i32: 0>} : vector<640x16xi32>
    %mul3A = arith.constant 640 : i32
    %mul3A_8 = arith.muli %arg0, %mul3A : i32
    %add3A_9 = vector.broadcast %mul3A_8 : i32 to vector<640x16xi32>
    %add3A_10 = arith.addi %iota3A, %add3A_9 : vector<640x16xi32>
    %lt3A = arith.constant 10000 : i32
    %lt3A_11 = vector.broadcast %lt3A : i32 to vector<640x16xi32>
    %lt3A_12 = arith.cmpi slt, %add3A_10, %lt3A_11 : vector<640x16xi32>
    %rsqrt3A = math.rsqrt %add3A_7 : vector<640x16xf32>
    %jit3A = arith.constant 0.000000e+00 : f32
    %broadcast_in_dim3A = vector.broadcast %jit3A : f32 to vector<640x16xf32>
    %select_n3A = arith.select %lt3A_12, %rsqrt3A, %broadcast_in_dim3A : vector<640x16xi1>, vector<640x16xf32>
    %swap3A = arith.constant 0 : index
    %swap3A_13 = arith.constant 0 : index
    %swap3A_14 = vector.load %arg4[%swap3A, %swap3A_13] : memref<640x16xf32, #tpu.memory_space<vmem>>, vector<640x16xf32>
    tpu.vector_store %arg4[%swap3A, %swap3A_13], %select_n3A {strides = array<i32>} : memref<640x16xf32, #tpu.memory_space<vmem>>, vector<640x16xf32>,
    %get3A_15 = arith.constant 0 : index
    %get3A_16 = arith.constant 0 : index
    %get3A_17 = vector.load %arg2[%get3A_15, %get3A_16] : memref<640x128xf32, #tpu.memory_space<vmem>>, vector<640x128xf32>
    %get3A_18 = arith.constant 0 : index
    %get3A_19 = arith.constant 0 : index
    %get3A_20 = vector.load %arg3[%get3A_18, %get3A_19] : memref<128x128xf32, #tpu.memory_space<vmem>>, vector<128x128xf32>
    %dot_general3A = arith.constant dense<0.000000e+00> : vector<640x128xf32>
    %dot_general3A_21 = tpu.matmul %get3A_17, %get3A_20, %dot_general3A {dimension_numbers = #tpu.dot_dimension_numbers<[1], [0], [0], [1], [0, 0, 1, 1], [], []>, transpose_lhs_hint = false} : vector<640x128xf32>, vector<128x128xf32>, vector<640x128xf32> -> vector<640x128xf32>
    %slice3A_22 = vector.extract_strided_slice %select_n3A {offsets = [0, 0], sizes = [640, 1], strides = [1, 1]} : vector<640x16xf32> to vector<640x1xf32>
    %mul3A_23 = vector.broadcast %slice3A_22 : vector<640x1xf32> to vector<640x128xf32>
    %mul3A_24 = arith.mulf %dot_general3A_21, %mul3A_23 : vector<640x128xf32>
    %swap3A_25 = arith.constant 0 : index
    %swap3A_26 = arith.constant 0 : index
    %swap3A_27 = vector.load %arg5[%swap3A_25, %swap3A_26] : memref<640x128xf32, #tpu.memory_space<vmem>>, vector<640x128xf32>
    tpu.vector_store %arg5[%swap3A_25, %swap3A_26], %mul3A_24 {strides = array<i32>} : memref<640x128xf32, #tpu.memory_space<vmem>>, vector<640x128xf32>,
    return
  }
  func.func @transform_0(%arg0: i32) -> (i32, i32, i32) {
    %c0_i32 = arith.constant 0 : i32
    %c0_i32_0 = arith.constant 0 : i32
    %c0_i32_1 = arith.constant 0 : i32
    return %c0_i32, %arg0, %c0_i32_0 : i32, i32, i32
  }
  func.func @transform_1(%arg0: i32) -> (i32, i32) {
    %c0_i32 = arith.constant 0 : i32
    %c0_i32_0 = arith.constant 0 : i32
    return %arg0, %c0_i32 : i32, i32
  }
  func.func @transform_2(%arg0: i32) -> (i32, i32) {
    %c0_i32 = arith.constant 0 : i32
    %c0_i32_0 = arith.constant 0 : i32
    %c0_i32_1 = arith.constant 0 : i32
    return %c0_i32, %c0_i32_0 : i32, i32
  }
  func.func @transform_3(%arg0: i32) -> (i32, i32) {
    %c0_i32 = arith.constant 0 : i32
    %c0_i32_0 = arith.constant 0 : i32
    return %arg0, %c0_i32 : i32, i32
  }
  func.func @transform_4(%arg0: i32) -> (i32, i32) {
    %c0_i32 = arith.constant 0 : i32
    %c0_i32_0 = arith.constant 0 : i32
    return %arg0, %c0_i32 : i32, i32
  }
}

module attributes {stable_mosaic.version = 14 : i64} {
  func.func @_t2_body(%arg0: i32, %arg1: memref<2x640x128xf32, #tpu.memory_space<vmem>>, %arg2: memref<640x128xf32, #tpu.memory_space<vmem>>, %arg3: memref<640x16xf32, #tpu.memory_space<vmem>>, %arg4: memref<128xf32, #tpu.memory_space<vmem>>, %arg5: memref<640x128xf32, #tpu.memory_space<vmem>>, %arg6: memref<2x128xf32, #tpu.memory_space<vmem>>) attributes {dimension_semantics = [#tpu.dimension_semantics<arbitrary>], iteration_bounds = array<i64: 16>, scalar_prefetch = 0 : i64, scratch_operands = 0 : i64, tpu.core_type = #tpu.core_type<tc>, window_params = [{transform_indices = @transform_0, window_bounds = array<i64: 2, 640, 128>}, {transform_indices = @transform_1, window_bounds = array<i64: 640, 128>}, {transform_indices = @transform_2, window_bounds = array<i64: 640, 16>}, {pipeline_mode = #tpu.pipeline_mode<synchronous>, transform_indices = @transform_3, window_bounds = array<i64: 128>}, {transform_indices = @transform_4, window_bounds = array<i64: 640, 128>}, {pipeline_mode = #tpu.pipeline_mode<synchronous>, transform_indices = @transform_5, window_bounds = array<i64: 2, 128>}]} {
    %get3A = arith.constant 0 : index
    %get3A_0 = arith.constant 0 : index
    %get3A_1 = arith.constant 0 : index
    %get3A_2 = vector.load %arg1[%get3A, %get3A_0, %get3A_1] : memref<2x640x128xf32, #tpu.memory_space<vmem>>, vector<2x640x128xf32>
    %slice3A = vector.extract_strided_slice %get3A_2 {offsets = [0, 0, 0], sizes = [1, 640, 128], strides = [1, 1, 1]} : vector<2x640x128xf32> to vector<1x640x128xf32>
    %squeeze3A = vector.shape_cast %slice3A : vector<1x640x128xf32> to vector<640x128xf32>
    %slice3A_3 = vector.extract_strided_slice %get3A_2 {offsets = [1, 0, 0], sizes = [1, 640, 128], strides = [1, 1, 1]} : vector<2x640x128xf32> to vector<1x640x128xf32>
    %squeeze3A_4 = vector.shape_cast %slice3A_3 : vector<1x640x128xf32> to vector<640x128xf32>
    %add3A = arith.addf %squeeze3A, %squeeze3A_4 : vector<640x128xf32>
    %get3A_5 = arith.constant 0 : index
    %get3A_6 = arith.constant 0 : index
    %get3A_7 = vector.load %arg2[%get3A_5, %get3A_6] : memref<640x128xf32, #tpu.memory_space<vmem>>, vector<640x128xf32>
    %add3A_8 = arith.addf %add3A, %get3A_7 : vector<640x128xf32>
    %get3A_9 = arith.constant 0 : index
    %get3A_10 = arith.constant 0 : index
    %get3A_11 = vector.load %arg3[%get3A_9, %get3A_10] : memref<640x16xf32, #tpu.memory_space<vmem>>, vector<640x16xf32>
    %slice3A_12 = vector.extract_strided_slice %get3A_11 {offsets = [0, 0], sizes = [640, 1], strides = [1, 1]} : vector<640x16xf32> to vector<640x1xf32>
    %mul3A = vector.broadcast %slice3A_12 : vector<640x1xf32> to vector<640x128xf32>
    %mul3A_13 = arith.mulf %add3A_8, %mul3A : vector<640x128xf32>
    %get3A_14 = arith.constant 0 : index
    %get3A_15 = vector.load %arg4[%get3A_14] : memref<128xf32, #tpu.memory_space<vmem>>, vector<128xf32>
    %broadcast_in_dim3A = vector.shape_cast %get3A_15 : vector<128xf32> to vector<1x128xf32>
    %add3A_16 = vector.broadcast %broadcast_in_dim3A : vector<1x128xf32> to vector<640x128xf32>
    %add3A_17 = arith.addf %mul3A_13, %add3A_16 : vector<640x128xf32>
    %iota3A = tpu.iota {dimensions = array<i32: 0>} : vector<640x128xi32>
    %mul3A_18 = arith.constant 640 : i32
    %mul3A_19 = arith.muli %arg0, %mul3A_18 : i32
    %add3A_20 = vector.broadcast %mul3A_19 : i32 to vector<640x128xi32>
    %add3A_21 = arith.addi %iota3A, %add3A_20 : vector<640x128xi32>
    %lt3A = arith.constant 10000 : i32
    %lt3A_22 = vector.broadcast %lt3A : i32 to vector<640x128xi32>
    %lt3A_23 = arith.cmpi slt, %add3A_21, %lt3A_22 : vector<640x128xi32>
    %jit3A = arith.constant 0.000000e+00 : f32
    %broadcast_in_dim3A_24 = vector.broadcast %jit3A : f32 to vector<640x128xf32>
    %select_n3A = arith.select %lt3A_23, %add3A_17, %broadcast_in_dim3A_24 : vector<640x128xi1>, vector<640x128xf32>
    %reduce_sum3A = arith.constant dense<0.000000e+00> : vector<128xf32>
    %reduce_sum3A_25 = vector.multi_reduction <add>, %select_n3A, %reduce_sum3A [0] : vector<640x128xf32> to vector<128xf32>
    %mul3A_26 = arith.mulf %select_n3A, %select_n3A : vector<640x128xf32>
    %reduce_sum3A_27 = arith.constant dense<0.000000e+00> : vector<128xf32>
    %reduce_sum3A_28 = vector.multi_reduction <add>, %mul3A_26, %reduce_sum3A_27 [0] : vector<640x128xf32> to vector<128xf32>
    %broadcast_in_dim3A_29 = vector.shape_cast %reduce_sum3A_25 : vector<128xf32> to vector<1x128xf32>
    %broadcast_in_dim3A_30 = vector.shape_cast %reduce_sum3A_28 : vector<128xf32> to vector<1x128xf32>
    %concatenate3A = tpu.concatenate %broadcast_in_dim3A_29, %broadcast_in_dim3A_30 in 0 : vector<1x128xf32>, vector<1x128xf32> -> vector<2x128xf32>
    %swap3A = arith.constant 0 : index
    %swap3A_31 = arith.constant 0 : index
    %swap3A_32 = vector.load %arg5[%swap3A, %swap3A_31] : memref<640x128xf32, #tpu.memory_space<vmem>>, vector<640x128xf32>
    tpu.vector_store %arg5[%swap3A, %swap3A_31], %add3A_17 {strides = array<i32>} : memref<640x128xf32, #tpu.memory_space<vmem>>, vector<640x128xf32>,
    %eq3A = arith.constant 0 : i32
    %eq3A_33 = arith.cmpi eq, %arg0, %eq3A : i32
    %convert_element_type3A = arith.extui %eq3A_33 : i1 to i32
    %cond3A = arith.constant 0 : i32
    %cond3A_34 = arith.cmpi ne, %convert_element_type3A, %cond3A : i32
    scf.if %cond3A_34 {
      %swap3A_39 = arith.constant 0 : index
      %swap3A_40 = arith.constant 0 : index
      %swap3A_41 = vector.load %arg6[%swap3A_39, %swap3A_40] : memref<2x128xf32, #tpu.memory_space<vmem>>, vector<2x128xf32>
      tpu.vector_store %arg6[%swap3A_39, %swap3A_40], %concatenate3A {strides = array<i32>} : memref<2x128xf32, #tpu.memory_space<vmem>>, vector<2x128xf32>,
    } else {
    }
    %gt3A = arith.constant 0 : i32
    %gt3A_35 = arith.cmpi sgt, %arg0, %gt3A : i32
    %convert_element_type3A_36 = arith.extui %gt3A_35 : i1 to i32
    %cond3A_37 = arith.constant 0 : i32
    %cond3A_38 = arith.cmpi ne, %convert_element_type3A_36, %cond3A_37 : i32
    scf.if %cond3A_38 {
      %get3A_39 = arith.constant 0 : index
      %get3A_40 = arith.constant 0 : index
      %get3A_41 = vector.load %arg6[%get3A_39, %get3A_40] : memref<2x128xf32, #tpu.memory_space<vmem>>, vector<2x128xf32>
      %add3A_42 = arith.addf %get3A_41, %concatenate3A : vector<2x128xf32>
      %swap3A_43 = arith.constant 0 : index
      %swap3A_44 = arith.constant 0 : index
      %swap3A_45 = vector.load %arg6[%swap3A_43, %swap3A_44] : memref<2x128xf32, #tpu.memory_space<vmem>>, vector<2x128xf32>
      tpu.vector_store %arg6[%swap3A_43, %swap3A_44], %add3A_42 {strides = array<i32>} : memref<2x128xf32, #tpu.memory_space<vmem>>, vector<2x128xf32>,
    } else {
    }
    return
  }
  func.func @transform_0(%arg0: i32) -> (i32, i32, i32) {
    %c0_i32 = arith.constant 0 : i32
    %c0_i32_0 = arith.constant 0 : i32
    %c0_i32_1 = arith.constant 0 : i32
    return %c0_i32, %arg0, %c0_i32_0 : i32, i32, i32
  }
  func.func @transform_1(%arg0: i32) -> (i32, i32) {
    %c0_i32 = arith.constant 0 : i32
    %c0_i32_0 = arith.constant 0 : i32
    return %arg0, %c0_i32 : i32, i32
  }
  func.func @transform_2(%arg0: i32) -> (i32, i32) {
    %c0_i32 = arith.constant 0 : i32
    %c0_i32_0 = arith.constant 0 : i32
    return %arg0, %c0_i32 : i32, i32
  }
  func.func @transform_3(%arg0: i32) -> i32 {
    %c0_i32 = arith.constant 0 : i32
    %c0_i32_0 = arith.constant 0 : i32
    return %c0_i32 : i32
  }
  func.func @transform_4(%arg0: i32) -> (i32, i32) {
    %c0_i32 = arith.constant 0 : i32
    %c0_i32_0 = arith.constant 0 : i32
    return %arg0, %c0_i32 : i32, i32
  }
  func.func @transform_5(%arg0: i32) -> (i32, i32) {
    %c0_i32 = arith.constant 0 : i32
    %c0_i32_0 = arith.constant 0 : i32
    %c0_i32_1 = arith.constant 0 : i32
    return %c0_i32, %c0_i32_0 : i32, i32
  }
}

module attributes {stable_mosaic.version = 14 : i64} {
  func.func @_t3_body(%arg0: i32, %arg1: memref<640x128xf32, #tpu.memory_space<vmem>>, %arg2: memref<2x128xf32, #tpu.memory_space<vmem>>, %arg3: memref<128xf32, #tpu.memory_space<vmem>>, %arg4: memref<128xf32, #tpu.memory_space<vmem>>, %arg5: memref<128x128xf32, #tpu.memory_space<vmem>>, %arg6: memref<640x16xf32, #tpu.memory_space<vmem>>, %arg7: memref<640x128xf32, #tpu.memory_space<vmem>>) attributes {dimension_semantics = [#tpu.dimension_semantics<arbitrary>], iteration_bounds = array<i64: 16>, scalar_prefetch = 0 : i64, scratch_operands = 0 : i64, tpu.core_type = #tpu.core_type<tc>, window_params = [{transform_indices = @transform_0, window_bounds = array<i64: 640, 128>}, {pipeline_mode = #tpu.pipeline_mode<synchronous>, transform_indices = @transform_1, window_bounds = array<i64: 2, 128>}, {pipeline_mode = #tpu.pipeline_mode<synchronous>, transform_indices = @transform_2, window_bounds = array<i64: 128>}, {pipeline_mode = #tpu.pipeline_mode<synchronous>, transform_indices = @transform_3, window_bounds = array<i64: 128>}, {pipeline_mode = #tpu.pipeline_mode<synchronous>, transform_indices = @transform_4, window_bounds = array<i64: 128, 128>}, {transform_indices = @transform_5, window_bounds = array<i64: 640, 16>}, {transform_indices = @transform_6, window_bounds = array<i64: 640, 128>}]} {
    %get3A = arith.constant 0 : index
    %get3A_0 = arith.constant 0 : index
    %get3A_1 = vector.load %arg2[%get3A, %get3A_0] : memref<2x128xf32, #tpu.memory_space<vmem>>, vector<2x128xf32>
    %slice3A = vector.extract_strided_slice %get3A_1 {offsets = [0, 0], sizes = [1, 128], strides = [1, 1]} : vector<2x128xf32> to vector<1x128xf32>
    %squeeze3A = vector.shape_cast %slice3A : vector<1x128xf32> to vector<128xf32>
    %div3A = arith.constant 1.000000e+04 : f32
    %div3A_2 = vector.broadcast %div3A : f32 to vector<128xf32>
    %div3A_3 = arith.divf %squeeze3A, %div3A_2 : vector<128xf32>
    %slice3A_4 = vector.extract_strided_slice %get3A_1 {offsets = [1, 0], sizes = [1, 128], strides = [1, 1]} : vector<2x128xf32> to vector<1x128xf32>
    %squeeze3A_5 = vector.shape_cast %slice3A_4 : vector<1x128xf32> to vector<128xf32>
    %div3A_6 = arith.constant 1.000000e+04 : f32
    %div3A_7 = vector.broadcast %div3A_6 : f32 to vector<128xf32>
    %div3A_8 = arith.divf %squeeze3A_5, %div3A_7 : vector<128xf32>
    %mul3A = arith.mulf %div3A_3, %div3A_3 : vector<128xf32>
    %sub3A = arith.subf %div3A_8, %mul3A : vector<128xf32>
    %add3A = arith.constant 9.99999974E-6 : f32
    %add3A_9 = vector.broadcast %add3A : f32 to vector<128xf32>
    %add3A_10 = arith.addf %sub3A, %add3A_9 : vector<128xf32>
    %rsqrt3A = math.rsqrt %add3A_10 : vector<128xf32>
    %get3A_11 = arith.constant 0 : index
    %get3A_12 = vector.load %arg3[%get3A_11] : memref<128xf32, #tpu.memory_space<vmem>>, vector<128xf32>
    %mul3A_13 = arith.mulf %rsqrt3A, %get3A_12 : vector<128xf32>
    %get3A_14 = arith.constant 0 : index
    %get3A_15 = vector.load %arg4[%get3A_14] : memref<128xf32, #tpu.memory_space<vmem>>, vector<128xf32>
    %mul3A_16 = arith.mulf %div3A_3, %mul3A_13 : vector<128xf32>
    %sub3A_17 = arith.subf %get3A_15, %mul3A_16 : vector<128xf32>
    %get3A_18 = arith.constant 0 : index
    %get3A_19 = arith.constant 0 : index
    %get3A_20 = vector.load %arg1[%get3A_18, %get3A_19] : memref<640x128xf32, #tpu.memory_space<vmem>>, vector<640x128xf32>
    %broadcast_in_dim3A = vector.shape_cast %mul3A_13 : vector<128xf32> to vector<1x128xf32>
    %mul3A_21 = vector.broadcast %broadcast_in_dim3A : vector<1x128xf32> to vector<640x128xf32>
    %mul3A_22 = arith.mulf %get3A_20, %mul3A_21 : vector<640x128xf32>
    %broadcast_in_dim3A_23 = vector.shape_cast %sub3A_17 : vector<128xf32> to vector<1x128xf32>
    %add3A_24 = vector.broadcast %broadcast_in_dim3A_23 : vector<1x128xf32> to vector<640x128xf32>
    %add3A_25 = arith.addf %mul3A_22, %add3A_24 : vector<640x128xf32>
    %max3A = arith.constant 0.000000e+00 : f32
    %max3A_26 = vector.broadcast %max3A : f32 to vector<640x128xf32>
    %max3A_27 = arith.maximumf %add3A_25, %max3A_26 : vector<640x128xf32>
    %get3A_28 = arith.constant 0 : index
    %get3A_29 = arith.constant 0 : index
    %get3A_30 = vector.load %arg5[%get3A_28, %get3A_29] : memref<128x128xf32, #tpu.memory_space<vmem>>, vector<128x128xf32>
    %dot_general3A = arith.constant dense<0.000000e+00> : vector<640x128xf32>
    %dot_general3A_31 = tpu.matmul %max3A_27, %get3A_30, %dot_general3A {dimension_numbers = #tpu.dot_dimension_numbers<[1], [0], [0], [1], [0, 0, 1, 1], [], []>, transpose_lhs_hint = false} : vector<640x128xf32>, vector<128x128xf32>, vector<640x128xf32> -> vector<640x128xf32>
    %get3A_32 = arith.constant 0 : index
    %get3A_33 = arith.constant 0 : index
    %get3A_34 = vector.load %arg6[%get3A_32, %get3A_33] : memref<640x16xf32, #tpu.memory_space<vmem>>, vector<640x16xf32>
    %slice3A_35 = vector.extract_strided_slice %get3A_34 {offsets = [0, 0], sizes = [640, 1], strides = [1, 1]} : vector<640x16xf32> to vector<640x1xf32>
    %mul3A_36 = vector.broadcast %slice3A_35 : vector<640x1xf32> to vector<640x128xf32>
    %mul3A_37 = arith.mulf %dot_general3A_31, %mul3A_36 : vector<640x128xf32>
    %swap3A = arith.constant 0 : index
    %swap3A_38 = arith.constant 0 : index
    %swap3A_39 = vector.load %arg7[%swap3A, %swap3A_38] : memref<640x128xf32, #tpu.memory_space<vmem>>, vector<640x128xf32>
    tpu.vector_store %arg7[%swap3A, %swap3A_38], %mul3A_37 {strides = array<i32>} : memref<640x128xf32, #tpu.memory_space<vmem>>, vector<640x128xf32>,
    return
  }
  func.func @transform_0(%arg0: i32) -> (i32, i32) {
    %c0_i32 = arith.constant 0 : i32
    %c0_i32_0 = arith.constant 0 : i32
    return %arg0, %c0_i32 : i32, i32
  }
  func.func @transform_1(%arg0: i32) -> (i32, i32) {
    %c0_i32 = arith.constant 0 : i32
    %c0_i32_0 = arith.constant 0 : i32
    %c0_i32_1 = arith.constant 0 : i32
    return %c0_i32, %c0_i32_0 : i32, i32
  }
  func.func @transform_2(%arg0: i32) -> i32 {
    %c0_i32 = arith.constant 0 : i32
    %c0_i32_0 = arith.constant 0 : i32
    return %c0_i32 : i32
  }
  func.func @transform_3(%arg0: i32) -> i32 {
    %c0_i32 = arith.constant 0 : i32
    %c0_i32_0 = arith.constant 0 : i32
    return %c0_i32 : i32
  }
  func.func @transform_4(%arg0: i32) -> (i32, i32) {
    %c0_i32 = arith.constant 0 : i32
    %c0_i32_0 = arith.constant 0 : i32
    %c0_i32_1 = arith.constant 0 : i32
    return %c0_i32, %c0_i32_0 : i32, i32
  }
  func.func @transform_5(%arg0: i32) -> (i32, i32) {
    %c0_i32 = arith.constant 0 : i32
    %c0_i32_0 = arith.constant 0 : i32
    return %arg0, %c0_i32 : i32, i32
  }
  func.func @transform_6(%arg0: i32) -> (i32, i32) {
    %c0_i32 = arith.constant 0 : i32
    %c0_i32_0 = arith.constant 0 : i32
    return %arg0, %c0_i32 : i32, i32
  }
}

module attributes {stable_mosaic.version = 14 : i64} {
  func.func @_t7_body(%arg0: i32, %arg1: memref<640x128xf32, #tpu.memory_space<vmem>>, %arg2: memref<2x128xf32, #tpu.memory_space<vmem>>, %arg3: memref<128xf32, #tpu.memory_space<vmem>>, %arg4: memref<128xf32, #tpu.memory_space<vmem>>, %arg5: memref<256x128xf32, #tpu.memory_space<vmem>>, %arg6: memref<128xf32, #tpu.memory_space<vmem>>, %arg7: memref<640x128xf32, #tpu.memory_space<vmem>>, %arg8: memref<640x128xf32, #tpu.memory_space<vmem>>) attributes {dimension_semantics = [#tpu.dimension_semantics<arbitrary>], iteration_bounds = array<i64: 16>, scalar_prefetch = 0 : i64, scratch_operands = 0 : i64, tpu.core_type = #tpu.core_type<tc>, window_params = [{transform_indices = @transform_0, window_bounds = array<i64: 640, 128>}, {pipeline_mode = #tpu.pipeline_mode<synchronous>, transform_indices = @transform_1, window_bounds = array<i64: 2, 128>}, {pipeline_mode = #tpu.pipeline_mode<synchronous>, transform_indices = @transform_2, window_bounds = array<i64: 128>}, {pipeline_mode = #tpu.pipeline_mode<synchronous>, transform_indices = @transform_3, window_bounds = array<i64: 128>}, {pipeline_mode = #tpu.pipeline_mode<synchronous>, transform_indices = @transform_4, window_bounds = array<i64: 256, 128>}, {pipeline_mode = #tpu.pipeline_mode<synchronous>, transform_indices = @transform_5, window_bounds = array<i64: 128>}, {transform_indices = @transform_6, window_bounds = array<i64: 640, 128>}, {transform_indices = @transform_7, window_bounds = array<i64: 640, 128>}]} {
    %get3A = arith.constant 0 : index
    %get3A_0 = arith.constant 0 : index
    %get3A_1 = vector.load %arg2[%get3A, %get3A_0] : memref<2x128xf32, #tpu.memory_space<vmem>>, vector<2x128xf32>
    %slice3A = vector.extract_strided_slice %get3A_1 {offsets = [0, 0], sizes = [1, 128], strides = [1, 1]} : vector<2x128xf32> to vector<1x128xf32>
    %squeeze3A = vector.shape_cast %slice3A : vector<1x128xf32> to vector<128xf32>
    %div3A = arith.constant 1.000000e+04 : f32
    %div3A_2 = vector.broadcast %div3A : f32 to vector<128xf32>
    %div3A_3 = arith.divf %squeeze3A, %div3A_2 : vector<128xf32>
    %slice3A_4 = vector.extract_strided_slice %get3A_1 {offsets = [1, 0], sizes = [1, 128], strides = [1, 1]} : vector<2x128xf32> to vector<1x128xf32>
    %squeeze3A_5 = vector.shape_cast %slice3A_4 : vector<1x128xf32> to vector<128xf32>
    %div3A_6 = arith.constant 1.000000e+04 : f32
    %div3A_7 = vector.broadcast %div3A_6 : f32 to vector<128xf32>
    %div3A_8 = arith.divf %squeeze3A_5, %div3A_7 : vector<128xf32>
    %mul3A = arith.mulf %div3A_3, %div3A_3 : vector<128xf32>
    %sub3A = arith.subf %div3A_8, %mul3A : vector<128xf32>
    %add3A = arith.constant 9.99999974E-6 : f32
    %add3A_9 = vector.broadcast %add3A : f32 to vector<128xf32>
    %add3A_10 = arith.addf %sub3A, %add3A_9 : vector<128xf32>
    %rsqrt3A = math.rsqrt %add3A_10 : vector<128xf32>
    %get3A_11 = arith.constant 0 : index
    %get3A_12 = vector.load %arg3[%get3A_11] : memref<128xf32, #tpu.memory_space<vmem>>, vector<128xf32>
    %mul3A_13 = arith.mulf %rsqrt3A, %get3A_12 : vector<128xf32>
    %get3A_14 = arith.constant 0 : index
    %get3A_15 = vector.load %arg4[%get3A_14] : memref<128xf32, #tpu.memory_space<vmem>>, vector<128xf32>
    %mul3A_16 = arith.mulf %div3A_3, %mul3A_13 : vector<128xf32>
    %sub3A_17 = arith.subf %get3A_15, %mul3A_16 : vector<128xf32>
    %get3A_18 = arith.constant 0 : index
    %get3A_19 = arith.constant 0 : index
    %get3A_20 = vector.load %arg1[%get3A_18, %get3A_19] : memref<640x128xf32, #tpu.memory_space<vmem>>, vector<640x128xf32>
    %broadcast_in_dim3A = vector.shape_cast %mul3A_13 : vector<128xf32> to vector<1x128xf32>
    %mul3A_21 = vector.broadcast %broadcast_in_dim3A : vector<1x128xf32> to vector<640x128xf32>
    %mul3A_22 = arith.mulf %get3A_20, %mul3A_21 : vector<640x128xf32>
    %broadcast_in_dim3A_23 = vector.shape_cast %sub3A_17 : vector<128xf32> to vector<1x128xf32>
    %add3A_24 = vector.broadcast %broadcast_in_dim3A_23 : vector<1x128xf32> to vector<640x128xf32>
    %add3A_25 = arith.addf %mul3A_22, %add3A_24 : vector<640x128xf32>
    %max3A = arith.constant 0.000000e+00 : f32
    %max3A_26 = vector.broadcast %max3A : f32 to vector<640x128xf32>
    %max3A_27 = arith.maximumf %add3A_25, %max3A_26 : vector<640x128xf32>
    %get3A_28 = arith.constant 0 : index
    %get3A_29 = arith.constant 0 : index
    %get3A_30 = vector.load %arg5[%get3A_28, %get3A_29] : memref<256x128xf32, #tpu.memory_space<vmem>>, vector<256x128xf32>
    %slice3A_31 = vector.extract_strided_slice %get3A_30 {offsets = [0, 0], sizes = [128, 128], strides = [1, 1]} : vector<256x128xf32> to vector<128x128xf32>
    %dot_general3A = arith.constant dense<0.000000e+00> : vector<640x128xf32>
    %dot_general3A_32 = tpu.matmul %max3A_27, %slice3A_31, %dot_general3A {dimension_numbers = #tpu.dot_dimension_numbers<[1], [0], [0], [1], [0, 0, 1, 1], [], []>, transpose_lhs_hint = false} : vector<640x128xf32>, vector<128x128xf32>, vector<640x128xf32> -> vector<640x128xf32>
    %get3A_33 = arith.constant 0 : index
    %get3A_34 = vector.load %arg6[%get3A_33] : memref<128xf32, #tpu.memory_space<vmem>>, vector<128xf32>
    %broadcast_in_dim3A_35 = vector.shape_cast %get3A_34 : vector<128xf32> to vector<1x128xf32>
    %add3A_36 = vector.broadcast %broadcast_in_dim3A_35 : vector<1x128xf32> to vector<640x128xf32>
    %add3A_37 = arith.addf %dot_general3A_32, %add3A_36 : vector<640x128xf32>
    %swap3A = arith.constant 0 : index
    %swap3A_38 = arith.constant 0 : index
    %swap3A_39 = vector.load %arg7[%swap3A, %swap3A_38] : memref<640x128xf32, #tpu.memory_space<vmem>>, vector<640x128xf32>
    tpu.vector_store %arg7[%swap3A, %swap3A_38], %add3A_37 {strides = array<i32>} : memref<640x128xf32, #tpu.memory_space<vmem>>, vector<640x128xf32>,
    %slice3A_40 = vector.extract_strided_slice %get3A_30 {offsets = [128, 0], sizes = [128, 128], strides = [1, 1]} : vector<256x128xf32> to vector<128x128xf32>
    %dot_general3A_41 = arith.constant dense<0.000000e+00> : vector<640x128xf32>
    %dot_general3A_42 = tpu.matmul %max3A_27, %slice3A_40, %dot_general3A_41 {dimension_numbers = #tpu.dot_dimension_numbers<[1], [0], [0], [1], [0, 0, 1, 1], [], []>, transpose_lhs_hint = false} : vector<640x128xf32>, vector<128x128xf32>, vector<640x128xf32> -> vector<640x128xf32>
    %swap3A_43 = arith.constant 0 : index
    %swap3A_44 = arith.constant 0 : index
    %swap3A_45 = vector.load %arg8[%swap3A_43, %swap3A_44] : memref<640x128xf32, #tpu.memory_space<vmem>>, vector<640x128xf32>
    tpu.vector_store %arg8[%swap3A_43, %swap3A_44], %dot_general3A_42 {strides = array<i32>} : memref<640x128xf32, #tpu.memory_space<vmem>>, vector<640x128xf32>,
    return
  }
  func.func @transform_0(%arg0: i32) -> (i32, i32) {
    %c0_i32 = arith.constant 0 : i32
    %c0_i32_0 = arith.constant 0 : i32
    return %arg0, %c0_i32 : i32, i32
  }
  func.func @transform_1(%arg0: i32) -> (i32, i32) {
    %c0_i32 = arith.constant 0 : i32
    %c0_i32_0 = arith.constant 0 : i32
    %c0_i32_1 = arith.constant 0 : i32
    return %c0_i32, %c0_i32_0 : i32, i32
  }
  func.func @transform_2(%arg0: i32) -> i32 {
    %c0_i32 = arith.constant 0 : i32
    %c0_i32_0 = arith.constant 0 : i32
    return %c0_i32 : i32
  }
  func.func @transform_3(%arg0: i32) -> i32 {
    %c0_i32 = arith.constant 0 : i32
    %c0_i32_0 = arith.constant 0 : i32
    return %c0_i32 : i32
  }
  func.func @transform_4(%arg0: i32) -> (i32, i32) {
    %c0_i32 = arith.constant 0 : i32
    %c0_i32_0 = arith.constant 0 : i32
    %c0_i32_1 = arith.constant 0 : i32
    return %c0_i32, %c0_i32_0 : i32, i32
  }
  func.func @transform_5(%arg0: i32) -> i32 {
    %c0_i32 = arith.constant 0 : i32
    %c0_i32_0 = arith.constant 0 : i32
    return %c0_i32 : i32
  }
  func.func @transform_6(%arg0: i32) -> (i32, i32) {
    %c0_i32 = arith.constant 0 : i32
    %c0_i32_0 = arith.constant 0 : i32
    return %arg0, %c0_i32 : i32, i32
  }
  func.func @transform_7(%arg0: i32) -> (i32, i32) {
    %c0_i32 = arith.constant 0 : i32
    %c0_i32_0 = arith.constant 0 : i32
    return %arg0, %c0_i32 : i32, i32
  }
}

module attributes {stable_mosaic.version = 14 : i64} {
  func.func @_t8_body(%arg0: i32, %arg1: memref<2048x128xf32, #tpu.memory_space<vmem>>, %arg2: memref<2048x128xf32, #tpu.memory_space<vmem>>, %arg3: memref<128x64xf32, #tpu.memory_space<vmem>>, %arg4: memref<64xf32, #tpu.memory_space<vmem>>, %arg5: memref<64x2xf32, #tpu.memory_space<vmem>>, %arg6: memref<2xf32, #tpu.memory_space<vmem>>, %arg7: memref<2048x2xf32, #tpu.memory_space<vmem>>) attributes {dimension_semantics = [#tpu.dimension_semantics<arbitrary>], iteration_bounds = array<i64: 160>, scalar_prefetch = 0 : i64, scratch_operands = 0 : i64, tpu.core_type = #tpu.core_type<tc>, window_params = [{transform_indices = @transform_0, window_bounds = array<i64: 2048, 128>}, {transform_indices = @transform_1, window_bounds = array<i64: 2048, 128>}, {pipeline_mode = #tpu.pipeline_mode<synchronous>, transform_indices = @transform_2, window_bounds = array<i64: 128, 64>}, {pipeline_mode = #tpu.pipeline_mode<synchronous>, transform_indices = @transform_3, window_bounds = array<i64: 64>}, {pipeline_mode = #tpu.pipeline_mode<synchronous>, transform_indices = @transform_4, window_bounds = array<i64: 64, 2>}, {pipeline_mode = #tpu.pipeline_mode<synchronous>, transform_indices = @transform_5, window_bounds = array<i64: 2>}, {transform_indices = @transform_6, window_bounds = array<i64: 2048, 2>}]} {
    %get3A = arith.constant 0 : index
    %get3A_0 = arith.constant 0 : index
    %get3A_1 = vector.load %arg1[%get3A, %get3A_0] : memref<2048x128xf32, #tpu.memory_space<vmem>>, vector<2048x128xf32>
    %get3A_2 = arith.constant 0 : index
    %get3A_3 = arith.constant 0 : index
    %get3A_4 = vector.load %arg2[%get3A_2, %get3A_3] : memref<2048x128xf32, #tpu.memory_space<vmem>>, vector<2048x128xf32>
    %add3A = arith.addf %get3A_1, %get3A_4 : vector<2048x128xf32>
    %max3A = arith.constant 0.000000e+00 : f32
    %max3A_5 = vector.broadcast %max3A : f32 to vector<2048x128xf32>
    %max3A_6 = arith.maximumf %add3A, %max3A_5 : vector<2048x128xf32>
    %get3A_7 = arith.constant 0 : index
    %get3A_8 = arith.constant 0 : index
    %get3A_9 = vector.load %arg3[%get3A_7, %get3A_8] : memref<128x64xf32, #tpu.memory_space<vmem>>, vector<128x64xf32>
    %dot_general3A = arith.constant dense<0.000000e+00> : vector<2048x64xf32>
    %dot_general3A_10 = tpu.matmul %max3A_6, %get3A_9, %dot_general3A {dimension_numbers = #tpu.dot_dimension_numbers<[1], [0], [0], [1], [0, 0, 1, 1], [], []>, transpose_lhs_hint = false} : vector<2048x128xf32>, vector<128x64xf32>, vector<2048x64xf32> -> vector<2048x64xf32>
    %get3A_11 = arith.constant 0 : index
    %get3A_12 = vector.load %arg4[%get3A_11] : memref<64xf32, #tpu.memory_space<vmem>>, vector<64xf32>
    %broadcast_in_dim3A = vector.shape_cast %get3A_12 : vector<64xf32> to vector<1x64xf32>
    %add3A_13 = vector.broadcast %broadcast_in_dim3A : vector<1x64xf32> to vector<2048x64xf32>
    %add3A_14 = arith.addf %dot_general3A_10, %add3A_13 : vector<2048x64xf32>
    %max3A_15 = arith.constant 0.000000e+00 : f32
    %max3A_16 = vector.broadcast %max3A_15 : f32 to vector<2048x64xf32>
    %max3A_17 = arith.maximumf %add3A_14, %max3A_16 : vector<2048x64xf32>
    %get3A_18 = arith.constant 0 : index
    %get3A_19 = arith.constant 0 : index
    %get3A_20 = vector.load %arg5[%get3A_18, %get3A_19] : memref<64x2xf32, #tpu.memory_space<vmem>>, vector<64x2xf32>
    %dot_general3A_21 = arith.constant dense<0.000000e+00> : vector<2048x2xf32>
    %dot_general3A_22 = tpu.matmul %max3A_17, %get3A_20, %dot_general3A_21 {dimension_numbers = #tpu.dot_dimension_numbers<[1], [0], [0], [1], [0, 0, 1, 1], [], []>, transpose_lhs_hint = false} : vector<2048x64xf32>, vector<64x2xf32>, vector<2048x2xf32> -> vector<2048x2xf32>
    %get3A_23 = arith.constant 0 : index
    %get3A_24 = vector.load %arg6[%get3A_23] : memref<2xf32, #tpu.memory_space<vmem>>, vector<2xf32>
    %broadcast_in_dim3A_25 = vector.shape_cast %get3A_24 : vector<2xf32> to vector<1x2xf32>
    %add3A_26 = vector.broadcast %broadcast_in_dim3A_25 : vector<1x2xf32> to vector<2048x2xf32>
    %add3A_27 = arith.addf %dot_general3A_22, %add3A_26 : vector<2048x2xf32>
    %swap3A = arith.constant 0 : index
    %swap3A_28 = arith.constant 0 : index
    %swap3A_29 = vector.load %arg7[%swap3A, %swap3A_28] : memref<2048x2xf32, #tpu.memory_space<vmem>>, vector<2048x2xf32>
    tpu.vector_store %arg7[%swap3A, %swap3A_28], %add3A_27 {strides = array<i32>} : memref<2048x2xf32, #tpu.memory_space<vmem>>, vector<2048x2xf32>,
    return
  }
  func.func @transform_0(%arg0: i32) -> (i32, i32) {
    %c0_i32 = arith.constant 0 : i32
    %c0_i32_0 = arith.constant 0 : i32
    return %arg0, %c0_i32 : i32, i32
  }
  func.func @transform_1(%arg0: i32) -> (i32, i32) {
    %c0_i32 = arith.constant 0 : i32
    %c0_i32_0 = arith.constant 0 : i32
    return %arg0, %c0_i32 : i32, i32
  }
  func.func @transform_2(%arg0: i32) -> (i32, i32) {
    %c0_i32 = arith.constant 0 : i32
    %c0_i32_0 = arith.constant 0 : i32
    %c0_i32_1 = arith.constant 0 : i32
    return %c0_i32, %c0_i32_0 : i32, i32
  }
  func.func @transform_3(%arg0: i32) -> i32 {
    %c0_i32 = arith.constant 0 : i32
    %c0_i32_0 = arith.constant 0 : i32
    return %c0_i32 : i32
  }
  func.func @transform_4(%arg0: i32) -> (i32, i32) {
    %c0_i32 = arith.constant 0 : i32
    %c0_i32_0 = arith.constant 0 : i32
    %c0_i32_1 = arith.constant 0 : i32
    return %c0_i32, %c0_i32_0 : i32, i32
  }
  func.func @transform_5(%arg0: i32) -> i32 {
    %c0_i32 = arith.constant 0 : i32
    %c0_i32_0 = arith.constant 0 : i32
    return %c0_i32 : i32
  }
  func.func @transform_6(%arg0: i32) -> (i32, i32) {
    %c0_i32 = arith.constant 0 : i32
    %c0_i32_0 = arith.constant 0 : i32
    return %arg0, %c0_i32 : i32, i32
  }
}

</mosaic_0001>

<sc_bundles>
// kernel: kernel.15.cloned.1.call-start
scs
__scs_entry_jumppad:
0x0: {  	(pc) =	sbr.rel $0x88, $3  }
0x1: {  	(tag) =	ssettag $0x0;
	lr =	simm.s32 $0x1  }
0x2: {  	[smem:$0x3F8D] =	sst lr;
	_ =	strace $0xD0000000  }
0x3: {  	_ = 	snop  }
0x4: {  	_ = 	snop  }
0x5: {  	_ = 	snop  }
0x6: {  	_ = 	snop  }
0x7: {  	_ = 	snop  }
__scs_overlays_trampoline_lowered:
0x8: {  	[smem:$0x3F9C] =	sst s0  }
0x9: {  	[smem:$0x3F9D] =	sst s1  }
0xa: {  	[smem:$0x3F9E] =	sst s2  }
0xb: {  	[smem:$0x3F9F] =	sst s3  }
0xc: {  	[smem:$0x3FA0] =	sst s4  }
0xd: {  	[smem:$0x3FA1] =	sst s5  }
0xe: {  	[smem:$0x3FA2] =	sst s6  }
0xf: {  	[smem:$0x3FA3] =	sst s7  }
0x10: {  	[smem:$0x3FA4] =	sst s8  }
0x11: {  	[smem:$0x3FA5] =	sst s9;
	s0 =	simm.s32 @!p0 $0x0  }
0x12: {  	s1 =	sld [smem:$0x3F8B];
	s0 =	simm.s32 @p0 $0x1  }
0x13: {  	[smem:$0x3FA6] =	sst s0;
	s0 =	simm.s32 @!p1 $0x0  }
0x14: {  	s2 =	sld [smem:$0x3F8A];
	s0 =	simm.s32 @p1 $0x1  }
0x15: {  	[smem:$0x3FA7] =	sst s0;
	s0 =	simm.s32 @!p2 $0x0  }
0x16: {  	s3 =	sld [smem:$0x3FDB];
	s0 =	simm.s32 @p2 $0x1  }
0x17: {  	s4 =	simm.s32 $0x1BF5;
	[smem:$0x3FA9] =	sst s0  }
0x18: {  	s0 =	sld [smem:$0x3F8C];
	_ =	swait.ge [sflag:s4], $0x0  }
0x19: {  	s7 =	sld [smem:$0x3F8D]  }
0x1a: {  	s8 =	sadd.s32 $0xFFFFE003, lr  }
0x1b: {  	s9 =	sadd.s32 $0xFFFFFEF7, lr;
	s5 =	simm.s32 $0xFFFFFFFF;
	p2 =	slt.u32 s8, $0xFFFFF086  }
0x1c: {  	p1 =	slt.u32 s9, $0xF7A;
	s5 =	simm.s32 @!p2 $0x0  }
0x1d: {  	s5 =	simm.s32 @p1 $0x1;
	p0 =	seq.s32 s7, s2  }
0x1e: {  	s7 =	smul.u32 @!p0 $0xF7A, s2;
	p2 =	seq.s32 @!p0 s5, $0x0  }
0x1f: {  	s9 =	smul.u32 $0xF7A, s1;
	s8 =	simm.s32 @!p0 $0x1BF5;
	p2 =	por !p2, p0  }
0x20: {  	[sflag:s8] =	ssyncset.s32 @!p0 $0xFFFFF086;
	s6 =	sadd.s32 @!p0 s3, s7;
	s7 =	simm.s32 @!p0 $0x108  }
0x21: {  	s3 =	sadd.s32 s3, s9;
	s6 =	sadd.s32 @!p0 $0x88, s6;
	s7 =	simm.s32 @p2 $0x1082  }
0x22: {  	[simem:s7], [sflag:s8] =	dma.local @!p0 [hbm:s6], $0xF7A  }
0x23: {  	s9 =	sor.u32 $0xD0000000, s2;
	s6 =	simm.s32 $0x108;
	_ =	swait.ge @!p0 [sflag:s8], $0x0  }
0x24: {  	s3 =	sadd.s32 $0x88, s3;
	s6 =	simm.s32 @!p1 $0x1082;
	[sflag:s4] =	ssyncset.s32 $0xFFFFF086  }
0x25: {  	[simem:s6], [sflag:s4] =	dma.local [hbm:s3], $0xF7A  }
0x26: {  	[smem:$0x3F8D] =	sst s1;
	(tag) =	ssettag s2;
	_ =	strace s9  }
0x27: {  	s1 =	sld [smem:$0x3F9D]  }
0x28: {  	s2 =	sld [smem:$0x3F9E]  }
0x29: {  	s4 =	sld [smem:$0x3FA0]  }
0x2a: {  	p0 =	seq.s32 s5, $0x0;
	s5 =	sld [smem:$0x3FA1]  }
0x2b: {  	s6 =	sld [smem:$0x3FA2]  }
0x2c: {  	s7 =	sld [smem:$0x3FA3]  }
0x2d: {  	s3 =	simm.s32 $0x108;
	s8 =	sld [smem:$0x3FA4]  }
0x2e: {  	s3 =	simm.s32 @!p0 $0x1082;
	s9 =	sld [smem:$0x3FA5]  }
0x2f: {  	lr =	sadd.s32 s0, s3;
	s0 =	sld [smem:$0x3F9C]  }
0x30: {  	s3 =	sld [smem:$0x3F9F]  }
0x31: {  	[smem:$0x3FA8] =	sst s10  }
0x32: {  	s10 =	sld [smem:$0x3FA6];
	_ =	sdelay $0x3  }
0x33: {  	p0 =	seq.s32 s10, $0x1;
	s10 =	sld [smem:$0x3FA8];
	_ =	sdelay $0x3  }
0x34: {  	[smem:$0x3FA8] =	sst s10  }
0x35: {  	s10 =	sld [smem:$0x3FA7];
	_ =	sdelay $0x3  }
0x36: {  	p1 =	seq.s32 s10, $0x1;
	s10 =	sld [smem:$0x3FA8];
	_ =	sdelay $0x3  }
0x37: {  	[smem:$0x3FA8] =	sst s10  }
0x38: {  	s10 =	sld [smem:$0x3FA9]  }
0x39: {  	_ = 	snop;
	(pc) =	sbr.ind lr, $3  }
0x3a: {  	_ = 	snop  }
0x3b: {  	_ = 	snop  }
0x3c: {  	p2 =	seq.s32 s10, $0x1;
	s10 =	sld [smem:$0x3FA8]  }
0x3d: {  	_ =	shalt  }
0x3e: {  	_ =	shalt  }
0x3f: {  	_ =	shalt  }
0x40: {  	_ =	shalt  }
0x41: {  	_ =	shalt  }
0x42: {  	_ =	shalt  }
0x43: {  	_ =	shalt  }
0x44: {  	_ =	shalt  }
0x45: {  	_ =	shalt  }
0x46: {  	_ =	shalt  }
0x47: {  	_ =	shalt  }
0x48: {  	_ =	shalt  }
0x49: {  	_ =	shalt  }
0x4a: {  	_ =	shalt  }
0x4b: {  	_ =	shalt  }
0x4c: {  	_ =	shalt  }
0x4d: {  	_ =	shalt  }
0x4e: {  	_ =	shalt  }
0x4f: {  	_ =	shalt  }
0x50: {  	_ =	shalt  }
0x51: {  	_ =	shalt  }
0x52: {  	_ =	shalt  }
0x53: {  	_ =	shalt  }
0x54: {  	_ =	shalt  }
0x55: {  	_ =	shalt  }
0x56: {  	_ =	shalt  }
0x57: {  	_ =	shalt  }
0x58: {  	_ =	shalt  }
0x59: {  	_ =	shalt  }
0x5a: {  	_ =	shalt  }
0x5b: {  	_ =	shalt  }
0x5c: {  	_ =	shalt  }
0x5d: {  	_ =	shalt  }
0x5e: {  	_ =	shalt  }
0x5f: {  	_ =	shalt  }
0x60: {  	_ =	shalt  }
0x61: {  	_ =	shalt  }
0x62: {  	_ =	shalt  }
0x63: {  	_ =	shalt  }
0x64: {  	_ =	shalt  }
0x65: {  	_ =	shalt  }
0x66: {  	_ =	shalt  }
0x67: {  	_ =	shalt  }
0x68: {  	_ =	shalt  }
0x69: {  	_ =	shalt  }
0x6a: {  	_ =	shalt  }
0x6b: {  	_ =	shalt  }
0x6c: {  	_ =	shalt  }
0x6d: {  	_ =	shalt  }
0x6e: {  	_ =	shalt  }
0x6f: {  	_ =	shalt  }
0x70: {  	_ =	shalt  }
0x71: {  	_ =	shalt  }
0x72: {  	_ =	shalt  }
0x73: {  	_ =	shalt  }
0x74: {  	_ =	shalt  }
0x75: {  	_ =	shalt  }
0x76: {  	_ =	shalt  }
0x77: {  	_ =	shalt  }
0x78: {  	_ =	shalt  }
0x79: {  	_ =	shalt  }
0x7a: {  	_ =	shalt  }
0x7b: {  	_ =	shalt  }
0x7c: {  	_ =	shalt  }
0x7d: {  	_ =	shalt  }
0x7e: {  	_ =	shalt  }
0x7f: {  	_ =	shalt  }
0x80: {  	_ =	shalt  }
0x81: {  	_ =	shalt  }
0x82: {  	_ =	shalt  }
0x83: {  	_ =	shalt  }
0x84: {  	_ =	shalt  }
0x85: {  	_ =	shalt  }
0x86: {  	_ =	shalt  }
0x87: {  	_ =	shalt  }
.Lfunc_end0:
.L_simem_size_0:
called_computation_lowered:
.L_overlay_start_0:
0x88: {  	s2 =	sld [smem:$0x3FD9]  }
0x89: {  	s3 =	sld [smem:$0x3FFE];
	_ =	sdelay $0x1  }
0x8a: {  	s1 =	srdreg.scid  }
0x8b: {  	s0 =	sand.u32 $0x1, s1  }
0x8c: {  	s16 =	sshll.u32 s0, $0xA;
	s2 =	sadd.s32 s3, s2  }
0x8d: {  	s2 =	sadd.s32 s2, s16  }
0x8e: {  	[smem:$0x3FB4] =	sst s2  }
0x8f: {  	_ = 	snop  }
0x90: {  	(tm) =	ssettm $0x1  }
0x91: {  	s17 =	sld [smem:$0x3FFB];
	_ =	sdelay $0x3  }
0x92: {  	_ =	strace s17  }
0x93: {  	s2 =	sld [smem:$0x3FFC];
	_ =	sdelay $0x3  }
0x94: {  	_ =	strace s2  }
0x95: {  	s2 =	sld [smem:$0x3FFD];
	_ =	sdelay $0x3  }
0x96: {  	_ =	strace s2  }
0x97: {  	_ =	strace $0x8FFFFFFF  }
0x98: {  	s18 =	sld [smem:$0x3FDB];
	_ =	sdelay $0x1  }
0x99: {  	s19 =	simm.s32 $_scs_section_size  }
0x9a: {  	s4 =	simm.s32 $_size__tile_overlayer_lowered;
	s5 =	simm.s32 $_tile_overlayer_lowered  }
0x9b: {  	s22 =	simm.s32 $0x1BFF;
	s21 =	sshll.u32 s5, $0x1;
	s2 =	sadd.s32 s19, s18  }
0x9c: {  	s6 =	simm.s32 $0x0;
	s20 =	sshll.u32 s4, $0x1;
	s4 =	sadd.s32 s21, s2  }
0x9d: {  	[timem:s6], [sflag:s22] =	dma.local [hbm:s4], s20  }
0x9e: {  	_ =	swait.ge [sflag:s22], s20  }
0x9f: {  	s3 =	ssub.s32 $0x0, s20;
	[sflag:s22] =	ssyncset.done $0x0  }
0xa0: {  	[sflag:s22] =	ssyncadd.s32 s3;
	_ =	sdelay $0x1  }
0xa1: {  	s23 =	simm.s32 $0x1B8B  }
0xa2: {  	_ =	swait.ge [sflag:s23], $0x1  }
0xa3: {  	[sflag:s23] =	ssyncset.done $0x0  }
0xa4: {  	s25 =	simm.s32 $0x1B8E;
	s24 =	sld [smem:$0x3FFE];
	[sflag:s23] =	ssyncadd.s32 $0xFFFFFFFF  }
0xa5: {  	s26 =	simm.s32 $execute0_lowered;
	[smem:$0x3FD2] =	sst s25  }
0xa6: {  	s4 =	sshll.u32 s26, $0x1;
	_ =	strace $0x80000046;
	[dreg:$0x1] =	wrdreg $0xFFFFFFFF  }
0xa7: {  	s28 =	simm.s32 $_size_execute0_lowered;
	s2 =	sadd.s32 s2, s4;
	[dreg:$0x0] =	wrdreg $0x0  }
0xa8: {  	s4 =	sshll.u32 s28, $0x1;
	[dreg:$0x2] =	wrdreg s2  }
0xa9: {  	[dreg:$0x3] =	wrdreg s4  }
0xaa: {  	[dreg:$0x4] =	wrdreg $0xC0  }
0xab: {  	_ =	task [dreg:s6], $0x5FFFF  }
0xac: {  	[dreg:$0x1] =	wrdreg $0xFFFFFFFF  }
0xad: {  	[dreg:$0x0] =	wrdreg $0x60  }
0xae: {  	[dreg:$0x2] =	wrdreg s24  }
0xaf: {  	[dreg:$0x3] =	wrdreg $0x7C000  }
0xb0: {  	[dreg:$0x4] =	wrdreg $0x9  }
0xb1: {  	_ =	task.clear_ibuf [dreg:s6], $0x5FFFF;
	_ =	strace $0x90000046  }
0xb2: {  	s29 =	simm.s32 $0x9;
	_ =	strace $0x80000048  }
0xb3: {  	_ =	swait.ge [sflag:s29], $0x1  }
0xb4: {  	[sflag:s29] =	ssyncadd.s32 $0xFFFFFFFF  }
0xb5: {  	_ =	strace $0x90000048  }
0xb6: {  	_ =	sfence  }
0xb7: {  	s30 =	sld [smem:$0x0];
	_ =	sdelay $0x2  }
0xb8: {  	s31 =	sshll.u32 s1, $0xD;
	s1 =	sshrl.u32 s1, $0x2  }
0xb9: {  	s3 =	sand.u32 $0x4000, s31;
	s1 =	sadd.s32 s1, s30  }
0xba: {  	s0 =	sor.u32 s3, s0;
	s1 =	sshll.u32 s1, $0x11  }
0xbb: {  	s0 =	sor.u32 s1, s0  }
0xbc: {  	s0 =	sadd.s32 $0x8F2B, s0  }
0xbd: {  	[sflag:s0] =	ssyncadd.remote.s32 $0x1  }
0xbe: {  	_ =	sfence.sel $0xFFFF  }
0xbf: {  	[dreg:$0x0] =	wrdreg $0xFFFFFFFF;
	(pc) =	sbr.abs _section_cstart, $3  }
0xc0: {  	[dreg:$0x1] =	wrdreg $0xFFFFFFFF  }
0xc1: {  	_ =	task.clear_ibuf [dreg:s6], $0x2FFFF;
	_ =	strace $0x9FFFFFFF  }
0xc2: {  	(tm) =	ssettm $0x7FFFFFFF  }
0xc3: {  	_ =	shalt  }
tec
execute0_lowered:
.L_overlay_start_1:
0x0: {  	(tag) =	ssettag $0x1  }
0x1: {  	s6 =	rddreg [dreg:$0x0]  }
0x2: {  	s2 =	rddreg [dreg:$0x1];
	s1 =	stileid.u32  }
0x3: {  	s4 =	srdreg.scid;
	s5 =	smul.u32 $0x28, s1  }
0x4: {  	s0 =	rddreg [dreg:$0x2];
	s7 =	sand.u32 $0x1, s4;
	s4 =	smul.u32 $0x78, s1  }
0x5: {  	s3 =	simm.s32 $0x0;
	s14 =	simm.s32 $0x80;
	s9 =	smul.u32 $0x14000, s1  }
0x6: {  	s15 =	simm.s32 $0x0;
	[smem:$0x7FF] =	sst s3;
	s29 =	smul.u32 $0x50000, s1  }
0x7: {  	s12 =	sshll.u32 s1, $0x6;
	p0 =	seq.s32 s7, $0x0;
	s8 =	smul.u32 $0x140000, s7  }
0x8: {  	_ =	strace $0x80000047;
	s7 =	ssub.s32 $0x2, s7;
	s12 =	sor.u32 $0x1C01, s12  }
0x9: {  	s5 =	sadd.s32 $0x780, s5;
	s30 =	sshrl.u32 s7, $0x1;
	s31 =	sshrl.u32 s29, $0x2  }
0xa: {  	s5 =	smov.u32 @p0 s4;
	s28 =	sadd.s32 s9, s8;
	s11 =	ssub.s32 s7, s30  }
0xb: {  	s13 =	sadd.s32 s31, s2;
	s4 =	sshll.u32 s5, $0x4;
	s8 =	sshrl.u32 s28, $0x3  }
0xc: {  	s5 =	sadd.s32 $0x10000, s6;
	s9 =	smax.u32 s11, $0x1;
	s10 =	sadd.s32 s4, s6  }
0xd: {  	s4 =	sadd.s32 $0x10800, s6;
	s8 =	sadd.s32 s8, s6;
	s6 =	simm.s32 $0x78  }
0xe: {  	s11 =	simm.s32 $0x1;
	s13 =	sshrl.u32 s13, $0x3;
	s6 =	simm.s32 @!p0 $0x28  }
0xf: {  	s7 =	sadd.s32 $0x5800, s10;
	s8 =	sadd.s32 $0x13000, s8;
	s10 =	simm.s32 $0x3C00  }
.LBB2_1:
0x10: {  	[tilespmem:s10], [sflag:$0x1] =	stream.linear.gather [hbm4b:s5+s3], $0x4000, $0x38;
	[tilespmem:$0x1BC00] =	vst v63  }
0x11: {  	_ =	swait.ge [sflag:s11], $0x4000  }
0x12: {  	[sflag:s11] =	ssyncset.done $0x0  }
0x13: {  	[sflag:s11] =	ssyncadd.s32 $0xFFFFC000  }
0x14: {  	[spmem:s13], [sflag:s12] =	dma.local [hbm:s4], $0x2800  }
0x15: {  	_ =	swait.ge [sflag:s11], $0x2800  }
0x16: {  	[sflag:s11] =	ssyncset.done $0x0  }
0x17: {  	[sflag:s11] =	ssyncadd.s32 $0xFFFFD800  }
0x18: {  	[tilespmem:s3], [sflag:$0x1] =	stream.linear.gather [hbm4b:s7+s3], $0x3C00, $0x38;
	[tilespmem:$0x1BC00] =	vst v63  }
0x19: {  	_ =	swait.ge [sflag:s11], $0x3C00  }
0x1a: {  	p0 =	sne.s32 s6, $0x1;
	[sflag:s11] =	ssyncset.done $0x0  }
.Ltmp0:
0x1b: {  	[sflag:s11] =	ssyncadd.s32 $0xFFFFC400;
	(pc) =	sbr.rel @!p0 .LBB2_3-.Ltmp0, $4  }
0x1c: {  	[bflag:$0x0] =	sbarrier.arrive $0xFFFF  }
0x1d: {  	[spmem:s2] =	stream.indirect.scatter.add.f32 [tilespmem:s10], [sflag:$0x1], $0x80, s3, s14, $0xb8;
	[tilespmem:$0x1BC00] =	vst v63  }
0x1e: {  	_ =	swait.ge [sflag:s11], $0x4000  }
0x1f: {  	s16 =	sadd.s32 $0xFFFFFFFF, s6;
	s17 =	simm.s32 $0x0;
	[sflag:s11] =	ssyncset.done $0x0  }
.LBB2_2:
0x20: {  	p0 =	sne.s32 s16, $0x1;
	[sflag:s11] =	ssyncadd.s32 $0xFFFFC000;
	s17 =	sadd.s32 $0x80, s17  }
.Ltmp1:
0x21: {  	s16 =	sadd.s32 $0xFFFFFFFF, s16;
	(pc) =	sbr.rel @p0 .LBB2_2-.Ltmp1, $4  }
0x22: {  	_ = 	snop  }
0x23: {  	[spmem:s2] =	stream.indirect.scatter.add.f32 [tilespmem:s10], [sflag:$0x1], $0x80, s17, s14, $0xb8;
	[tilespmem:$0x1BC00] =	vst v63  }
0x24: {  	_ =	swait.ge [sflag:s11], $0x4000  }
0x25: {  	[sflag:s11] =	ssyncset.done $0x0  }
.LBB2_3:
0x26: {  	s15 =	sadd.s32 $0x1, s15  }
0x27: {  	[sflag:s11] =	ssyncadd.s32 $0xFFFFC000;
	p0 =	sne.s32 s15, s9  }
.Ltmp2:
0x28: {  	[bflag:$0x0] =	sbarrier.arrive $0xFFFF;
	(pc) =	sbr.rel @p0 .LBB2_1-.Ltmp2, $4  }
0x29: {  	[hbm:s8], [sflag:s12] =	dma.local [spmem:s13], $0x2800  }
0x2a: {  	_ =	swait.ge [sflag:s11], $0x2800  }
0x2b: {  	[sflag:s11] =	ssyncset.done $0x0  }
0x2c: {  	[sflag:s11] =	ssyncadd.s32 $0xFFFFD800  }
0x2d: {  	_ =	sfence.sel $0x180000  }
0x2e: {  	[bflag:$0x0] =	sbarrier.arrive $0xFFFF  }
0x2f: {  	p0 =	sne.s32 s1, $0x0;
	_ =	strace $0x90000047  }
0x30: {  	s0 =	sadd.s32 @!p0 $0x100000, s0;
	[bflag:$0x2] =	sbarrier.arrive $0xFFFF  }
0x31: {  	[sflag:s0] =	ssyncadd.tile.s32 @!p0 $0x1;
	_ =	shalt  }
.Lfunc_end2:
_tile_overlayer_lowered:
.L_overlay_start_2:
0x32: {  	(tag) =	ssettag $0x2  }
0x33: {  	s0 =	rddreg [dreg:$0x0];
	s2 =	stileid.u32  }
0x34: {  	s1 =	rddreg [dreg:$0x1];
	p0 =	sne.s32 s2, $0x0  }
0x35: {  	s3 =	rddreg [dreg:$0x2];
	[bflag:$0x3] =	sbarrier.arrive $0xFFFF;
	s2 =	simm.s32 @!p0 $0x1C01  }
0x36: {  	[timem:s3], [sflag:s2] =	dma.local @!p0 [hbm:s0], s1  }
0x37: {  	s0 =	simm.s32 @!p0 $0x1  }
0x38: {  	_ =	swait.ge @!p0 [sflag:s0], s1  }
0x39: {  	s1 =	ssub.s32 @!p0 $0x0, s1;
	[sflag:s0] =	ssyncset.done @!p0 $0x0  }
0x3a: {  	[sflag:s0] =	ssyncadd.s32 @!p0 s1  }
0x3b: {  	[bflag:$0x3] =	sbarrier.arrive $0xFFFF  }
0x3c: {  	_ =	shalt  }

// kernel: kernel.18.cloned.1.call-start
scs
__scs_entry_jumppad:
0x0: {  	(pc) =	sbr.rel $0x88, $3  }
0x1: {  	(tag) =	ssettag $0x0;
	lr =	simm.s32 $0x1  }
0x2: {  	[smem:$0x3F8D] =	sst lr;
	_ =	strace $0xD0000000  }
0x3: {  	_ = 	snop  }
0x4: {  	_ = 	snop  }
0x5: {  	_ = 	snop  }
0x6: {  	_ = 	snop  }
0x7: {  	_ = 	snop  }
__scs_overlays_trampoline_lowered:
0x8: {  	[smem:$0x3F9C] =	sst s0  }
0x9: {  	[smem:$0x3F9D] =	sst s1  }
0xa: {  	[smem:$0x3F9E] =	sst s2  }
0xb: {  	[smem:$0x3F9F] =	sst s3  }
0xc: {  	[smem:$0x3FA0] =	sst s4  }
0xd: {  	[smem:$0x3FA1] =	sst s5  }
0xe: {  	[smem:$0x3FA2] =	sst s6  }
0xf: {  	[smem:$0x3FA3] =	sst s7  }
0x10: {  	[smem:$0x3FA4] =	sst s8  }
0x11: {  	[smem:$0x3FA5] =	sst s9;
	s0 =	simm.s32 @!p0 $0x0  }
0x12: {  	s1 =	sld [smem:$0x3F8B];
	s0 =	simm.s32 @p0 $0x1  }
0x13: {  	[smem:$0x3FA6] =	sst s0;
	s0 =	simm.s32 @!p1 $0x0  }
0x14: {  	s2 =	sld [smem:$0x3F8A];
	s0 =	simm.s32 @p1 $0x1  }
0x15: {  	[smem:$0x3FA7] =	sst s0;
	s0 =	simm.s32 @!p2 $0x0  }
0x16: {  	s3 =	sld [smem:$0x3FDB];
	s0 =	simm.s32 @p2 $0x1  }
0x17: {  	s4 =	simm.s32 $0x1BF5;
	[smem:$0x3FA9] =	sst s0  }
0x18: {  	s0 =	sld [smem:$0x3F8C];
	_ =	swait.ge [sflag:s4], $0x0  }
0x19: {  	s7 =	sld [smem:$0x3F8D]  }
0x1a: {  	s8 =	sadd.s32 $0xFFFFE003, lr  }
0x1b: {  	s9 =	sadd.s32 $0xFFFFFEF7, lr;
	s5 =	simm.s32 $0xFFFFFFFF;
	p2 =	slt.u32 s8, $0xFFFFF086  }
0x1c: {  	p1 =	slt.u32 s9, $0xF7A;
	s5 =	simm.s32 @!p2 $0x0  }
0x1d: {  	s5 =	simm.s32 @p1 $0x1;
	p0 =	seq.s32 s7, s2  }
0x1e: {  	s7 =	smul.u32 @!p0 $0xF7A, s2;
	p2 =	seq.s32 @!p0 s5, $0x0  }
0x1f: {  	s9 =	smul.u32 $0xF7A, s1;
	s8 =	simm.s32 @!p0 $0x1BF5;
	p2 =	por !p2, p0  }
0x20: {  	[sflag:s8] =	ssyncset.s32 @!p0 $0xFFFFF086;
	s6 =	sadd.s32 @!p0 s3, s7;
	s7 =	simm.s32 @!p0 $0x108  }
0x21: {  	s3 =	sadd.s32 s3, s9;
	s6 =	sadd.s32 @!p0 $0x88, s6;
	s7 =	simm.s32 @p2 $0x1082  }
0x22: {  	[simem:s7], [sflag:s8] =	dma.local @!p0 [hbm:s6], $0xF7A  }
0x23: {  	s9 =	sor.u32 $0xD0000000, s2;
	s6 =	simm.s32 $0x108;
	_ =	swait.ge @!p0 [sflag:s8], $0x0  }
0x24: {  	s3 =	sadd.s32 $0x88, s3;
	s6 =	simm.s32 @!p1 $0x1082;
	[sflag:s4] =	ssyncset.s32 $0xFFFFF086  }
0x25: {  	[simem:s6], [sflag:s4] =	dma.local [hbm:s3], $0xF7A  }
0x26: {  	[smem:$0x3F8D] =	sst s1;
	(tag) =	ssettag s2;
	_ =	strace s9  }
0x27: {  	s1 =	sld [smem:$0x3F9D]  }
0x28: {  	s2 =	sld [smem:$0x3F9E]  }
0x29: {  	s4 =	sld [smem:$0x3FA0]  }
0x2a: {  	p0 =	seq.s32 s5, $0x0;
	s5 =	sld [smem:$0x3FA1]  }
0x2b: {  	s6 =	sld [smem:$0x3FA2]  }
0x2c: {  	s7 =	sld [smem:$0x3FA3]  }
0x2d: {  	s3 =	simm.s32 $0x108;
	s8 =	sld [smem:$0x3FA4]  }
0x2e: {  	s3 =	simm.s32 @!p0 $0x1082;
	s9 =	sld [smem:$0x3FA5]  }
0x2f: {  	lr =	sadd.s32 s0, s3;
	s0 =	sld [smem:$0x3F9C]  }
0x30: {  	s3 =	sld [smem:$0x3F9F]  }
0x31: {  	[smem:$0x3FA8] =	sst s10  }
0x32: {  	s10 =	sld [smem:$0x3FA6];
	_ =	sdelay $0x3  }
0x33: {  	p0 =	seq.s32 s10, $0x1;
	s10 =	sld [smem:$0x3FA8];
	_ =	sdelay $0x3  }
0x34: {  	[smem:$0x3FA8] =	sst s10  }
0x35: {  	s10 =	sld [smem:$0x3FA7];
	_ =	sdelay $0x3  }
0x36: {  	p1 =	seq.s32 s10, $0x1;
	s10 =	sld [smem:$0x3FA8];
	_ =	sdelay $0x3  }
0x37: {  	[smem:$0x3FA8] =	sst s10  }
0x38: {  	s10 =	sld [smem:$0x3FA9]  }
0x39: {  	_ = 	snop;
	(pc) =	sbr.ind lr, $3  }
0x3a: {  	_ = 	snop  }
0x3b: {  	_ = 	snop  }
0x3c: {  	p2 =	seq.s32 s10, $0x1;
	s10 =	sld [smem:$0x3FA8]  }
0x3d: {  	_ =	shalt  }
0x3e: {  	_ =	shalt  }
0x3f: {  	_ =	shalt  }
0x40: {  	_ =	shalt  }
0x41: {  	_ =	shalt  }
0x42: {  	_ =	shalt  }
0x43: {  	_ =	shalt  }
0x44: {  	_ =	shalt  }
0x45: {  	_ =	shalt  }
0x46: {  	_ =	shalt  }
0x47: {  	_ =	shalt  }
0x48: {  	_ =	shalt  }
0x49: {  	_ =	shalt  }
0x4a: {  	_ =	shalt  }
0x4b: {  	_ =	shalt  }
0x4c: {  	_ =	shalt  }
0x4d: {  	_ =	shalt  }
0x4e: {  	_ =	shalt  }
0x4f: {  	_ =	shalt  }
0x50: {  	_ =	shalt  }
0x51: {  	_ =	shalt  }
0x52: {  	_ =	shalt  }
0x53: {  	_ =	shalt  }
0x54: {  	_ =	shalt  }
0x55: {  	_ =	shalt  }
0x56: {  	_ =	shalt  }
0x57: {  	_ =	shalt  }
0x58: {  	_ =	shalt  }
0x59: {  	_ =	shalt  }
0x5a: {  	_ =	shalt  }
0x5b: {  	_ =	shalt  }
0x5c: {  	_ =	shalt  }
0x5d: {  	_ =	shalt  }
0x5e: {  	_ =	shalt  }
0x5f: {  	_ =	shalt  }
0x60: {  	_ =	shalt  }
0x61: {  	_ =	shalt  }
0x62: {  	_ =	shalt  }
0x63: {  	_ =	shalt  }
0x64: {  	_ =	shalt  }
0x65: {  	_ =	shalt  }
0x66: {  	_ =	shalt  }
0x67: {  	_ =	shalt  }
0x68: {  	_ =	shalt  }
0x69: {  	_ =	shalt  }
0x6a: {  	_ =	shalt  }
0x6b: {  	_ =	shalt  }
0x6c: {  	_ =	shalt  }
0x6d: {  	_ =	shalt  }
0x6e: {  	_ =	shalt  }
0x6f: {  	_ =	shalt  }
0x70: {  	_ =	shalt  }
0x71: {  	_ =	shalt  }
0x72: {  	_ =	shalt  }
0x73: {  	_ =	shalt  }
0x74: {  	_ =	shalt  }
0x75: {  	_ =	shalt  }
0x76: {  	_ =	shalt  }
0x77: {  	_ =	shalt  }
0x78: {  	_ =	shalt  }
0x79: {  	_ =	shalt  }
0x7a: {  	_ =	shalt  }
0x7b: {  	_ =	shalt  }
0x7c: {  	_ =	shalt  }
0x7d: {  	_ =	shalt  }
0x7e: {  	_ =	shalt  }
0x7f: {  	_ =	shalt  }
0x80: {  	_ =	shalt  }
0x81: {  	_ =	shalt  }
0x82: {  	_ =	shalt  }
0x83: {  	_ =	shalt  }
0x84: {  	_ =	shalt  }
0x85: {  	_ =	shalt  }
0x86: {  	_ =	shalt  }
0x87: {  	_ =	shalt  }
.Lfunc_end0:
.L_simem_size_0:
called_computation.1_lowered:
.L_overlay_start_0:
0x88: {  	s2 =	sld [smem:$0x3FD9]  }
0x89: {  	s3 =	sld [smem:$0x3FFE];
	_ =	sdelay $0x1  }
0x8a: {  	s1 =	srdreg.scid  }
0x8b: {  	s0 =	sand.u32 $0x1, s1  }
0x8c: {  	s17 =	sshll.u32 s0, $0xA;
	s2 =	sadd.s32 s3, s2  }
0x8d: {  	s2 =	sadd.s32 s2, s17  }
0x8e: {  	[smem:$0x3FB4] =	sst s2  }
0x8f: {  	_ = 	snop  }
0x90: {  	s2 =	sld [smem:$0x3FD0];
	(tm) =	ssettm $0x1  }
0x91: {  	s18 =	sld [smem:$0x3FFB];
	_ =	sdelay $0x3  }
0x92: {  	_ =	strace s18  }
0x93: {  	s3 =	sld [smem:$0x3FFC];
	_ =	sdelay $0x3  }
0x94: {  	_ =	strace s3  }
0x95: {  	s3 =	sld [smem:$0x3FFD];
	_ =	sdelay $0x3  }
0x96: {  	_ =	strace s3  }
0x97: {  	_ =	strace $0x8FFFFFFF  }
0x98: {  	s19 =	sld [smem:$0x3FDB];
	_ =	sdelay $0x1  }
0x99: {  	s4 =	simm.s32 $_scs_section_size  }
0x9a: {  	s5 =	simm.s32 $_size__tile_overlayer_lowered;
	s6 =	simm.s32 $_tile_overlayer_lowered  }
0x9b: {  	s22 =	simm.s32 $0x1BFF;
	s21 =	sshll.u32 s6, $0x1;
	s3 =	sadd.s32 s4, s19  }
0x9c: {  	s7 =	simm.s32 $0x0;
	s20 =	sshll.u32 s5, $0x1;
	s5 =	sadd.s32 s21, s3  }
0x9d: {  	[timem:s7], [sflag:s22] =	dma.local [hbm:s5], s20  }
0x9e: {  	_ =	swait.ge [sflag:s22], s20  }
0x9f: {  	s4 =	ssub.s32 $0x0, s20;
	[sflag:s22] =	ssyncset.done $0x0  }
0xa0: {  	[sflag:s22] =	ssyncadd.s32 s4;
	_ =	sdelay $0x1  }
0xa1: {  	s23 =	simm.s32 $0x1B8B  }
0xa2: {  	_ =	swait.ge [sflag:s23], $0x1  }
0xa3: {  	[sflag:s23] =	ssyncset.done $0x0  }
0xa4: {  	s25 =	simm.s32 $0x1B8E;
	s24 =	sld [smem:$0x3FFE];
	[sflag:s23] =	ssyncadd.s32 $0xFFFFFFFF  }
0xa5: {  	s26 =	simm.s32 $execute0_lowered;
	[smem:$0x3FD2] =	sst s25  }
0xa6: {  	s5 =	sshll.u32 s26, $0x1;
	_ =	strace $0x80000049;
	[dreg:$0x1] =	wrdreg $0xFFFFFFFF  }
0xa7: {  	s28 =	simm.s32 $_size_execute0_lowered;
	s3 =	sadd.s32 s3, s5;
	[dreg:$0x0] =	wrdreg $0x0  }
0xa8: {  	s5 =	sshll.u32 s28, $0x1;
	[dreg:$0x2] =	wrdreg s3  }
0xa9: {  	[dreg:$0x3] =	wrdreg s5  }
0xaa: {  	[dreg:$0x4] =	wrdreg $0xC0  }
0xab: {  	_ =	task [dreg:s7], $0x5FFFF  }
0xac: {  	[dreg:$0x1] =	wrdreg $0xFFFFFFFF  }
0xad: {  	[dreg:$0x0] =	wrdreg $0x60  }
0xae: {  	[dreg:$0x2] =	wrdreg s24  }
0xaf: {  	[dreg:$0x3] =	wrdreg s2  }
0xb0: {  	[dreg:$0x4] =	wrdreg $0xA8000  }
0xb1: {  	[dreg:$0x5] =	wrdreg $0x9  }
0xb2: {  	_ =	task.clear_ibuf [dreg:s7], $0x6FFFF;
	_ =	strace $0x90000049  }
0xb3: {  	s29 =	simm.s32 $0x9;
	_ =	strace $0x8000004B  }
0xb4: {  	_ =	swait.ge [sflag:s29], $0x1  }
0xb5: {  	[sflag:s29] =	ssyncadd.s32 $0xFFFFFFFF  }
0xb6: {  	_ =	strace $0x9000004B  }
0xb7: {  	_ =	sfence  }
0xb8: {  	s30 =	sld [smem:$0x0];
	_ =	sdelay $0x2  }
0xb9: {  	s31 =	sshll.u32 s1, $0xD;
	s1 =	sshrl.u32 s1, $0x2  }
0xba: {  	s3 =	sand.u32 $0x4000, s31;
	s1 =	sadd.s32 s1, s30  }
0xbb: {  	s0 =	sor.u32 s3, s0;
	s1 =	sshll.u32 s1, $0x11  }
0xbc: {  	s0 =	sor.u32 s1, s0  }
0xbd: {  	s0 =	sadd.s32 $0x8F2B, s0  }
0xbe: {  	[sflag:s0] =	ssyncadd.remote.s32 $0x1  }
0xbf: {  	_ =	sfence.sel $0xFFFF  }
0xc0: {  	[dreg:$0x0] =	wrdreg $0xFFFFFFFF;
	(pc) =	sbr.abs _section_cstart, $3  }
0xc1: {  	[dreg:$0x1] =	wrdreg $0xFFFFFFFF  }
0xc2: {  	_ =	task.clear_ibuf [dreg:s7], $0x2FFFF;
	_ =	strace $0x9FFFFFFF  }
0xc3: {  	(tm) =	ssettm $0x7FFFFFFF  }
tec
execute0_lowered:
.L_overlay_start_1:
0x0: {  	(tag) =	ssettag $0x1  }
0x1: {  	s8 =	rddreg [dreg:$0x0]  }
0x2: {  	s1 =	rddreg [dreg:$0x1]  }
0x3: {  	s2 =	rddreg [dreg:$0x2]  }
0x4: {  	s3 =	srdreg.scid;
	s0 =	rddreg [dreg:$0x3]  }
0x5: {  	s4 =	simm.s32 $0x0;
	s16 =	simm.s32 $0x80;
	s17 =	simm.s32 $0x2800  }
0x6: {  	s18 =	simm.s32 $0x6800;
	s19 =	simm.s32 $0x1;
	s20 =	simm.s32 $0x2  }
0x7: {  	s21 =	simm.s32 $0x1380;
	s22 =	simm.s32 $0x2700;
	s9 =	sand.u32 $0x1, s3  }
0x8: {  	s23 =	simm.s32 $0x2780;
	s3 =	stileid.u32;
	s10 =	smul.u32 $0x140000, s9  }
0x9: {  	[smem:$0x7FF] =	sst s4;
	s5 =	sadd.s32 $0x13000, s8;
	s11 =	smul.u32 $0x14000, s3  }
0xa: {  	s6 =	sadd.s32 $0x5800, s8;
	s7 =	sadd.s32 $0x10800, s8;
	s12 =	smul.u32 $0x28, s3  }
0xb: {  	_ =	strace $0x8000004A;
	s25 =	ssub.s32 $0x2, s9;
	s14 =	smul.u32 $0x78, s3  }
0xc: {  	p0 =	seq.s32 s9, $0x0;
	s28 =	smul.u32 $0x50000, s3;
	s9 =	simm.s32 $0x78  }
0xd: {  	s30 =	sshll.u32 s3, $0x6;
	s26 =	sshrl.u32 s25, $0x1;
	s9 =	simm.s32 @!p0 $0x28  }
.Ltmp0:
0xe: {  	s10 =	sadd.s32 s11, s10;
	s29 =	sshrl.u32 s28, $0x2;
	(pc) =	sbr.rel .LBB2_1-.Ltmp0, $4  }
0xf: {  	s15 =	ssub.s32 s25, s26;
	s10 =	sshrl.u32 s10, $0x3;
	s31 =	sadd.s32 s29, s2  }
0x10: {  	s13 =	sadd.s32 s10, s8;
	s8 =	sadd.s32 $0x780, s12;
	s10 =	sor.u32 $0x1C03, s30  }
0x11: {  	s12 =	smax.u32 s15, $0x1;
	s15 =	simm.s32 $0x1400;
	s8 =	smov.u32 @p0 s14  }
0x12: {  	s11 =	sadd.s32 $0x3B000, s13;
	s13 =	sshrl.u32 s31, $0x3;
	s14 =	simm.s32 $0x3  }
.LBB2_7:
0x13: {  	s4 =	sadd.s32 $0x1, s4  }
0x14: {  	p0 =	sne.s32 s4, s12  }
.Ltmp1:
0x15: {  	[bflag:$0x0] =	sbarrier.arrive $0xFFFF;
	(pc) =	sbr.rel @!p0 .LBB2_8-.Ltmp1, $4  }
0x16: {  	[hbm:s11], [sflag:s10] =	dma.local [spmem:s13], $0x2800  }
0x17: {  	_ =	swait.ge [sflag:s14], $0x2800  }
0x18: {  	[sflag:s14] =	ssyncset.done $0x0  }
0x19: {  	[sflag:s14] =	ssyncadd.s32 $0xFFFFD800  }
.LBB2_1:
0x1a: {  	[spmem:s13], [sflag:s10] =	dma.local [hbm:s7], $0x2800  }
.Ltmp2:
0x1b: {  	_ =	swait.ge [sflag:s14], $0x2800;
	(pc) =	sbr.rel .LBB2_2-.Ltmp2, $4  }
0x1c: {  	[sflag:s14] =	ssyncset.done $0x0  }
0x1d: {  	[sflag:s14] =	ssyncadd.s32 $0xFFFFD800  }
0x1e: {  	[bflag:$0x0] =	sbarrier.arrive $0xFFFF  }
0x1f: {  	s24 =	simm.s32 $0x0  }
.LBB2_6:
0x20: {  	s24 =	sadd.s32 $0x1, s24  }
0x21: {  	p0 =	sne.s32 s24, $0x3  }
.Ltmp3:
0x22: {  	_ = 	snop;
	(pc) =	sbr.rel @!p0 .LBB2_7-.Ltmp3, $1  }
0x23: {  	_ =	sdelay $0x3  }
.LBB2_2:
0x24: {  	s25 =	smul.u32 $0x28, s24;
	_ =	sdelay $0x1  }
0x25: {  	p0 =	sge.u32 s25, s9  }
.Ltmp4:
0x26: {  	_ = 	snop;
	(pc) =	sbr.rel @p0 .LBB2_6-.Ltmp4, $1  }
0x27: {  	_ =	sdelay $0x3  }
0x28: {  	s25 =	sadd.s32 s8, s25  }
0x29: {  	s25 =	sshll.u32 s25, $0x4  }
0x2a: {  	s28 =	simm.s32 $0x0;
	s26 =	sadd.s32 s1, s25  }
0x2b: {  	[tilespmem:s28], [sflag:$0x3] =	stream.linear.gather [hbm4b:s26+s28], $0x1400, $0x38;
	[tilespmem:$0x1E800] =	vst v63  }
0x2c: {  	_ =	swait.ge [sflag:s14], $0x1400  }
0x2d: {  	[sflag:s14] =	ssyncset.done $0x0  }
0x2e: {  	s25 =	sadd.s32 s6, s25;
	[sflag:s14] =	ssyncadd.s32 $0xFFFFEC00  }
0x2f: {  	[tilespmem:s15], [sflag:$0x3] =	stream.linear.gather [hbm4b:s25+s28], $0x1400, $0x38;
	[tilespmem:$0x1E800] =	vst v63  }
0x30: {  	_ =	swait.ge [sflag:s14], $0x1400  }
0x31: {  	[sflag:s14] =	ssyncset.done $0x0  }
0x32: {  	[sflag:s14] =	ssyncadd.s32 $0xFFFFEC00  }
0x33: {  	[tilespmem:s17], [sflag:$0x1] =	stream.indirect.gather [hbm4b:s5+s16], $0x80, s28, s16, $0xb8;
	[tilespmem:$0x1E800] =	vst v63  }
0x34: {  	s28 =	simm.s32 $0x80  }
0x35: {  	[tilespmem:s18], [sflag:$0x2] =	stream.indirect.gather [hbm4b:s5+s16], $0x80, s28, s16, $0xb8;
	[tilespmem:$0x1E800] =	vst v63  }
0x36: {  	_ =	swait.ge [sflag:s19], $0x4000  }
0x37: {  	[sflag:s19] =	ssyncset.done $0x0  }
0x38: {  	s29 =	simm.s32 $0x1400;
	[sflag:s19] =	ssyncadd.s32 $0xFFFFC000  }
0x39: {  	[spmem:s2] =	stream.indirect.scatter.add.f32 [tilespmem:s17], [sflag:$0x3], $0x80, s29, s16, $0xb8;
	[tilespmem:$0x1E800] =	vst v63  }
0x3a: {  	_ =	swait.ge [sflag:s14], $0x4000  }
0x3b: {  	[sflag:s14] =	ssyncset.done $0x0  }
0x3c: {  	s30 =	simm.s32 $0x100;
	[sflag:s14] =	ssyncadd.s32 $0xFFFFC000  }
0x3d: {  	[tilespmem:s17], [sflag:$0x1] =	stream.indirect.gather [hbm4b:s5+s16], $0x80, s30, s16, $0xb8;
	[tilespmem:$0x1E800] =	vst v63  }
0x3e: {  	_ =	swait.ge [sflag:s20], $0x4000  }
0x3f: {  	[sflag:s20] =	ssyncset.done $0x0  }
0x40: {  	s31 =	simm.s32 $0x1480;
	[sflag:s20] =	ssyncadd.s32 $0xFFFFC000  }
0x41: {  	[spmem:s2] =	stream.indirect.scatter.add.f32 [tilespmem:s18], [sflag:$0x3], $0x80, s31, s16, $0xb8;
	[tilespmem:$0x1E800] =	vst v63  }
0x42: {  	_ =	swait.ge [sflag:s14], $0x4000  }
0x43: {  	s26 =	simm.s32 $0x800;
	s25 =	simm.s32 $0x100;
	[sflag:s14] =	ssyncset.done $0x0  }
.LBB2_4:
0x44: {  	s28 =	sadd.s32 $0x80, s25  }
0x45: {  	[sflag:s14] =	ssyncadd.s32 $0xFFFFC000;
	s29 =	smov.u32 s26;
	s30 =	sadd.s32 $0x400, s26  }
0x46: {  	[tilespmem:s18], [sflag:$0x2] =	stream.indirect.gather [hbm4b:s5+s16], $0x80, s28, s16, $0xb8;
	[tilespmem:$0x1E800] =	vst v63  }
0x47: {  	p0 =	sne.s32 s26, $0x4800;
	_ =	swait.ge [sflag:s19], $0x4000  }
0x48: {  	[sflag:s19] =	ssyncset.done $0x0  }
0x49: {  	s26 =	sadd.s32 $0x1400, s25;
	[sflag:s19] =	ssyncadd.s32 $0xFFFFC000  }
0x4a: {  	[spmem:s2] =	stream.indirect.scatter.add.f32 [tilespmem:s17], [sflag:$0x3], $0x80, s26, s16, $0xb8;
	[tilespmem:$0x1E800] =	vst v63  }
0x4b: {  	_ =	swait.ge [sflag:s14], $0x4000  }
0x4c: {  	[sflag:s14] =	ssyncset.done $0x0  }
0x4d: {  	s26 =	sadd.s32 $0x100, s25;
	[sflag:s14] =	ssyncadd.s32 $0xFFFFC000  }
0x4e: {  	[tilespmem:s17], [sflag:$0x1] =	stream.indirect.gather [hbm4b:s5+s16], $0x80, s26, s16, $0xb8;
	[tilespmem:$0x1E800] =	vst v63  }
0x4f: {  	_ =	swait.ge [sflag:s20], $0x4000  }
.Ltmp5:
0x50: {  	[sflag:s20] =	ssyncset.done $0x0;
	(pc) =	sbr.rel @p0 .LBB2_4-.Ltmp5, $4  }
0x51: {  	s25 =	sadd.s32 $0x1480, s25;
	[sflag:s20] =	ssyncadd.s32 $0xFFFFC000  }
0x52: {  	[spmem:s2] =	stream.indirect.scatter.add.f32 [tilespmem:s18], [sflag:$0x3], $0x80, s25, s16, $0xb8;
	[tilespmem:$0x1E800] =	vst v63  }
0x53: {  	_ =	swait.ge [sflag:s14], $0x4000  }
0x54: {  	s26 =	smov.u32 s30;
	s25 =	sshra.s32 s29, $0x2;
	[sflag:s14] =	ssyncset.done $0x0  }
0x55: {  	s26 =	sadd.s32 $0x80, s25;
	[sflag:s14] =	ssyncadd.s32 $0xFFFFC000  }
0x56: {  	[tilespmem:s18], [sflag:$0x2] =	stream.indirect.gather [hbm4b:s5+s16], $0x80, s26, s16, $0xb8;
	[tilespmem:$0x1E800] =	vst v63  }
0x57: {  	_ =	swait.ge [sflag:s19], $0x4000  }
0x58: {  	[sflag:s19] =	ssyncset.done $0x0  }
0x59: {  	s29 =	sadd.s32 $0x1400, s25;
	[sflag:s19] =	ssyncadd.s32 $0xFFFFC000  }
0x5a: {  	[spmem:s2] =	stream.indirect.scatter.add.f32 [tilespmem:s17], [sflag:$0x3], $0x80, s29, s16, $0xb8;
	[tilespmem:$0x1E800] =	vst v63  }
0x5b: {  	_ =	swait.ge [sflag:s14], $0x4000  }
0x5c: {  	[sflag:s14] =	ssyncset.done $0x0  }
0x5d: {  	s30 =	sadd.s32 $0x100, s25;
	[sflag:s14] =	ssyncadd.s32 $0xFFFFC000  }
0x5e: {  	[tilespmem:s17], [sflag:$0x1] =	stream.indirect.gather [hbm4b:s5+s16], $0x80, s30, s16, $0xb8;
	[tilespmem:$0x1E800] =	vst v63  }
0x5f: {  	_ =	swait.ge [sflag:s20], $0x4000  }
0x60: {  	[sflag:s20] =	ssyncset.done $0x0  }
0x61: {  	s31 =	sadd.s32 $0x1480, s25;
	[sflag:s20] =	ssyncadd.s32 $0xFFFFC000  }
0x62: {  	[spmem:s2] =	stream.indirect.scatter.add.f32 [tilespmem:s18], [sflag:$0x3], $0x80, s31, s16, $0xb8;
	[tilespmem:$0x1E800] =	vst v63  }
0x63: {  	_ =	swait.ge [sflag:s14], $0x4000  }
0x64: {  	[sflag:s14] =	ssyncset.done $0x0  }
0x65: {  	[sflag:s14] =	ssyncadd.s32 $0xFFFFC000  }
0x66: {  	[tilespmem:s18], [sflag:$0x2] =	stream.indirect.gather [hbm4b:s5+s16], $0x80, s21, s16, $0xb8;
	[tilespmem:$0x1E800] =	vst v63  }
0x67: {  	_ =	swait.ge [sflag:s19], $0x4000  }
0x68: {  	[sflag:s19] =	ssyncset.done $0x0  }
0x69: {  	[sflag:s19] =	ssyncadd.s32 $0xFFFFC000  }
0x6a: {  	[spmem:s2] =	stream.indirect.scatter.add.f32 [tilespmem:s17], [sflag:$0x3], $0x80, s22, s16, $0xb8;
	[tilespmem:$0x1E800] =	vst v63  }
0x6b: {  	_ =	swait.ge [sflag:s14], $0x4000  }
0x6c: {  	[sflag:s14] =	ssyncset.done $0x0  }
0x6d: {  	[sflag:s14] =	ssyncadd.s32 $0xFFFFC000  }
0x6e: {  	_ =	swait.ge [sflag:s20], $0x4000  }
0x6f: {  	[sflag:s20] =	ssyncset.done $0x0  }
.Ltmp6:
0x70: {  	[sflag:s20] =	ssyncadd.s32 $0xFFFFC000;
	(pc) =	sbr.rel .LBB2_6-.Ltmp6, $4  }
0x71: {  	[spmem:s2] =	stream.indirect.scatter.add.f32 [tilespmem:s18], [sflag:$0x3], $0x80, s23, s16, $0xb8;
	[tilespmem:$0x1E800] =	vst v63  }
0x72: {  	_ =	swait.ge [sflag:s14], $0x4000  }
0x73: {  	[sflag:s14] =	ssyncset.done $0x0  }
0x74: {  	[sflag:s14] =	ssyncadd.s32 $0xFFFFC000  }
.LBB2_8:
0x75: {  	_ =	sfence.sel $0x180000  }
0x76: {  	[bflag:$0x0] =	sbarrier.arrive $0xFFFF  }
0x77: {  	p0 =	sne.s32 s3, $0x0;
	_ =	strace $0x9000004A  }
0x78: {  	s0 =	sadd.s32 @!p0 $0x100000, s0;
	[bflag:$0x2] =	sbarrier.arrive $0xFFFF  }
0x79: {  	[sflag:s0] =	ssyncadd.tile.s32 @!p0 $0x1;
	_ =	shalt  }
.Lfunc_end2:
_tile_overlayer_lowered:
.L_overlay_start_2:
0x7a: {  	(tag) =	ssettag $0x2  }
0x7b: {  	s0 =	rddreg [dreg:$0x0];
	s2 =	stileid.u32  }
0x7c: {  	s1 =	rddreg [dreg:$0x1];
	p0 =	sne.s32 s2, $0x0  }
0x7d: {  	s3 =	rddreg [dreg:$0x2];
	[bflag:$0x3] =	sbarrier.arrive $0xFFFF;
	s2 =	simm.s32 @!p0 $0x1C03  }
0x7e: {  	[timem:s3], [sflag:s2] =	dma.local @!p0 [hbm:s0], s1  }
0x7f: {  	s0 =	simm.s32 @!p0 $0x3  }
0x80: {  	_ =	swait.ge @!p0 [sflag:s0], s1  }
0x81: {  	s1 =	ssub.s32 @!p0 $0x0, s1;
	[sflag:s0] =	ssyncset.done @!p0 $0x0  }
0x82: {  	[sflag:s0] =	ssyncadd.s32 @!p0 s1  }
0x83: {  	[bflag:$0x3] =	sbarrier.arrive $0xFFFF  }
0x84: {  	_ =	shalt  }

// kernel: kernel.21.cloned.1.call-start
scs
__scs_entry_jumppad:
0x0: {  	(pc) =	sbr.rel $0x88, $3  }
0x1: {  	(tag) =	ssettag $0x0;
	lr =	simm.s32 $0x1  }
0x2: {  	[smem:$0x3F8D] =	sst lr;
	_ =	strace $0xD0000000  }
0x3: {  	_ = 	snop  }
0x4: {  	_ = 	snop  }
0x5: {  	_ = 	snop  }
0x6: {  	_ = 	snop  }
0x7: {  	_ = 	snop  }
__scs_overlays_trampoline_lowered:
0x8: {  	[smem:$0x3F9C] =	sst s0  }
0x9: {  	[smem:$0x3F9D] =	sst s1  }
0xa: {  	[smem:$0x3F9E] =	sst s2  }
0xb: {  	[smem:$0x3F9F] =	sst s3  }
0xc: {  	[smem:$0x3FA0] =	sst s4  }
0xd: {  	[smem:$0x3FA1] =	sst s5  }
0xe: {  	[smem:$0x3FA2] =	sst s6  }
0xf: {  	[smem:$0x3FA3] =	sst s7  }
0x10: {  	[smem:$0x3FA4] =	sst s8  }
0x11: {  	[smem:$0x3FA5] =	sst s9;
	s0 =	simm.s32 @!p0 $0x0  }
0x12: {  	s1 =	sld [smem:$0x3F8B];
	s0 =	simm.s32 @p0 $0x1  }
0x13: {  	[smem:$0x3FA6] =	sst s0;
	s0 =	simm.s32 @!p1 $0x0  }
0x14: {  	s2 =	sld [smem:$0x3F8A];
	s0 =	simm.s32 @p1 $0x1  }
0x15: {  	[smem:$0x3FA7] =	sst s0;
	s0 =	simm.s32 @!p2 $0x0  }
0x16: {  	s3 =	sld [smem:$0x3FDB];
	s0 =	simm.s32 @p2 $0x1  }
0x17: {  	s4 =	simm.s32 $0x1BF5;
	[smem:$0x3FA9] =	sst s0  }
0x18: {  	s0 =	sld [smem:$0x3F8C];
	_ =	swait.ge [sflag:s4], $0x0  }
0x19: {  	s7 =	sld [smem:$0x3F8D]  }
0x1a: {  	s8 =	sadd.s32 $0xFFFFE003, lr  }
0x1b: {  	s9 =	sadd.s32 $0xFFFFFEF7, lr;
	s5 =	simm.s32 $0xFFFFFFFF;
	p2 =	slt.u32 s8, $0xFFFFF086  }
0x1c: {  	p1 =	slt.u32 s9, $0xF7A;
	s5 =	simm.s32 @!p2 $0x0  }
0x1d: {  	s5 =	simm.s32 @p1 $0x1;
	p0 =	seq.s32 s7, s2  }
0x1e: {  	s7 =	smul.u32 @!p0 $0xF7A, s2;
	p2 =	seq.s32 @!p0 s5, $0x0  }
0x1f: {  	s9 =	smul.u32 $0xF7A, s1;
	s8 =	simm.s32 @!p0 $0x1BF5;
	p2 =	por !p2, p0  }
0x20: {  	[sflag:s8] =	ssyncset.s32 @!p0 $0xFFFFF086;
	s6 =	sadd.s32 @!p0 s3, s7;
	s7 =	simm.s32 @!p0 $0x108  }
0x21: {  	s3 =	sadd.s32 s3, s9;
	s6 =	sadd.s32 @!p0 $0x88, s6;
	s7 =	simm.s32 @p2 $0x1082  }
0x22: {  	[simem:s7], [sflag:s8] =	dma.local @!p0 [hbm:s6], $0xF7A  }
0x23: {  	s9 =	sor.u32 $0xD0000000, s2;
	s6 =	simm.s32 $0x108;
	_ =	swait.ge @!p0 [sflag:s8], $0x0  }
0x24: {  	s3 =	sadd.s32 $0x88, s3;
	s6 =	simm.s32 @!p1 $0x1082;
	[sflag:s4] =	ssyncset.s32 $0xFFFFF086  }
0x25: {  	[simem:s6], [sflag:s4] =	dma.local [hbm:s3], $0xF7A  }
0x26: {  	[smem:$0x3F8D] =	sst s1;
	(tag) =	ssettag s2;
	_ =	strace s9  }
0x27: {  	s1 =	sld [smem:$0x3F9D]  }
0x28: {  	s2 =	sld [smem:$0x3F9E]  }
0x29: {  	s4 =	sld [smem:$0x3FA0]  }
0x2a: {  	p0 =	seq.s32 s5, $0x0;
	s5 =	sld [smem:$0x3FA1]  }
0x2b: {  	s6 =	sld [smem:$0x3FA2]  }
0x2c: {  	s7 =	sld [smem:$0x3FA3]  }
0x2d: {  	s3 =	simm.s32 $0x108;
	s8 =	sld [smem:$0x3FA4]  }
0x2e: {  	s3 =	simm.s32 @!p0 $0x1082;
	s9 =	sld [smem:$0x3FA5]  }
0x2f: {  	lr =	sadd.s32 s0, s3;
	s0 =	sld [smem:$0x3F9C]  }
0x30: {  	s3 =	sld [smem:$0x3F9F]  }
0x31: {  	[smem:$0x3FA8] =	sst s10  }
0x32: {  	s10 =	sld [smem:$0x3FA6];
	_ =	sdelay $0x3  }
0x33: {  	p0 =	seq.s32 s10, $0x1;
	s10 =	sld [smem:$0x3FA8];
	_ =	sdelay $0x3  }
0x34: {  	[smem:$0x3FA8] =	sst s10  }
0x35: {  	s10 =	sld [smem:$0x3FA7];
	_ =	sdelay $0x3  }
0x36: {  	p1 =	seq.s32 s10, $0x1;
	s10 =	sld [smem:$0x3FA8];
	_ =	sdelay $0x3  }
0x37: {  	[smem:$0x3FA8] =	sst s10  }
0x38: {  	s10 =	sld [smem:$0x3FA9]  }
0x39: {  	_ = 	snop;
	(pc) =	sbr.ind lr, $3  }
0x3a: {  	_ = 	snop  }
0x3b: {  	_ = 	snop  }
0x3c: {  	p2 =	seq.s32 s10, $0x1;
	s10 =	sld [smem:$0x3FA8]  }
0x3d: {  	_ =	shalt  }
0x3e: {  	_ =	shalt  }
0x3f: {  	_ =	shalt  }
0x40: {  	_ =	shalt  }
0x41: {  	_ =	shalt  }
0x42: {  	_ =	shalt  }
0x43: {  	_ =	shalt  }
0x44: {  	_ =	shalt  }
0x45: {  	_ =	shalt  }
0x46: {  	_ =	shalt  }
0x47: {  	_ =	shalt  }
0x48: {  	_ =	shalt  }
0x49: {  	_ =	shalt  }
0x4a: {  	_ =	shalt  }
0x4b: {  	_ =	shalt  }
0x4c: {  	_ =	shalt  }
0x4d: {  	_ =	shalt  }
0x4e: {  	_ =	shalt  }
0x4f: {  	_ =	shalt  }
0x50: {  	_ =	shalt  }
0x51: {  	_ =	shalt  }
0x52: {  	_ =	shalt  }
0x53: {  	_ =	shalt  }
0x54: {  	_ =	shalt  }
0x55: {  	_ =	shalt  }
0x56: {  	_ =	shalt  }
0x57: {  	_ =	shalt  }
0x58: {  	_ =	shalt  }
0x59: {  	_ =	shalt  }
0x5a: {  	_ =	shalt  }
0x5b: {  	_ =	shalt  }
0x5c: {  	_ =	shalt  }
0x5d: {  	_ =	shalt  }
0x5e: {  	_ =	shalt  }
0x5f: {  	_ =	shalt  }
0x60: {  	_ =	shalt  }
0x61: {  	_ =	shalt  }
0x62: {  	_ =	shalt  }
0x63: {  	_ =	shalt  }
0x64: {  	_ =	shalt  }
0x65: {  	_ =	shalt  }
0x66: {  	_ =	shalt  }
0x67: {  	_ =	shalt  }
0x68: {  	_ =	shalt  }
0x69: {  	_ =	shalt  }
0x6a: {  	_ =	shalt  }
0x6b: {  	_ =	shalt  }
0x6c: {  	_ =	shalt  }
0x6d: {  	_ =	shalt  }
0x6e: {  	_ =	shalt  }
0x6f: {  	_ =	shalt  }
0x70: {  	_ =	shalt  }
0x71: {  	_ =	shalt  }
0x72: {  	_ =	shalt  }
0x73: {  	_ =	shalt  }
0x74: {  	_ =	shalt  }
0x75: {  	_ =	shalt  }
0x76: {  	_ =	shalt  }
0x77: {  	_ =	shalt  }
0x78: {  	_ =	shalt  }
0x79: {  	_ =	shalt  }
0x7a: {  	_ =	shalt  }
0x7b: {  	_ =	shalt  }
0x7c: {  	_ =	shalt  }
0x7d: {  	_ =	shalt  }
0x7e: {  	_ =	shalt  }
0x7f: {  	_ =	shalt  }
0x80: {  	_ =	shalt  }
0x81: {  	_ =	shalt  }
0x82: {  	_ =	shalt  }
0x83: {  	_ =	shalt  }
0x84: {  	_ =	shalt  }
0x85: {  	_ =	shalt  }
0x86: {  	_ =	shalt  }
0x87: {  	_ =	shalt  }
.Lfunc_end0:
.L_simem_size_0:
called_computation.2_lowered:
.L_overlay_start_0:
0x88: {  	s2 =	sld [smem:$0x3FD9]  }
0x89: {  	s3 =	sld [smem:$0x3FFE];
	_ =	sdelay $0x1  }
0x8a: {  	s1 =	srdreg.scid  }
0x8b: {  	s0 =	sand.u32 $0x1, s1  }
0x8c: {  	s17 =	sshll.u32 s0, $0xA;
	s2 =	sadd.s32 s3, s2  }
0x8d: {  	s2 =	sadd.s32 s2, s17  }
0x8e: {  	[smem:$0x3FB4] =	sst s2  }
0x8f: {  	_ = 	snop  }
0x90: {  	s2 =	sld [smem:$0x3FD0];
	(tm) =	ssettm $0x1  }
0x91: {  	s18 =	sld [smem:$0x3FFB];
	_ =	sdelay $0x3  }
0x92: {  	_ =	strace s18  }
0x93: {  	s3 =	sld [smem:$0x3FFC];
	_ =	sdelay $0x3  }
0x94: {  	_ =	strace s3  }
0x95: {  	s3 =	sld [smem:$0x3FFD];
	_ =	sdelay $0x3  }
0x96: {  	_ =	strace s3  }
0x97: {  	_ =	strace $0x8FFFFFFF  }
0x98: {  	s19 =	sld [smem:$0x3FDB];
	_ =	sdelay $0x1  }
0x99: {  	s4 =	simm.s32 $_scs_section_size  }
0x9a: {  	s5 =	simm.s32 $_size__tile_overlayer_lowered;
	s6 =	simm.s32 $_tile_overlayer_lowered  }
0x9b: {  	s22 =	simm.s32 $0x1BFF;
	s21 =	sshll.u32 s6, $0x1;
	s3 =	sadd.s32 s4, s19  }
0x9c: {  	s7 =	simm.s32 $0x0;
	s20 =	sshll.u32 s5, $0x1;
	s5 =	sadd.s32 s21, s3  }
0x9d: {  	[timem:s7], [sflag:s22] =	dma.local [hbm:s5], s20  }
0x9e: {  	_ =	swait.ge [sflag:s22], s20  }
0x9f: {  	s4 =	ssub.s32 $0x0, s20;
	[sflag:s22] =	ssyncset.done $0x0  }
0xa0: {  	[sflag:s22] =	ssyncadd.s32 s4;
	_ =	sdelay $0x1  }
0xa1: {  	s23 =	simm.s32 $0x1B8B  }
0xa2: {  	_ =	swait.ge [sflag:s23], $0x1  }
0xa3: {  	[sflag:s23] =	ssyncset.done $0x0  }
0xa4: {  	s25 =	simm.s32 $0x1B8E;
	s24 =	sld [smem:$0x3FFE];
	[sflag:s23] =	ssyncadd.s32 $0xFFFFFFFF  }
0xa5: {  	s26 =	simm.s32 $execute0_lowered;
	[smem:$0x3FD2] =	sst s25  }
0xa6: {  	s5 =	sshll.u32 s26, $0x1;
	_ =	strace $0x8000004C;
	[dreg:$0x1] =	wrdreg $0xFFFFFFFF  }
0xa7: {  	s28 =	simm.s32 $_size_execute0_lowered;
	s3 =	sadd.s32 s3, s5;
	[dreg:$0x0] =	wrdreg $0x0  }
0xa8: {  	s5 =	sshll.u32 s28, $0x1;
	[dreg:$0x2] =	wrdreg s3  }
0xa9: {  	[dreg:$0x3] =	wrdreg s5  }
0xaa: {  	[dreg:$0x4] =	wrdreg $0xC0  }
0xab: {  	_ =	task [dreg:s7], $0x5FFFF  }
0xac: {  	[dreg:$0x1] =	wrdreg $0xFFFFFFFF  }
0xad: {  	[dreg:$0x0] =	wrdreg $0x60  }
0xae: {  	[dreg:$0x2] =	wrdreg s24  }
0xaf: {  	[dreg:$0x3] =	wrdreg s2  }
0xb0: {  	[dreg:$0x4] =	wrdreg $0xA8000  }
0xb1: {  	[dreg:$0x5] =	wrdreg $0x9  }
0xb2: {  	_ =	task.clear_ibuf [dreg:s7], $0x6FFFF;
	_ =	strace $0x9000004C  }
0xb3: {  	s29 =	simm.s32 $0x9;
	_ =	strace $0x8000004E  }
0xb4: {  	_ =	swait.ge [sflag:s29], $0x1  }
0xb5: {  	[sflag:s29] =	ssyncadd.s32 $0xFFFFFFFF  }
0xb6: {  	_ =	strace $0x9000004E  }
0xb7: {  	_ =	sfence  }
0xb8: {  	s30 =	sld [smem:$0x0];
	_ =	sdelay $0x2  }
0xb9: {  	s31 =	sshll.u32 s1, $0xD;
	s1 =	sshrl.u32 s1, $0x2  }
0xba: {  	s3 =	sand.u32 $0x4000, s31;
	s1 =	sadd.s32 s1, s30  }
0xbb: {  	s0 =	sor.u32 s3, s0;
	s1 =	sshll.u32 s1, $0x11  }
0xbc: {  	s0 =	sor.u32 s1, s0  }
0xbd: {  	s0 =	sadd.s32 $0x8F2B, s0  }
0xbe: {  	[sflag:s0] =	ssyncadd.remote.s32 $0x1  }
0xbf: {  	_ =	sfence.sel $0xFFFF  }
0xc0: {  	[dreg:$0x0] =	wrdreg $0xFFFFFFFF;
	(pc) =	sbr.abs _section_cstart, $3  }
0xc1: {  	[dreg:$0x1] =	wrdreg $0xFFFFFFFF  }
0xc2: {  	_ =	task.clear_ibuf [dreg:s7], $0x2FFFF;
	_ =	strace $0x9FFFFFFF  }
0xc3: {  	(tm) =	ssettm $0x7FFFFFFF  }
tec
execute0_lowered:
.L_overlay_start_1:
0x0: {  	(tag) =	ssettag $0x1  }
0x1: {  	s8 =	rddreg [dreg:$0x0]  }
0x2: {  	s1 =	rddreg [dreg:$0x1]  }
0x3: {  	s2 =	rddreg [dreg:$0x2]  }
0x4: {  	s3 =	srdreg.scid;
	s0 =	rddreg [dreg:$0x3]  }
0x5: {  	s4 =	simm.s32 $0x0;
	s16 =	simm.s32 $0x80;
	s17 =	simm.s32 $0x2800  }
0x6: {  	s18 =	simm.s32 $0x6800;
	s19 =	simm.s32 $0x1;
	s20 =	simm.s32 $0x2  }
0x7: {  	s21 =	simm.s32 $0x1380;
	s22 =	simm.s32 $0x2700;
	s9 =	sand.u32 $0x1, s3  }
0x8: {  	s23 =	simm.s32 $0x2780;
	s3 =	stileid.u32;
	s10 =	smul.u32 $0x140000, s9  }
0x9: {  	[smem:$0x7FF] =	sst s4;
	s5 =	sadd.s32 $0x13000, s8;
	s11 =	smul.u32 $0x14000, s3  }
0xa: {  	s6 =	sadd.s32 $0x5800, s8;
	s7 =	sadd.s32 $0x10800, s8;
	s12 =	smul.u32 $0x28, s3  }
0xb: {  	_ =	strace $0x8000004D;
	s25 =	ssub.s32 $0x2, s9;
	s14 =	smul.u32 $0x78, s3  }
0xc: {  	p0 =	seq.s32 s9, $0x0;
	s28 =	smul.u32 $0x50000, s3;
	s9 =	simm.s32 $0x78  }
0xd: {  	s30 =	sshll.u32 s3, $0x6;
	s26 =	sshrl.u32 s25, $0x1;
	s9 =	simm.s32 @!p0 $0x28  }
.Ltmp0:
0xe: {  	s10 =	sadd.s32 s11, s10;
	s29 =	sshrl.u32 s28, $0x2;
	(pc) =	sbr.rel .LBB2_1-.Ltmp0, $4  }
0xf: {  	s15 =	ssub.s32 s25, s26;
	s10 =	sshrl.u32 s10, $0x3;
	s31 =	sadd.s32 s29, s2  }
0x10: {  	s13 =	sadd.s32 s10, s8;
	s8 =	sadd.s32 $0x780, s12;
	s10 =	sor.u32 $0x1C03, s30  }
0x11: {  	s12 =	smax.u32 s15, $0x1;
	s15 =	simm.s32 $0x1400;
	s8 =	smov.u32 @p0 s14  }
0x12: {  	s11 =	sadd.s32 $0x3B000, s13;
	s13 =	sshrl.u32 s31, $0x3;
	s14 =	simm.s32 $0x3  }
.LBB2_7:
0x13: {  	s4 =	sadd.s32 $0x1, s4  }
0x14: {  	p0 =	sne.s32 s4, s12  }
.Ltmp1:
0x15: {  	[bflag:$0x0] =	sbarrier.arrive $0xFFFF;
	(pc) =	sbr.rel @!p0 .LBB2_8-.Ltmp1, $4  }
0x16: {  	[hbm:s11], [sflag:s10] =	dma.local [spmem:s13], $0x2800  }
0x17: {  	_ =	swait.ge [sflag:s14], $0x2800  }
0x18: {  	[sflag:s14] =	ssyncset.done $0x0  }
0x19: {  	[sflag:s14] =	ssyncadd.s32 $0xFFFFD800  }
.LBB2_1:
0x1a: {  	[spmem:s13], [sflag:s10] =	dma.local [hbm:s7], $0x2800  }
.Ltmp2:
0x1b: {  	_ =	swait.ge [sflag:s14], $0x2800;
	(pc) =	sbr.rel .LBB2_2-.Ltmp2, $4  }
0x1c: {  	[sflag:s14] =	ssyncset.done $0x0  }
0x1d: {  	[sflag:s14] =	ssyncadd.s32 $0xFFFFD800  }
0x1e: {  	[bflag:$0x0] =	sbarrier.arrive $0xFFFF  }
0x1f: {  	s24 =	simm.s32 $0x0  }
.LBB2_6:
0x20: {  	s24 =	sadd.s32 $0x1, s24  }
0x21: {  	p0 =	sne.s32 s24, $0x3  }
.Ltmp3:
0x22: {  	_ = 	snop;
	(pc) =	sbr.rel @!p0 .LBB2_7-.Ltmp3, $1  }
0x23: {  	_ =	sdelay $0x3  }
.LBB2_2:
0x24: {  	s25 =	smul.u32 $0x28, s24;
	_ =	sdelay $0x1  }
0x25: {  	p0 =	sge.u32 s25, s9  }
.Ltmp4:
0x26: {  	_ = 	snop;
	(pc) =	sbr.rel @p0 .LBB2_6-.Ltmp4, $1  }
0x27: {  	_ =	sdelay $0x3  }
0x28: {  	s25 =	sadd.s32 s8, s25  }
0x29: {  	s25 =	sshll.u32 s25, $0x4  }
0x2a: {  	s28 =	simm.s32 $0x0;
	s26 =	sadd.s32 s1, s25  }
0x2b: {  	[tilespmem:s28], [sflag:$0x3] =	stream.linear.gather [hbm4b:s26+s28], $0x1400, $0x38;
	[tilespmem:$0x1E800] =	vst v63  }
0x2c: {  	_ =	swait.ge [sflag:s14], $0x1400  }
0x2d: {  	[sflag:s14] =	ssyncset.done $0x0  }
0x2e: {  	s25 =	sadd.s32 s6, s25;
	[sflag:s14] =	ssyncadd.s32 $0xFFFFEC00  }
0x2f: {  	[tilespmem:s15], [sflag:$0x3] =	stream.linear.gather [hbm4b:s25+s28], $0x1400, $0x38;
	[tilespmem:$0x1E800] =	vst v63  }
0x30: {  	_ =	swait.ge [sflag:s14], $0x1400  }
0x31: {  	[sflag:s14] =	ssyncset.done $0x0  }
0x32: {  	[sflag:s14] =	ssyncadd.s32 $0xFFFFEC00  }
0x33: {  	[tilespmem:s17], [sflag:$0x1] =	stream.indirect.gather [hbm4b:s5+s16], $0x80, s28, s16, $0xb8;
	[tilespmem:$0x1E800] =	vst v63  }
0x34: {  	s28 =	simm.s32 $0x80  }
0x35: {  	[tilespmem:s18], [sflag:$0x2] =	stream.indirect.gather [hbm4b:s5+s16], $0x80, s28, s16, $0xb8;
	[tilespmem:$0x1E800] =	vst v63  }
0x36: {  	_ =	swait.ge [sflag:s19], $0x4000  }
0x37: {  	[sflag:s19] =	ssyncset.done $0x0  }
0x38: {  	s29 =	simm.s32 $0x1400;
	[sflag:s19] =	ssyncadd.s32 $0xFFFFC000  }
0x39: {  	[spmem:s2] =	stream.indirect.scatter.add.f32 [tilespmem:s17], [sflag:$0x3], $0x80, s29, s16, $0xb8;
	[tilespmem:$0x1E800] =	vst v63  }
0x3a: {  	_ =	swait.ge [sflag:s14], $0x4000  }
0x3b: {  	[sflag:s14] =	ssyncset.done $0x0  }
0x3c: {  	s30 =	simm.s32 $0x100;
	[sflag:s14] =	ssyncadd.s32 $0xFFFFC000  }
0x3d: {  	[tilespmem:s17], [sflag:$0x1] =	stream.indirect.gather [hbm4b:s5+s16], $0x80, s30, s16, $0xb8;
	[tilespmem:$0x1E800] =	vst v63  }
0x3e: {  	_ =	swait.ge [sflag:s20], $0x4000  }
0x3f: {  	[sflag:s20] =	ssyncset.done $0x0  }
0x40: {  	s31 =	simm.s32 $0x1480;
	[sflag:s20] =	ssyncadd.s32 $0xFFFFC000  }
0x41: {  	[spmem:s2] =	stream.indirect.scatter.add.f32 [tilespmem:s18], [sflag:$0x3], $0x80, s31, s16, $0xb8;
	[tilespmem:$0x1E800] =	vst v63  }
0x42: {  	_ =	swait.ge [sflag:s14], $0x4000  }
0x43: {  	s26 =	simm.s32 $0x800;
	s25 =	simm.s32 $0x100;
	[sflag:s14] =	ssyncset.done $0x0  }
.LBB2_4:
0x44: {  	s28 =	sadd.s32 $0x80, s25  }
0x45: {  	[sflag:s14] =	ssyncadd.s32 $0xFFFFC000;
	s29 =	smov.u32 s26;
	s30 =	sadd.s32 $0x400, s26  }
0x46: {  	[tilespmem:s18], [sflag:$0x2] =	stream.indirect.gather [hbm4b:s5+s16], $0x80, s28, s16, $0xb8;
	[tilespmem:$0x1E800] =	vst v63  }
0x47: {  	p0 =	sne.s32 s26, $0x4800;
	_ =	swait.ge [sflag:s19], $0x4000  }
0x48: {  	[sflag:s19] =	ssyncset.done $0x0  }
0x49: {  	s26 =	sadd.s32 $0x1400, s25;
	[sflag:s19] =	ssyncadd.s32 $0xFFFFC000  }
0x4a: {  	[spmem:s2] =	stream.indirect.scatter.add.f32 [tilespmem:s17], [sflag:$0x3], $0x80, s26, s16, $0xb8;
	[tilespmem:$0x1E800] =	vst v63  }
0x4b: {  	_ =	swait.ge [sflag:s14], $0x4000  }
0x4c: {  	[sflag:s14] =	ssyncset.done $0x0  }
0x4d: {  	s26 =	sadd.s32 $0x100, s25;
	[sflag:s14] =	ssyncadd.s32 $0xFFFFC000  }
0x4e: {  	[tilespmem:s17], [sflag:$0x1] =	stream.indirect.gather [hbm4b:s5+s16], $0x80, s26, s16, $0xb8;
	[tilespmem:$0x1E800] =	vst v63  }
0x4f: {  	_ =	swait.ge [sflag:s20], $0x4000  }
.Ltmp5:
0x50: {  	[sflag:s20] =	ssyncset.done $0x0;
	(pc) =	sbr.rel @p0 .LBB2_4-.Ltmp5, $4  }
0x51: {  	s25 =	sadd.s32 $0x1480, s25;
	[sflag:s20] =	ssyncadd.s32 $0xFFFFC000  }
0x52: {  	[spmem:s2] =	stream.indirect.scatter.add.f32 [tilespmem:s18], [sflag:$0x3], $0x80, s25, s16, $0xb8;
	[tilespmem:$0x1E800] =	vst v63  }
0x53: {  	_ =	swait.ge [sflag:s14], $0x4000  }
0x54: {  	s26 =	smov.u32 s30;
	s25 =	sshra.s32 s29, $0x2;
	[sflag:s14] =	ssyncset.done $0x0  }
0x55: {  	s26 =	sadd.s32 $0x80, s25;
	[sflag:s14] =	ssyncadd.s32 $0xFFFFC000  }
0x56: {  	[tilespmem:s18], [sflag:$0x2] =	stream.indirect.gather [hbm4b:s5+s16], $0x80, s26, s16, $0xb8;
	[tilespmem:$0x1E800] =	vst v63  }
0x57: {  	_ =	swait.ge [sflag:s19], $0x4000  }
0x58: {  	[sflag:s19] =	ssyncset.done $0x0  }
0x59: {  	s29 =	sadd.s32 $0x1400, s25;
	[sflag:s19] =	ssyncadd.s32 $0xFFFFC000  }
0x5a: {  	[spmem:s2] =	stream.indirect.scatter.add.f32 [tilespmem:s17], [sflag:$0x3], $0x80, s29, s16, $0xb8;
	[tilespmem:$0x1E800] =	vst v63  }
0x5b: {  	_ =	swait.ge [sflag:s14], $0x4000  }
0x5c: {  	[sflag:s14] =	ssyncset.done $0x0  }
0x5d: {  	s30 =	sadd.s32 $0x100, s25;
	[sflag:s14] =	ssyncadd.s32 $0xFFFFC000  }
0x5e: {  	[tilespmem:s17], [sflag:$0x1] =	stream.indirect.gather [hbm4b:s5+s16], $0x80, s30, s16, $0xb8;
	[tilespmem:$0x1E800] =	vst v63  }
0x5f: {  	_ =	swait.ge [sflag:s20], $0x4000  }
0x60: {  	[sflag:s20] =	ssyncset.done $0x0  }
0x61: {  	s31 =	sadd.s32 $0x1480, s25;
	[sflag:s20] =	ssyncadd.s32 $0xFFFFC000  }
0x62: {  	[spmem:s2] =	stream.indirect.scatter.add.f32 [tilespmem:s18], [sflag:$0x3], $0x80, s31, s16, $0xb8;
	[tilespmem:$0x1E800] =	vst v63  }
0x63: {  	_ =	swait.ge [sflag:s14], $0x4000  }
0x64: {  	[sflag:s14] =	ssyncset.done $0x0  }
0x65: {  	[sflag:s14] =	ssyncadd.s32 $0xFFFFC000  }
0x66: {  	[tilespmem:s18], [sflag:$0x2] =	stream.indirect.gather [hbm4b:s5+s16], $0x80, s21, s16, $0xb8;
	[tilespmem:$0x1E800] =	vst v63  }
0x67: {  	_ =	swait.ge [sflag:s19], $0x4000  }
0x68: {  	[sflag:s19] =	ssyncset.done $0x0  }
0x69: {  	[sflag:s19] =	ssyncadd.s32 $0xFFFFC000  }
0x6a: {  	[spmem:s2] =	stream.indirect.scatter.add.f32 [tilespmem:s17], [sflag:$0x3], $0x80, s22, s16, $0xb8;
	[tilespmem:$0x1E800] =	vst v63  }
0x6b: {  	_ =	swait.ge [sflag:s14], $0x4000  }
0x6c: {  	[sflag:s14] =	ssyncset.done $0x0  }
0x6d: {  	[sflag:s14] =	ssyncadd.s32 $0xFFFFC000  }
0x6e: {  	_ =	swait.ge [sflag:s20], $0x4000  }
0x6f: {  	[sflag:s20] =	ssyncset.done $0x0  }
.Ltmp6:
0x70: {  	[sflag:s20] =	ssyncadd.s32 $0xFFFFC000;
	(pc) =	sbr.rel .LBB2_6-.Ltmp6, $4  }
0x71: {  	[spmem:s2] =	stream.indirect.scatter.add.f32 [tilespmem:s18], [sflag:$0x3], $0x80, s23, s16, $0xb8;
	[tilespmem:$0x1E800] =	vst v63  }
0x72: {  	_ =	swait.ge [sflag:s14], $0x4000  }
0x73: {  	[sflag:s14] =	ssyncset.done $0x0  }
0x74: {  	[sflag:s14] =	ssyncadd.s32 $0xFFFFC000  }
.LBB2_8:
0x75: {  	_ =	sfence.sel $0x180000  }
0x76: {  	[bflag:$0x0] =	sbarrier.arrive $0xFFFF  }
0x77: {  	p0 =	sne.s32 s3, $0x0;
	_ =	strace $0x9000004D  }
0x78: {  	s0 =	sadd.s32 @!p0 $0x100000, s0;
	[bflag:$0x2] =	sbarrier.arrive $0xFFFF  }
0x79: {  	[sflag:s0] =	ssyncadd.tile.s32 @!p0 $0x1;
	_ =	shalt  }
.Lfunc_end2:
_tile_overlayer_lowered:
.L_overlay_start_2:
0x7a: {  	(tag) =	ssettag $0x2  }
0x7b: {  	s0 =	rddreg [dreg:$0x0];
	s2 =	stileid.u32  }
0x7c: {  	s1 =	rddreg [dreg:$0x1];
	p0 =	sne.s32 s2, $0x0  }
0x7d: {  	s3 =	rddreg [dreg:$0x2];
	[bflag:$0x3] =	sbarrier.arrive $0xFFFF;
	s2 =	simm.s32 @!p0 $0x1C03  }
0x7e: {  	[timem:s3], [sflag:s2] =	dma.local @!p0 [hbm:s0], s1  }
0x7f: {  	s0 =	simm.s32 @!p0 $0x3  }
0x80: {  	_ =	swait.ge @!p0 [sflag:s0], s1  }
0x81: {  	s1 =	ssub.s32 @!p0 $0x0, s1;
	[sflag:s0] =	ssyncset.done @!p0 $0x0  }
0x82: {  	[sflag:s0] =	ssyncadd.s32 @!p0 s1  }
0x83: {  	[bflag:$0x3] =	sbarrier.arrive $0xFFFF  }
0x84: {  	_ =	shalt  }

// kernel: kernel.24.cloned.1.call-start
scs
__scs_entry_jumppad:
0x0: {  	(pc) =	sbr.rel $0x88, $3  }
0x1: {  	(tag) =	ssettag $0x0;
	lr =	simm.s32 $0x1  }
0x2: {  	[smem:$0x3F8D] =	sst lr;
	_ =	strace $0xD0000000  }
0x3: {  	_ = 	snop  }
0x4: {  	_ = 	snop  }
0x5: {  	_ = 	snop  }
0x6: {  	_ = 	snop  }
0x7: {  	_ = 	snop  }
__scs_overlays_trampoline_lowered:
0x8: {  	[smem:$0x3F9C] =	sst s0  }
0x9: {  	[smem:$0x3F9D] =	sst s1  }
0xa: {  	[smem:$0x3F9E] =	sst s2  }
0xb: {  	[smem:$0x3F9F] =	sst s3  }
0xc: {  	[smem:$0x3FA0] =	sst s4  }
0xd: {  	[smem:$0x3FA1] =	sst s5  }
0xe: {  	[smem:$0x3FA2] =	sst s6  }
0xf: {  	[smem:$0x3FA3] =	sst s7  }
0x10: {  	[smem:$0x3FA4] =	sst s8  }
0x11: {  	[smem:$0x3FA5] =	sst s9;
	s0 =	simm.s32 @!p0 $0x0  }
0x12: {  	s1 =	sld [smem:$0x3F8B];
	s0 =	simm.s32 @p0 $0x1  }
0x13: {  	[smem:$0x3FA6] =	sst s0;
	s0 =	simm.s32 @!p1 $0x0  }
0x14: {  	s2 =	sld [smem:$0x3F8A];
	s0 =	simm.s32 @p1 $0x1  }
0x15: {  	[smem:$0x3FA7] =	sst s0;
	s0 =	simm.s32 @!p2 $0x0  }
0x16: {  	s3 =	sld [smem:$0x3FDB];
	s0 =	simm.s32 @p2 $0x1  }
0x17: {  	s4 =	simm.s32 $0x1BF5;
	[smem:$0x3FA9] =	sst s0  }
0x18: {  	s0 =	sld [smem:$0x3F8C];
	_ =	swait.ge [sflag:s4], $0x0  }
0x19: {  	s7 =	sld [smem:$0x3F8D]  }
0x1a: {  	s8 =	sadd.s32 $0xFFFFE003, lr  }
0x1b: {  	s9 =	sadd.s32 $0xFFFFFEF7, lr;
	s5 =	simm.s32 $0xFFFFFFFF;
	p2 =	slt.u32 s8, $0xFFFFF086  }
0x1c: {  	p1 =	slt.u32 s9, $0xF7A;
	s5 =	simm.s32 @!p2 $0x0  }
0x1d: {  	s5 =	simm.s32 @p1 $0x1;
	p0 =	seq.s32 s7, s2  }
0x1e: {  	s7 =	smul.u32 @!p0 $0xF7A, s2;
	p2 =	seq.s32 @!p0 s5, $0x0  }
0x1f: {  	s9 =	smul.u32 $0xF7A, s1;
	s8 =	simm.s32 @!p0 $0x1BF5;
	p2 =	por !p2, p0  }
0x20: {  	[sflag:s8] =	ssyncset.s32 @!p0 $0xFFFFF086;
	s6 =	sadd.s32 @!p0 s3, s7;
	s7 =	simm.s32 @!p0 $0x108  }
0x21: {  	s3 =	sadd.s32 s3, s9;
	s6 =	sadd.s32 @!p0 $0x88, s6;
	s7 =	simm.s32 @p2 $0x1082  }
0x22: {  	[simem:s7], [sflag:s8] =	dma.local @!p0 [hbm:s6], $0xF7A  }
0x23: {  	s9 =	sor.u32 $0xD0000000, s2;
	s6 =	simm.s32 $0x108;
	_ =	swait.ge @!p0 [sflag:s8], $0x0  }
0x24: {  	s3 =	sadd.s32 $0x88, s3;
	s6 =	simm.s32 @!p1 $0x1082;
	[sflag:s4] =	ssyncset.s32 $0xFFFFF086  }
0x25: {  	[simem:s6], [sflag:s4] =	dma.local [hbm:s3], $0xF7A  }
0x26: {  	[smem:$0x3F8D] =	sst s1;
	(tag) =	ssettag s2;
	_ =	strace s9  }
0x27: {  	s1 =	sld [smem:$0x3F9D]  }
0x28: {  	s2 =	sld [smem:$0x3F9E]  }
0x29: {  	s4 =	sld [smem:$0x3FA0]  }
0x2a: {  	p0 =	seq.s32 s5, $0x0;
	s5 =	sld [smem:$0x3FA1]  }
0x2b: {  	s6 =	sld [smem:$0x3FA2]  }
0x2c: {  	s7 =	sld [smem:$0x3FA3]  }
0x2d: {  	s3 =	simm.s32 $0x108;
	s8 =	sld [smem:$0x3FA4]  }
0x2e: {  	s3 =	simm.s32 @!p0 $0x1082;
	s9 =	sld [smem:$0x3FA5]  }
0x2f: {  	lr =	sadd.s32 s0, s3;
	s0 =	sld [smem:$0x3F9C]  }
0x30: {  	s3 =	sld [smem:$0x3F9F]  }
0x31: {  	[smem:$0x3FA8] =	sst s10  }
0x32: {  	s10 =	sld [smem:$0x3FA6];
	_ =	sdelay $0x3  }
0x33: {  	p0 =	seq.s32 s10, $0x1;
	s10 =	sld [smem:$0x3FA8];
	_ =	sdelay $0x3  }
0x34: {  	[smem:$0x3FA8] =	sst s10  }
0x35: {  	s10 =	sld [smem:$0x3FA7];
	_ =	sdelay $0x3  }
0x36: {  	p1 =	seq.s32 s10, $0x1;
	s10 =	sld [smem:$0x3FA8];
	_ =	sdelay $0x3  }
0x37: {  	[smem:$0x3FA8] =	sst s10  }
0x38: {  	s10 =	sld [smem:$0x3FA9]  }
0x39: {  	_ = 	snop;
	(pc) =	sbr.ind lr, $3  }
0x3a: {  	_ = 	snop  }
0x3b: {  	_ = 	snop  }
0x3c: {  	p2 =	seq.s32 s10, $0x1;
	s10 =	sld [smem:$0x3FA8]  }
0x3d: {  	_ =	shalt  }
0x3e: {  	_ =	shalt  }
0x3f: {  	_ =	shalt  }
0x40: {  	_ =	shalt  }
0x41: {  	_ =	shalt  }
0x42: {  	_ =	shalt  }
0x43: {  	_ =	shalt  }
0x44: {  	_ =	shalt  }
0x45: {  	_ =	shalt  }
0x46: {  	_ =	shalt  }
0x47: {  	_ =	shalt  }
0x48: {  	_ =	shalt  }
0x49: {  	_ =	shalt  }
0x4a: {  	_ =	shalt  }
0x4b: {  	_ =	shalt  }
0x4c: {  	_ =	shalt  }
0x4d: {  	_ =	shalt  }
0x4e: {  	_ =	shalt  }
0x4f: {  	_ =	shalt  }
0x50: {  	_ =	shalt  }
0x51: {  	_ =	shalt  }
0x52: {  	_ =	shalt  }
0x53: {  	_ =	shalt  }
0x54: {  	_ =	shalt  }
0x55: {  	_ =	shalt  }
0x56: {  	_ =	shalt  }
0x57: {  	_ =	shalt  }
0x58: {  	_ =	shalt  }
0x59: {  	_ =	shalt  }
0x5a: {  	_ =	shalt  }
0x5b: {  	_ =	shalt  }
0x5c: {  	_ =	shalt  }
0x5d: {  	_ =	shalt  }
0x5e: {  	_ =	shalt  }
0x5f: {  	_ =	shalt  }
0x60: {  	_ =	shalt  }
0x61: {  	_ =	shalt  }
0x62: {  	_ =	shalt  }
0x63: {  	_ =	shalt  }
0x64: {  	_ =	shalt  }
0x65: {  	_ =	shalt  }
0x66: {  	_ =	shalt  }
0x67: {  	_ =	shalt  }
0x68: {  	_ =	shalt  }
0x69: {  	_ =	shalt  }
0x6a: {  	_ =	shalt  }
0x6b: {  	_ =	shalt  }
0x6c: {  	_ =	shalt  }
0x6d: {  	_ =	shalt  }
0x6e: {  	_ =	shalt  }
0x6f: {  	_ =	shalt  }
0x70: {  	_ =	shalt  }
0x71: {  	_ =	shalt  }
0x72: {  	_ =	shalt  }
0x73: {  	_ =	shalt  }
0x74: {  	_ =	shalt  }
0x75: {  	_ =	shalt  }
0x76: {  	_ =	shalt  }
0x77: {  	_ =	shalt  }
0x78: {  	_ =	shalt  }
0x79: {  	_ =	shalt  }
0x7a: {  	_ =	shalt  }
0x7b: {  	_ =	shalt  }
0x7c: {  	_ =	shalt  }
0x7d: {  	_ =	shalt  }
0x7e: {  	_ =	shalt  }
0x7f: {  	_ =	shalt  }
0x80: {  	_ =	shalt  }
0x81: {  	_ =	shalt  }
0x82: {  	_ =	shalt  }
0x83: {  	_ =	shalt  }
0x84: {  	_ =	shalt  }
0x85: {  	_ =	shalt  }
0x86: {  	_ =	shalt  }
0x87: {  	_ =	shalt  }
.Lfunc_end0:
.L_simem_size_0:
called_computation.3_lowered:
.L_overlay_start_0:
0x88: {  	s2 =	sld [smem:$0x3FD9]  }
0x89: {  	s3 =	sld [smem:$0x3FFE];
	_ =	sdelay $0x1  }
0x8a: {  	s1 =	srdreg.scid  }
0x8b: {  	s0 =	sand.u32 $0x1, s1  }
0x8c: {  	s17 =	sshll.u32 s0, $0xA;
	s2 =	sadd.s32 s3, s2  }
0x8d: {  	s2 =	sadd.s32 s2, s17  }
0x8e: {  	[smem:$0x3FB4] =	sst s2  }
0x8f: {  	_ = 	snop  }
0x90: {  	s2 =	sld [smem:$0x3FD0];
	(tm) =	ssettm $0x1  }
0x91: {  	s18 =	sld [smem:$0x3FFB];
	_ =	sdelay $0x3  }
0x92: {  	_ =	strace s18  }
0x93: {  	s3 =	sld [smem:$0x3FFC];
	_ =	sdelay $0x3  }
0x94: {  	_ =	strace s3  }
0x95: {  	s3 =	sld [smem:$0x3FFD];
	_ =	sdelay $0x3  }
0x96: {  	_ =	strace s3  }
0x97: {  	_ =	strace $0x8FFFFFFF  }
0x98: {  	s19 =	sld [smem:$0x3FDB];
	_ =	sdelay $0x1  }
0x99: {  	s4 =	simm.s32 $_scs_section_size  }
0x9a: {  	s5 =	simm.s32 $_size__tile_overlayer_lowered;
	s6 =	simm.s32 $_tile_overlayer_lowered  }
0x9b: {  	s22 =	simm.s32 $0x1BFF;
	s21 =	sshll.u32 s6, $0x1;
	s3 =	sadd.s32 s4, s19  }
0x9c: {  	s7 =	simm.s32 $0x0;
	s20 =	sshll.u32 s5, $0x1;
	s5 =	sadd.s32 s21, s3  }
0x9d: {  	[timem:s7], [sflag:s22] =	dma.local [hbm:s5], s20  }
0x9e: {  	_ =	swait.ge [sflag:s22], s20  }
0x9f: {  	s4 =	ssub.s32 $0x0, s20;
	[sflag:s22] =	ssyncset.done $0x0  }
0xa0: {  	[sflag:s22] =	ssyncadd.s32 s4;
	_ =	sdelay $0x1  }
0xa1: {  	s23 =	simm.s32 $0x1B8B  }
0xa2: {  	_ =	swait.ge [sflag:s23], $0x1  }
0xa3: {  	[sflag:s23] =	ssyncset.done $0x0  }
0xa4: {  	s25 =	simm.s32 $0x1B8E;
	s24 =	sld [smem:$0x3FFE];
	[sflag:s23] =	ssyncadd.s32 $0xFFFFFFFF  }
0xa5: {  	s26 =	simm.s32 $execute0_lowered;
	[smem:$0x3FD2] =	sst s25  }
0xa6: {  	s5 =	sshll.u32 s26, $0x1;
	_ =	strace $0x8000004F;
	[dreg:$0x1] =	wrdreg $0xFFFFFFFF  }
0xa7: {  	s28 =	simm.s32 $_size_execute0_lowered;
	s3 =	sadd.s32 s3, s5;
	[dreg:$0x0] =	wrdreg $0x0  }
0xa8: {  	s5 =	sshll.u32 s28, $0x1;
	[dreg:$0x2] =	wrdreg s3  }
0xa9: {  	[dreg:$0x3] =	wrdreg s5  }
0xaa: {  	[dreg:$0x4] =	wrdreg $0xC0  }
0xab: {  	_ =	task [dreg:s7], $0x5FFFF  }
0xac: {  	[dreg:$0x1] =	wrdreg $0xFFFFFFFF  }
0xad: {  	[dreg:$0x0] =	wrdreg $0x60  }
0xae: {  	[dreg:$0x2] =	wrdreg s24  }
0xaf: {  	[dreg:$0x3] =	wrdreg s2  }
0xb0: {  	[dreg:$0x4] =	wrdreg $0xA8000  }
0xb1: {  	[dreg:$0x5] =	wrdreg $0x9  }
0xb2: {  	_ =	task.clear_ibuf [dreg:s7], $0x6FFFF;
	_ =	strace $0x9000004F  }
0xb3: {  	s29 =	simm.s32 $0x9;
	_ =	strace $0x80000051  }
0xb4: {  	_ =	swait.ge [sflag:s29], $0x1  }
0xb5: {  	[sflag:s29] =	ssyncadd.s32 $0xFFFFFFFF  }
0xb6: {  	_ =	strace $0x90000051  }
0xb7: {  	_ =	sfence  }
0xb8: {  	s30 =	sld [smem:$0x0];
	_ =	sdelay $0x2  }
0xb9: {  	s31 =	sshll.u32 s1, $0xD;
	s1 =	sshrl.u32 s1, $0x2  }
0xba: {  	s3 =	sand.u32 $0x4000, s31;
	s1 =	sadd.s32 s1, s30  }
0xbb: {  	s0 =	sor.u32 s3, s0;
	s1 =	sshll.u32 s1, $0x11  }
0xbc: {  	s0 =	sor.u32 s1, s0  }
0xbd: {  	s0 =	sadd.s32 $0x8F2B, s0  }
0xbe: {  	[sflag:s0] =	ssyncadd.remote.s32 $0x1  }
0xbf: {  	_ =	sfence.sel $0xFFFF  }
0xc0: {  	[dreg:$0x0] =	wrdreg $0xFFFFFFFF;
	(pc) =	sbr.abs _section_cstart, $3  }
0xc1: {  	[dreg:$0x1] =	wrdreg $0xFFFFFFFF  }
0xc2: {  	_ =	task.clear_ibuf [dreg:s7], $0x2FFFF;
	_ =	strace $0x9FFFFFFF  }
0xc3: {  	(tm) =	ssettm $0x7FFFFFFF  }
tec
execute0_lowered:
.L_overlay_start_1:
0x0: {  	(tag) =	ssettag $0x1  }
0x1: {  	s8 =	rddreg [dreg:$0x0]  }
0x2: {  	s1 =	rddreg [dreg:$0x1]  }
0x3: {  	s2 =	rddreg [dreg:$0x2]  }
0x4: {  	s3 =	srdreg.scid;
	s0 =	rddreg [dreg:$0x3]  }
0x5: {  	s4 =	simm.s32 $0x0;
	s16 =	simm.s32 $0x80;
	s17 =	simm.s32 $0x2800  }
0x6: {  	s18 =	simm.s32 $0x6800;
	s19 =	simm.s32 $0x1;
	s20 =	simm.s32 $0x2  }
0x7: {  	s21 =	simm.s32 $0x1380;
	s22 =	simm.s32 $0x2700;
	s9 =	sand.u32 $0x1, s3  }
0x8: {  	s23 =	simm.s32 $0x2780;
	s3 =	stileid.u32;
	s10 =	smul.u32 $0x140000, s9  }
0x9: {  	[smem:$0x7FF] =	sst s4;
	s5 =	sadd.s32 $0x13000, s8;
	s11 =	smul.u32 $0x14000, s3  }
0xa: {  	s6 =	sadd.s32 $0x5800, s8;
	s7 =	sadd.s32 $0x10800, s8;
	s12 =	smul.u32 $0x28, s3  }
0xb: {  	_ =	strace $0x80000050;
	s25 =	ssub.s32 $0x2, s9;
	s14 =	smul.u32 $0x78, s3  }
0xc: {  	p0 =	seq.s32 s9, $0x0;
	s28 =	smul.u32 $0x50000, s3;
	s9 =	simm.s32 $0x78  }
0xd: {  	s30 =	sshll.u32 s3, $0x6;
	s26 =	sshrl.u32 s25, $0x1;
	s9 =	simm.s32 @!p0 $0x28  }
.Ltmp0:
0xe: {  	s10 =	sadd.s32 s11, s10;
	s29 =	sshrl.u32 s28, $0x2;
	(pc) =	sbr.rel .LBB2_1-.Ltmp0, $4  }
0xf: {  	s15 =	ssub.s32 s25, s26;
	s10 =	sshrl.u32 s10, $0x3;
	s31 =	sadd.s32 s29, s2  }
0x10: {  	s13 =	sadd.s32 s10, s8;
	s8 =	sadd.s32 $0x780, s12;
	s10 =	sor.u32 $0x1C03, s30  }
0x11: {  	s12 =	smax.u32 s15, $0x1;
	s15 =	simm.s32 $0x1400;
	s8 =	smov.u32 @p0 s14  }
0x12: {  	s11 =	sadd.s32 $0x3B000, s13;
	s13 =	sshrl.u32 s31, $0x3;
	s14 =	simm.s32 $0x3  }
.LBB2_7:
0x13: {  	s4 =	sadd.s32 $0x1, s4  }
0x14: {  	p0 =	sne.s32 s4, s12  }
.Ltmp1:
0x15: {  	[bflag:$0x0] =	sbarrier.arrive $0xFFFF;
	(pc) =	sbr.rel @!p0 .LBB2_8-.Ltmp1, $4  }
0x16: {  	[hbm:s11], [sflag:s10] =	dma.local [spmem:s13], $0x2800  }
0x17: {  	_ =	swait.ge [sflag:s14], $0x2800  }
0x18: {  	[sflag:s14] =	ssyncset.done $0x0  }
0x19: {  	[sflag:s14] =	ssyncadd.s32 $0xFFFFD800  }
.LBB2_1:
0x1a: {  	[spmem:s13], [sflag:s10] =	dma.local [hbm:s7], $0x2800  }
.Ltmp2:
0x1b: {  	_ =	swait.ge [sflag:s14], $0x2800;
	(pc) =	sbr.rel .LBB2_2-.Ltmp2, $4  }
0x1c: {  	[sflag:s14] =	ssyncset.done $0x0  }
0x1d: {  	[sflag:s14] =	ssyncadd.s32 $0xFFFFD800  }
0x1e: {  	[bflag:$0x0] =	sbarrier.arrive $0xFFFF  }
0x1f: {  	s24 =	simm.s32 $0x0  }
.LBB2_6:
0x20: {  	s24 =	sadd.s32 $0x1, s24  }
0x21: {  	p0 =	sne.s32 s24, $0x3  }
.Ltmp3:
0x22: {  	_ = 	snop;
	(pc) =	sbr.rel @!p0 .LBB2_7-.Ltmp3, $1  }
0x23: {  	_ =	sdelay $0x3  }
.LBB2_2:
0x24: {  	s25 =	smul.u32 $0x28, s24;
	_ =	sdelay $0x1  }
0x25: {  	p0 =	sge.u32 s25, s9  }
.Ltmp4:
0x26: {  	_ = 	snop;
	(pc) =	sbr.rel @p0 .LBB2_6-.Ltmp4, $1  }
0x27: {  	_ =	sdelay $0x3  }
0x28: {  	s25 =	sadd.s32 s8, s25  }
0x29: {  	s25 =	sshll.u32 s25, $0x4  }
0x2a: {  	s28 =	simm.s32 $0x0;
	s26 =	sadd.s32 s1, s25  }
0x2b: {  	[tilespmem:s28], [sflag:$0x3] =	stream.linear.gather [hbm4b:s26+s28], $0x1400, $0x38;
	[tilespmem:$0x1E800] =	vst v63  }
0x2c: {  	_ =	swait.ge [sflag:s14], $0x1400  }
0x2d: {  	[sflag:s14] =	ssyncset.done $0x0  }
0x2e: {  	s25 =	sadd.s32 s6, s25;
	[sflag:s14] =	ssyncadd.s32 $0xFFFFEC00  }
0x2f: {  	[tilespmem:s15], [sflag:$0x3] =	stream.linear.gather [hbm4b:s25+s28], $0x1400, $0x38;
	[tilespmem:$0x1E800] =	vst v63  }
0x30: {  	_ =	swait.ge [sflag:s14], $0x1400  }
0x31: {  	[sflag:s14] =	ssyncset.done $0x0  }
0x32: {  	[sflag:s14] =	ssyncadd.s32 $0xFFFFEC00  }
0x33: {  	[tilespmem:s17], [sflag:$0x1] =	stream.indirect.gather [hbm4b:s5+s16], $0x80, s28, s16, $0xb8;
	[tilespmem:$0x1E800] =	vst v63  }
0x34: {  	s28 =	simm.s32 $0x80  }
0x35: {  	[tilespmem:s18], [sflag:$0x2] =	stream.indirect.gather [hbm4b:s5+s16], $0x80, s28, s16, $0xb8;
	[tilespmem:$0x1E800] =	vst v63  }
0x36: {  	_ =	swait.ge [sflag:s19], $0x4000  }
0x37: {  	[sflag:s19] =	ssyncset.done $0x0  }
0x38: {  	s29 =	simm.s32 $0x1400;
	[sflag:s19] =	ssyncadd.s32 $0xFFFFC000  }
0x39: {  	[spmem:s2] =	stream.indirect.scatter.add.f32 [tilespmem:s17], [sflag:$0x3], $0x80, s29, s16, $0xb8;
	[tilespmem:$0x1E800] =	vst v63  }
0x3a: {  	_ =	swait.ge [sflag:s14], $0x4000  }
0x3b: {  	[sflag:s14] =	ssyncset.done $0x0  }
0x3c: {  	s30 =	simm.s32 $0x100;
	[sflag:s14] =	ssyncadd.s32 $0xFFFFC000  }
0x3d: {  	[tilespmem:s17], [sflag:$0x1] =	stream.indirect.gather [hbm4b:s5+s16], $0x80, s30, s16, $0xb8;
	[tilespmem:$0x1E800] =	vst v63  }
0x3e: {  	_ =	swait.ge [sflag:s20], $0x4000  }
0x3f: {  	[sflag:s20] =	ssyncset.done $0x0  }
0x40: {  	s31 =	simm.s32 $0x1480;
	[sflag:s20] =	ssyncadd.s32 $0xFFFFC000  }
0x41: {  	[spmem:s2] =	stream.indirect.scatter.add.f32 [tilespmem:s18], [sflag:$0x3], $0x80, s31, s16, $0xb8;
	[tilespmem:$0x1E800] =	vst v63  }
0x42: {  	_ =	swait.ge [sflag:s14], $0x4000  }
0x43: {  	s26 =	simm.s32 $0x800;
	s25 =	simm.s32 $0x100;
	[sflag:s14] =	ssyncset.done $0x0  }
.LBB2_4:
0x44: {  	s28 =	sadd.s32 $0x80, s25  }
0x45: {  	[sflag:s14] =	ssyncadd.s32 $0xFFFFC000;
	s29 =	smov.u32 s26;
	s30 =	sadd.s32 $0x400, s26  }
0x46: {  	[tilespmem:s18], [sflag:$0x2] =	stream.indirect.gather [hbm4b:s5+s16], $0x80, s28, s16, $0xb8;
	[tilespmem:$0x1E800] =	vst v63  }
0x47: {  	p0 =	sne.s32 s26, $0x4800;
	_ =	swait.ge [sflag:s19], $0x4000  }
0x48: {  	[sflag:s19] =	ssyncset.done $0x0  }
0x49: {  	s26 =	sadd.s32 $0x1400, s25;
	[sflag:s19] =	ssyncadd.s32 $0xFFFFC000  }
0x4a: {  	[spmem:s2] =	stream.indirect.scatter.add.f32 [tilespmem:s17], [sflag:$0x3], $0x80, s26, s16, $0xb8;
	[tilespmem:$0x1E800] =	vst v63  }
0x4b: {  	_ =	swait.ge [sflag:s14], $0x4000  }
0x4c: {  	[sflag:s14] =	ssyncset.done $0x0  }
0x4d: {  	s26 =	sadd.s32 $0x100, s25;
	[sflag:s14] =	ssyncadd.s32 $0xFFFFC000  }
0x4e: {  	[tilespmem:s17], [sflag:$0x1] =	stream.indirect.gather [hbm4b:s5+s16], $0x80, s26, s16, $0xb8;
	[tilespmem:$0x1E800] =	vst v63  }
0x4f: {  	_ =	swait.ge [sflag:s20], $0x4000  }
.Ltmp5:
0x50: {  	[sflag:s20] =	ssyncset.done $0x0;
	(pc) =	sbr.rel @p0 .LBB2_4-.Ltmp5, $4  }
0x51: {  	s25 =	sadd.s32 $0x1480, s25;
	[sflag:s20] =	ssyncadd.s32 $0xFFFFC000  }
0x52: {  	[spmem:s2] =	stream.indirect.scatter.add.f32 [tilespmem:s18], [sflag:$0x3], $0x80, s25, s16, $0xb8;
	[tilespmem:$0x1E800] =	vst v63  }
0x53: {  	_ =	swait.ge [sflag:s14], $0x4000  }
0x54: {  	s26 =	smov.u32 s30;
	s25 =	sshra.s32 s29, $0x2;
	[sflag:s14] =	ssyncset.done $0x0  }
0x55: {  	s26 =	sadd.s32 $0x80, s25;
	[sflag:s14] =	ssyncadd.s32 $0xFFFFC000  }
0x56: {  	[tilespmem:s18], [sflag:$0x2] =	stream.indirect.gather [hbm4b:s5+s16], $0x80, s26, s16, $0xb8;
	[tilespmem:$0x1E800] =	vst v63  }
0x57: {  	_ =	swait.ge [sflag:s19], $0x4000  }
0x58: {  	[sflag:s19] =	ssyncset.done $0x0  }
0x59: {  	s29 =	sadd.s32 $0x1400, s25;
	[sflag:s19] =	ssyncadd.s32 $0xFFFFC000  }
0x5a: {  	[spmem:s2] =	stream.indirect.scatter.add.f32 [tilespmem:s17], [sflag:$0x3], $0x80, s29, s16, $0xb8;
	[tilespmem:$0x1E800] =	vst v63  }
0x5b: {  	_ =	swait.ge [sflag:s14], $0x4000  }
0x5c: {  	[sflag:s14] =	ssyncset.done $0x0  }
0x5d: {  	s30 =	sadd.s32 $0x100, s25;
	[sflag:s14] =	ssyncadd.s32 $0xFFFFC000  }
0x5e: {  	[tilespmem:s17], [sflag:$0x1] =	stream.indirect.gather [hbm4b:s5+s16], $0x80, s30, s16, $0xb8;
	[tilespmem:$0x1E800] =	vst v63  }
0x5f: {  	_ =	swait.ge [sflag:s20], $0x4000  }
0x60: {  	[sflag:s20] =	ssyncset.done $0x0  }
0x61: {  	s31 =	sadd.s32 $0x1480, s25;
	[sflag:s20] =	ssyncadd.s32 $0xFFFFC000  }
0x62: {  	[spmem:s2] =	stream.indirect.scatter.add.f32 [tilespmem:s18], [sflag:$0x3], $0x80, s31, s16, $0xb8;
	[tilespmem:$0x1E800] =	vst v63  }
0x63: {  	_ =	swait.ge [sflag:s14], $0x4000  }
0x64: {  	[sflag:s14] =	ssyncset.done $0x0  }
0x65: {  	[sflag:s14] =	ssyncadd.s32 $0xFFFFC000  }
0x66: {  	[tilespmem:s18], [sflag:$0x2] =	stream.indirect.gather [hbm4b:s5+s16], $0x80, s21, s16, $0xb8;
	[tilespmem:$0x1E800] =	vst v63  }
0x67: {  	_ =	swait.ge [sflag:s19], $0x4000  }
0x68: {  	[sflag:s19] =	ssyncset.done $0x0  }
0x69: {  	[sflag:s19] =	ssyncadd.s32 $0xFFFFC000  }
0x6a: {  	[spmem:s2] =	stream.indirect.scatter.add.f32 [tilespmem:s17], [sflag:$0x3], $0x80, s22, s16, $0xb8;
	[tilespmem:$0x1E800] =	vst v63  }
0x6b: {  	_ =	swait.ge [sflag:s14], $0x4000  }
0x6c: {  	[sflag:s14] =	ssyncset.done $0x0  }
0x6d: {  	[sflag:s14] =	ssyncadd.s32 $0xFFFFC000  }
0x6e: {  	_ =	swait.ge [sflag:s20], $0x4000  }
0x6f: {  	[sflag:s20] =	ssyncset.done $0x0  }
.Ltmp6:
0x70: {  	[sflag:s20] =	ssyncadd.s32 $0xFFFFC000;
	(pc) =	sbr.rel .LBB2_6-.Ltmp6, $4  }
0x71: {  	[spmem:s2] =	stream.indirect.scatter.add.f32 [tilespmem:s18], [sflag:$0x3], $0x80, s23, s16, $0xb8;
	[tilespmem:$0x1E800] =	vst v63  }
0x72: {  	_ =	swait.ge [sflag:s14], $0x4000  }
0x73: {  	[sflag:s14] =	ssyncset.done $0x0  }
0x74: {  	[sflag:s14] =	ssyncadd.s32 $0xFFFFC000  }
.LBB2_8:
0x75: {  	_ =	sfence.sel $0x180000  }
0x76: {  	[bflag:$0x0] =	sbarrier.arrive $0xFFFF  }
0x77: {  	p0 =	sne.s32 s3, $0x0;
	_ =	strace $0x90000050  }
0x78: {  	s0 =	sadd.s32 @!p0 $0x100000, s0;
	[bflag:$0x2] =	sbarrier.arrive $0xFFFF  }
0x79: {  	[sflag:s0] =	ssyncadd.tile.s32 @!p0 $0x1;
	_ =	shalt  }
.Lfunc_end2:
_tile_overlayer_lowered:
.L_overlay_start_2:
0x7a: {  	(tag) =	ssettag $0x2  }
0x7b: {  	s0 =	rddreg [dreg:$0x0];
	s2 =	stileid.u32  }
0x7c: {  	s1 =	rddreg [dreg:$0x1];
	p0 =	sne.s32 s2, $0x0  }
0x7d: {  	s3 =	rddreg [dreg:$0x2];
	[bflag:$0x3] =	sbarrier.arrive $0xFFFF;
	s2 =	simm.s32 @!p0 $0x1C03  }
0x7e: {  	[timem:s3], [sflag:s2] =	dma.local @!p0 [hbm:s0], s1  }
0x7f: {  	s0 =	simm.s32 @!p0 $0x3  }
0x80: {  	_ =	swait.ge @!p0 [sflag:s0], s1  }
0x81: {  	s1 =	ssub.s32 @!p0 $0x0, s1;
	[sflag:s0] =	ssyncset.done @!p0 $0x0  }
0x82: {  	[sflag:s0] =	ssyncadd.s32 @!p0 s1  }
0x83: {  	[bflag:$0x3] =	sbarrier.arrive $0xFFFF  }
0x84: {  	_ =	shalt  }

// kernel: kernel.27.cloned.1.call-start
scs
__scs_entry_jumppad:
0x0: {  	(pc) =	sbr.rel $0x88, $3  }
0x1: {  	(tag) =	ssettag $0x0;
	lr =	simm.s32 $0x1  }
0x2: {  	[smem:$0x3F8D] =	sst lr;
	_ =	strace $0xD0000000  }
0x3: {  	_ = 	snop  }
0x4: {  	_ = 	snop  }
0x5: {  	_ = 	snop  }
0x6: {  	_ = 	snop  }
0x7: {  	_ = 	snop  }
__scs_overlays_trampoline_lowered:
0x8: {  	[smem:$0x3F9C] =	sst s0  }
0x9: {  	[smem:$0x3F9D] =	sst s1  }
0xa: {  	[smem:$0x3F9E] =	sst s2  }
0xb: {  	[smem:$0x3F9F] =	sst s3  }
0xc: {  	[smem:$0x3FA0] =	sst s4  }
0xd: {  	[smem:$0x3FA1] =	sst s5  }
0xe: {  	[smem:$0x3FA2] =	sst s6  }
0xf: {  	[smem:$0x3FA3] =	sst s7  }
0x10: {  	[smem:$0x3FA4] =	sst s8  }
0x11: {  	[smem:$0x3FA5] =	sst s9;
	s0 =	simm.s32 @!p0 $0x0  }
0x12: {  	s1 =	sld [smem:$0x3F8B];
	s0 =	simm.s32 @p0 $0x1  }
0x13: {  	[smem:$0x3FA6] =	sst s0;
	s0 =	simm.s32 @!p1 $0x0  }
0x14: {  	s2 =	sld [smem:$0x3F8A];
	s0 =	simm.s32 @p1 $0x1  }
0x15: {  	[smem:$0x3FA7] =	sst s0;
	s0 =	simm.s32 @!p2 $0x0  }
0x16: {  	s3 =	sld [smem:$0x3FDB];
	s0 =	simm.s32 @p2 $0x1  }
0x17: {  	s4 =	simm.s32 $0x1BF5;
	[smem:$0x3FA9] =	sst s0  }
0x18: {  	s0 =	sld [smem:$0x3F8C];
	_ =	swait.ge [sflag:s4], $0x0  }
0x19: {  	s7 =	sld [smem:$0x3F8D]  }
0x1a: {  	s8 =	sadd.s32 $0xFFFFE003, lr  }
0x1b: {  	s9 =	sadd.s32 $0xFFFFFEF7, lr;
	s5 =	simm.s32 $0xFFFFFFFF;
	p2 =	slt.u32 s8, $0xFFFFF086  }
0x1c: {  	p1 =	slt.u32 s9, $0xF7A;
	s5 =	simm.s32 @!p2 $0x0  }
0x1d: {  	s5 =	simm.s32 @p1 $0x1;
	p0 =	seq.s32 s7, s2  }
0x1e: {  	s7 =	smul.u32 @!p0 $0xF7A, s2;
	p2 =	seq.s32 @!p0 s5, $0x0  }
0x1f: {  	s9 =	smul.u32 $0xF7A, s1;
	s8 =	simm.s32 @!p0 $0x1BF5;
	p2 =	por !p2, p0  }
0x20: {  	[sflag:s8] =	ssyncset.s32 @!p0 $0xFFFFF086;
	s6 =	sadd.s32 @!p0 s3, s7;
	s7 =	simm.s32 @!p0 $0x108  }
0x21: {  	s3 =	sadd.s32 s3, s9;
	s6 =	sadd.s32 @!p0 $0x88, s6;
	s7 =	simm.s32 @p2 $0x1082  }
0x22: {  	[simem:s7], [sflag:s8] =	dma.local @!p0 [hbm:s6], $0xF7A  }
0x23: {  	s9 =	sor.u32 $0xD0000000, s2;
	s6 =	simm.s32 $0x108;
	_ =	swait.ge @!p0 [sflag:s8], $0x0  }
0x24: {  	s3 =	sadd.s32 $0x88, s3;
	s6 =	simm.s32 @!p1 $0x1082;
	[sflag:s4] =	ssyncset.s32 $0xFFFFF086  }
0x25: {  	[simem:s6], [sflag:s4] =	dma.local [hbm:s3], $0xF7A  }
0x26: {  	[smem:$0x3F8D] =	sst s1;
	(tag) =	ssettag s2;
	_ =	strace s9  }
0x27: {  	s1 =	sld [smem:$0x3F9D]  }
0x28: {  	s2 =	sld [smem:$0x3F9E]  }
0x29: {  	s4 =	sld [smem:$0x3FA0]  }
0x2a: {  	p0 =	seq.s32 s5, $0x0;
	s5 =	sld [smem:$0x3FA1]  }
0x2b: {  	s6 =	sld [smem:$0x3FA2]  }
0x2c: {  	s7 =	sld [smem:$0x3FA3]  }
0x2d: {  	s3 =	simm.s32 $0x108;
	s8 =	sld [smem:$0x3FA4]  }
0x2e: {  	s3 =	simm.s32 @!p0 $0x1082;
	s9 =	sld [smem:$0x3FA5]  }
0x2f: {  	lr =	sadd.s32 s0, s3;
	s0 =	sld [smem:$0x3F9C]  }
0x30: {  	s3 =	sld [smem:$0x3F9F]  }
0x31: {  	[smem:$0x3FA8] =	sst s10  }
0x32: {  	s10 =	sld [smem:$0x3FA6];
	_ =	sdelay $0x3  }
0x33: {  	p0 =	seq.s32 s10, $0x1;
	s10 =	sld [smem:$0x3FA8];
	_ =	sdelay $0x3  }
0x34: {  	[smem:$0x3FA8] =	sst s10  }
0x35: {  	s10 =	sld [smem:$0x3FA7];
	_ =	sdelay $0x3  }
0x36: {  	p1 =	seq.s32 s10, $0x1;
	s10 =	sld [smem:$0x3FA8];
	_ =	sdelay $0x3  }
0x37: {  	[smem:$0x3FA8] =	sst s10  }
0x38: {  	s10 =	sld [smem:$0x3FA9]  }
0x39: {  	_ = 	snop;
	(pc) =	sbr.ind lr, $3  }
0x3a: {  	_ = 	snop  }
0x3b: {  	_ = 	snop  }
0x3c: {  	p2 =	seq.s32 s10, $0x1;
	s10 =	sld [smem:$0x3FA8]  }
0x3d: {  	_ =	shalt  }
0x3e: {  	_ =	shalt  }
0x3f: {  	_ =	shalt  }
0x40: {  	_ =	shalt  }
0x41: {  	_ =	shalt  }
0x42: {  	_ =	shalt  }
0x43: {  	_ =	shalt  }
0x44: {  	_ =	shalt  }
0x45: {  	_ =	shalt  }
0x46: {  	_ =	shalt  }
0x47: {  	_ =	shalt  }
0x48: {  	_ =	shalt  }
0x49: {  	_ =	shalt  }
0x4a: {  	_ =	shalt  }
0x4b: {  	_ =	shalt  }
0x4c: {  	_ =	shalt  }
0x4d: {  	_ =	shalt  }
0x4e: {  	_ =	shalt  }
0x4f: {  	_ =	shalt  }
0x50: {  	_ =	shalt  }
0x51: {  	_ =	shalt  }
0x52: {  	_ =	shalt  }
0x53: {  	_ =	shalt  }
0x54: {  	_ =	shalt  }
0x55: {  	_ =	shalt  }
0x56: {  	_ =	shalt  }
0x57: {  	_ =	shalt  }
0x58: {  	_ =	shalt  }
0x59: {  	_ =	shalt  }
0x5a: {  	_ =	shalt  }
0x5b: {  	_ =	shalt  }
0x5c: {  	_ =	shalt  }
0x5d: {  	_ =	shalt  }
0x5e: {  	_ =	shalt  }
0x5f: {  	_ =	shalt  }
0x60: {  	_ =	shalt  }
0x61: {  	_ =	shalt  }
0x62: {  	_ =	shalt  }
0x63: {  	_ =	shalt  }
0x64: {  	_ =	shalt  }
0x65: {  	_ =	shalt  }
0x66: {  	_ =	shalt  }
0x67: {  	_ =	shalt  }
0x68: {  	_ =	shalt  }
0x69: {  	_ =	shalt  }
0x6a: {  	_ =	shalt  }
0x6b: {  	_ =	shalt  }
0x6c: {  	_ =	shalt  }
0x6d: {  	_ =	shalt  }
0x6e: {  	_ =	shalt  }
0x6f: {  	_ =	shalt  }
0x70: {  	_ =	shalt  }
0x71: {  	_ =	shalt  }
0x72: {  	_ =	shalt  }
0x73: {  	_ =	shalt  }
0x74: {  	_ =	shalt  }
0x75: {  	_ =	shalt  }
0x76: {  	_ =	shalt  }
0x77: {  	_ =	shalt  }
0x78: {  	_ =	shalt  }
0x79: {  	_ =	shalt  }
0x7a: {  	_ =	shalt  }
0x7b: {  	_ =	shalt  }
0x7c: {  	_ =	shalt  }
0x7d: {  	_ =	shalt  }
0x7e: {  	_ =	shalt  }
0x7f: {  	_ =	shalt  }
0x80: {  	_ =	shalt  }
0x81: {  	_ =	shalt  }
0x82: {  	_ =	shalt  }
0x83: {  	_ =	shalt  }
0x84: {  	_ =	shalt  }
0x85: {  	_ =	shalt  }
0x86: {  	_ =	shalt  }
0x87: {  	_ =	shalt  }
.Lfunc_end0:
.L_simem_size_0:
called_computation.4_lowered:
.L_overlay_start_0:
0x88: {  	s2 =	sld [smem:$0x3FD9]  }
0x89: {  	s3 =	sld [smem:$0x3FFE];
	_ =	sdelay $0x1  }
0x8a: {  	s1 =	srdreg.scid  }
0x8b: {  	s0 =	sand.u32 $0x1, s1  }
0x8c: {  	s17 =	sshll.u32 s0, $0xA;
	s2 =	sadd.s32 s3, s2  }
0x8d: {  	s2 =	sadd.s32 s2, s17  }
0x8e: {  	[smem:$0x3FB4] =	sst s2  }
0x8f: {  	_ = 	snop  }
0x90: {  	s2 =	sld [smem:$0x3FD0];
	(tm) =	ssettm $0x1  }
0x91: {  	s18 =	sld [smem:$0x3FFB];
	_ =	sdelay $0x3  }
0x92: {  	_ =	strace s18  }
0x93: {  	s3 =	sld [smem:$0x3FFC];
	_ =	sdelay $0x3  }
0x94: {  	_ =	strace s3  }
0x95: {  	s3 =	sld [smem:$0x3FFD];
	_ =	sdelay $0x3  }
0x96: {  	_ =	strace s3  }
0x97: {  	_ =	strace $0x8FFFFFFF  }
0x98: {  	s19 =	sld [smem:$0x3FDB];
	_ =	sdelay $0x1  }
0x99: {  	s4 =	simm.s32 $_scs_section_size  }
0x9a: {  	s5 =	simm.s32 $_size__tile_overlayer_lowered;
	s6 =	simm.s32 $_tile_overlayer_lowered  }
0x9b: {  	s22 =	simm.s32 $0x1BFF;
	s21 =	sshll.u32 s6, $0x1;
	s3 =	sadd.s32 s4, s19  }
0x9c: {  	s7 =	simm.s32 $0x0;
	s20 =	sshll.u32 s5, $0x1;
	s5 =	sadd.s32 s21, s3  }
0x9d: {  	[timem:s7], [sflag:s22] =	dma.local [hbm:s5], s20  }
0x9e: {  	_ =	swait.ge [sflag:s22], s20  }
0x9f: {  	s4 =	ssub.s32 $0x0, s20;
	[sflag:s22] =	ssyncset.done $0x0  }
0xa0: {  	[sflag:s22] =	ssyncadd.s32 s4;
	_ =	sdelay $0x1  }
0xa1: {  	s23 =	simm.s32 $0x1B8B  }
0xa2: {  	_ =	swait.ge [sflag:s23], $0x1  }
0xa3: {  	[sflag:s23] =	ssyncset.done $0x0  }
0xa4: {  	s25 =	simm.s32 $0x1B8E;
	s24 =	sld [smem:$0x3FFE];
	[sflag:s23] =	ssyncadd.s32 $0xFFFFFFFF  }
0xa5: {  	s26 =	simm.s32 $execute0_lowered;
	[smem:$0x3FD2] =	sst s25  }
0xa6: {  	s5 =	sshll.u32 s26, $0x1;
	_ =	strace $0x80000052;
	[dreg:$0x1] =	wrdreg $0xFFFFFFFF  }
0xa7: {  	s28 =	simm.s32 $_size_execute0_lowered;
	s3 =	sadd.s32 s3, s5;
	[dreg:$0x0] =	wrdreg $0x0  }
0xa8: {  	s5 =	sshll.u32 s28, $0x1;
	[dreg:$0x2] =	wrdreg s3  }
0xa9: {  	[dreg:$0x3] =	wrdreg s5  }
0xaa: {  	[dreg:$0x4] =	wrdreg $0xC0  }
0xab: {  	_ =	task [dreg:s7], $0x5FFFF  }
0xac: {  	[dreg:$0x1] =	wrdreg $0xFFFFFFFF  }
0xad: {  	[dreg:$0x0] =	wrdreg $0x60  }
0xae: {  	[dreg:$0x2] =	wrdreg s24  }
0xaf: {  	[dreg:$0x3] =	wrdreg s2  }
0xb0: {  	[dreg:$0x4] =	wrdreg $0x9  }
0xb1: {  	_ =	task.clear_ibuf [dreg:s7], $0x5FFFF;
	_ =	strace $0x90000052  }
0xb2: {  	s29 =	simm.s32 $0x9;
	_ =	strace $0x80000054  }
0xb3: {  	_ =	swait.ge [sflag:s29], $0x1  }
0xb4: {  	[sflag:s29] =	ssyncadd.s32 $0xFFFFFFFF  }
0xb5: {  	_ =	strace $0x90000054  }
0xb6: {  	_ =	sfence  }
0xb7: {  	s30 =	sld [smem:$0x0];
	_ =	sdelay $0x2  }
0xb8: {  	s31 =	sshll.u32 s1, $0xD;
	s1 =	sshrl.u32 s1, $0x2  }
0xb9: {  	s3 =	sand.u32 $0x4000, s31;
	s1 =	sadd.s32 s1, s30  }
0xba: {  	s0 =	sor.u32 s3, s0;
	s1 =	sshll.u32 s1, $0x11  }
0xbb: {  	s0 =	sor.u32 s1, s0  }
0xbc: {  	s0 =	sadd.s32 $0x8F2B, s0  }
0xbd: {  	[sflag:s0] =	ssyncadd.remote.s32 $0x1  }
0xbe: {  	_ =	sfence.sel $0xFFFF  }
0xbf: {  	[dreg:$0x0] =	wrdreg $0xFFFFFFFF;
	(pc) =	sbr.abs _section_cstart, $3  }
0xc0: {  	[dreg:$0x1] =	wrdreg $0xFFFFFFFF  }
0xc1: {  	_ =	task.clear_ibuf [dreg:s7], $0x2FFFF;
	_ =	strace $0x9FFFFFFF  }
0xc2: {  	(tm) =	ssettm $0x7FFFFFFF  }
0xc3: {  	_ =	shalt  }
tec
execute0_lowered:
.L_overlay_start_1:
0x0: {  	(tag) =	ssettag $0x1  }
0x1: {  	s0 =	rddreg [dreg:$0x0]  }
0x2: {  	s5 =	rddreg [dreg:$0x1];
	s2 =	simm.s32 $0x0;
	s1 =	stileid.u32  }
0x3: {  	s3 =	srdreg.scid;
	s11 =	simm.s32 $0x9;
	s12 =	simm.s32 $0x3C00  }
0x4: {  	s13 =	simm.s32 $0x80;
	s14 =	simm.s32 $0x7800;
	s15 =	simm.s32 $0xF800  }
0x5: {  	s16 =	simm.s32 $0xB800;
	s17 =	simm.s32 $0x3C80;
	s18 =	simm.s32 $0x13800  }
0x6: {  	s19 =	simm.s32 $0x1;
	s20 =	simm.s32 $0x2;
	s21 =	simm.s32 $0x3  }
0x7: {  	s22 =	simm.s32 $0x4;
	s23 =	simm.s32 $0x5;
	s24 =	simm.s32 $0x7  }
0x8: {  	s25 =	simm.s32 $0x6;
	s26 =	simm.s32 $0x8;
	s28 =	simm.s32 $0x0  }
0x9: {  	[smem:$0x7FF] =	sst s2;
	s4 =	smul.u32 $0x28, s1;
	s6 =	sand.u32 $0x1, s3  }
0xa: {  	s7 =	smul.u32 $0x78, s1;
	s3 =	sadd.s32 $0x10000, s0;
	_ =	strace $0x80000053  }
0xb: {  	p0 =	seq.s32 s6, $0x0;
	s6 =	ssub.s32 $0x2, s6;
	s8 =	sadd.s32 $0x780, s4  }
0xc: {  	s4 =	sadd.s32 $0x38000, s0;
	s9 =	sshrl.u32 s6, $0x1;
	s8 =	smov.u32 @p0 s7  }
0xd: {  	s31 =	ssub.s32 s6, s9;
	s7 =	sshll.u32 s8, $0x4;
	s8 =	sshll.u32 s8, $0xB  }
0xe: {  	s10 =	sadd.s32 s7, s0;
	s0 =	sadd.s32 s8, s0;
	s5 =	sadd.s32 s5, s7  }
0xf: {  	s7 =	simm.s32 $0x3B000;
	s8 =	smax.u32 s31, $0x1;
	s6 =	sadd.s32 $0x5800, s10  }
0x10: {  	s7 =	simm.s32 @!p0 $0x13000;
	s9 =	sadd.s32 $0x560000, s0;
	s10 =	sadd.s32 $0x60000, s0  }
.LBB2_1:
0x11: {  	[tilespmem:s2], [sflag:$0x9] =	stream.linear.gather [hbm4b:s5+s2], $0x3C00, $0x38;
	[tilespmem:$0x17800] =	vst v63  }
0x12: {  	_ =	swait.ge [sflag:s11], $0x3C00  }
0x13: {  	[sflag:s11] =	ssyncset.done $0x0  }
0x14: {  	[sflag:s11] =	ssyncadd.s32 $0xFFFFC400  }
0x15: {  	[tilespmem:s12], [sflag:$0x9] =	stream.linear.gather [hbm4b:s6+s2], $0x3C00, $0x38;
	[tilespmem:$0x17800] =	vst v63  }
0x16: {  	_ =	swait.ge [sflag:s11], $0x3C00  }
0x17: {  	[sflag:s11] =	ssyncset.done $0x0  }
0x18: {  	[sflag:s11] =	ssyncadd.s32 $0xFFFFC400  }
0x19: {  	[tilespmem:s14], [sflag:$0x1] =	stream.indirect.gather [hbm4b:s3+s13], $0x80, s2, s13, $0xb8;
	[tilespmem:$0x17800] =	vst v63  }
0x1a: {  	_ = 	snop  }
0x1b: {  	[tilespmem:s15], [sflag:$0x2] =	stream.indirect.gather [hbm4b:s4+s13], $0x80, s12, s13, $0xb8;
	[tilespmem:$0x17800] =	vst v63  }
0x1c: {  	_ = 	snop  }
0x1d: {  	[tilespmem:s16], [sflag:$0x3] =	stream.indirect.gather [hbm4b:s3+s13], $0x80, s13, s13, $0xb8;
	[tilespmem:$0x17800] =	vst v63  }
0x1e: {  	_ = 	snop  }
0x1f: {  	[tilespmem:s18], [sflag:$0x4] =	stream.indirect.gather [hbm4b:s4+s13], $0x80, s17, s13, $0xb8;
	[tilespmem:$0x17800] =	vst v63  }
0x20: {  	_ =	swait.ge [sflag:s19], $0x4000  }
0x21: {  	[sflag:s19] =	ssyncset.done $0x0  }
0x22: {  	s0 =	sadd.s32 $0x0, s10;
	[sflag:s19] =	ssyncadd.s32 $0xFFFFC000  }
0x23: {  	[hbm4b:s0+s2] =	stream.linear.scatter [tilespmem:s14], [sflag:$0x5], $0x4000, $0x38;
	[tilespmem:$0x17800] =	vst v63  }
0x24: {  	_ =	swait.ge [sflag:s20], $0x4000  }
0x25: {  	[sflag:s20] =	ssyncset.done $0x0  }
0x26: {  	s29 =	sadd.s32 $0x0, s9;
	[sflag:s20] =	ssyncadd.s32 $0xFFFFC000  }
0x27: {  	[hbm4b:s29+s2] =	stream.linear.scatter [tilespmem:s15], [sflag:$0x7], $0x4000, $0x38;
	[tilespmem:$0x17800] =	vst v63  }
0x28: {  	_ =	swait.ge [sflag:s21], $0x4000  }
0x29: {  	[sflag:s21] =	ssyncset.done $0x0  }
0x2a: {  	s0 =	sadd.s32 $0x800, s0;
	[sflag:s21] =	ssyncadd.s32 $0xFFFFC000  }
0x2b: {  	[hbm4b:s0+s2] =	stream.linear.scatter [tilespmem:s16], [sflag:$0x6], $0x4000, $0x38;
	[tilespmem:$0x17800] =	vst v63  }
0x2c: {  	_ =	swait.ge [sflag:s22], $0x4000  }
0x2d: {  	[sflag:s22] =	ssyncset.done $0x0  }
0x2e: {  	s1 =	sadd.s32 $0x800, s29;
	[sflag:s22] =	ssyncadd.s32 $0xFFFFC000  }
0x2f: {  	[hbm4b:s1+s2] =	stream.linear.scatter [tilespmem:s18], [sflag:$0x8], $0x4000, $0x38;
	[tilespmem:$0x17800] =	vst v63  }
0x30: {  	_ =	swait.ge [sflag:s23], $0x4000  }
0x31: {  	[sflag:s23] =	ssyncset.done $0x0  }
0x32: {  	s1 =	simm.s32 $0x100;
	[sflag:s23] =	ssyncadd.s32 $0xFFFFC000  }
0x33: {  	[tilespmem:s14], [sflag:$0x1] =	stream.indirect.gather [hbm4b:s3+s13], $0x80, s1, s13, $0xb8;
	[tilespmem:$0x17800] =	vst v63  }
0x34: {  	_ =	swait.ge [sflag:s24], $0x4000  }
0x35: {  	[sflag:s24] =	ssyncset.done $0x0  }
0x36: {  	s1 =	simm.s32 $0x3D00;
	[sflag:s24] =	ssyncadd.s32 $0xFFFFC000  }
0x37: {  	[tilespmem:s15], [sflag:$0x2] =	stream.indirect.gather [hbm4b:s4+s13], $0x80, s1, s13, $0xb8;
	[tilespmem:$0x17800] =	vst v63  }
0x38: {  	_ =	swait.ge [sflag:s25], $0x4000  }
0x39: {  	p0 =	sne.s32 s7, $0x1000;
	[sflag:s25] =	ssyncset.done $0x0  }
.Ltmp0:
0x3a: {  	s1 =	simm.s32 $0x180;
	[sflag:s25] =	ssyncadd.s32 $0xFFFFC000;
	(pc) =	sbr.rel @!p0 .LBB2_3-.Ltmp0, $4  }
0x3b: {  	[tilespmem:s16], [sflag:$0x3] =	stream.indirect.gather [hbm4b:s3+s13], $0x80, s1, s13, $0xb8;
	[tilespmem:$0x17800] =	vst v63  }
0x3c: {  	_ =	swait.ge [sflag:s26], $0x4000  }
0x3d: {  	s30 =	simm.s32 $0x200;
	s31 =	simm.s32 $0x3E00;
	[sflag:s26] =	ssyncset.done $0x0  }
0x3e: {  	s29 =	simm.s32 $0x1000;
	s0 =	simm.s32 $0x3D80;
	[sflag:s26] =	ssyncadd.s32 $0xFFFFC000  }
.LBB2_2:
0x3f: {  	[tilespmem:s18], [sflag:$0x4] =	stream.indirect.gather [hbm4b:s4+s13], $0x80, s0, s13, $0xb8;
	[tilespmem:$0x17800] =	vst v63  }
0x40: {  	s0 =	smov.u32 s29;
	s29 =	sadd.s32 $0x1000, s29;
	_ =	swait.ge [sflag:s19], $0x4000  }
0x41: {  	p0 =	sne.s32 s7, s29;
	[sflag:s19] =	ssyncset.done $0x0  }
0x42: {  	s1 =	sadd.s32 s0, s10;
	[sflag:s19] =	ssyncadd.s32 $0xFFFFC000  }
0x43: {  	[hbm4b:s1+s2] =	stream.linear.scatter [tilespmem:s14], [sflag:$0x5], $0x4000, $0x38;
	[tilespmem:$0x17800] =	vst v63  }
0x44: {  	_ =	swait.ge [sflag:s20], $0x4000  }
0x45: {  	[sflag:s20] =	ssyncset.done $0x0  }
0x46: {  	s0 =	sadd.s32 s0, s9;
	[sflag:s20] =	ssyncadd.s32 $0xFFFFC000  }
0x47: {  	[hbm4b:s0+s2] =	stream.linear.scatter [tilespmem:s15], [sflag:$0x7], $0x4000, $0x38;
	[tilespmem:$0x17800] =	vst v63  }
0x48: {  	_ =	swait.ge [sflag:s21], $0x4000  }
0x49: {  	[sflag:s21] =	ssyncset.done $0x0  }
0x4a: {  	s1 =	sadd.s32 $0x800, s1;
	[sflag:s21] =	ssyncadd.s32 $0xFFFFC000  }
0x4b: {  	[hbm4b:s1+s2] =	stream.linear.scatter [tilespmem:s16], [sflag:$0x6], $0x4000, $0x38;
	[tilespmem:$0x17800] =	vst v63  }
0x4c: {  	_ =	swait.ge [sflag:s22], $0x4000  }
0x4d: {  	[sflag:s22] =	ssyncset.done $0x0  }
0x4e: {  	s0 =	sadd.s32 $0x800, s0;
	[sflag:s22] =	ssyncadd.s32 $0xFFFFC000  }
0x4f: {  	[hbm4b:s0+s2] =	stream.linear.scatter [tilespmem:s18], [sflag:$0x8], $0x4000, $0x38;
	[tilespmem:$0x17800] =	vst v63  }
0x50: {  	_ =	swait.ge [sflag:s23], $0x4000  }
0x51: {  	[sflag:s23] =	ssyncset.done $0x0  }
0x52: {  	[sflag:s23] =	ssyncadd.s32 $0xFFFFC000  }
0x53: {  	[tilespmem:s14], [sflag:$0x1] =	stream.indirect.gather [hbm4b:s3+s13], $0x80, s30, s13, $0xb8;
	[tilespmem:$0x17800] =	vst v63  }
0x54: {  	_ =	swait.ge [sflag:s24], $0x4000  }
0x55: {  	[sflag:s24] =	ssyncset.done $0x0  }
0x56: {  	[sflag:s24] =	ssyncadd.s32 $0xFFFFC000  }
0x57: {  	[tilespmem:s15], [sflag:$0x2] =	stream.indirect.gather [hbm4b:s4+s13], $0x80, s31, s13, $0xb8;
	[tilespmem:$0x17800] =	vst v63  }
0x58: {  	_ =	swait.ge [sflag:s25], $0x4000  }
0x59: {  	[sflag:s25] =	ssyncset.done $0x0  }
.Ltmp1:
0x5a: {  	s0 =	sadd.s32 $0x80, s30;
	[sflag:s25] =	ssyncadd.s32 $0xFFFFC000;
	(pc) =	sbr.rel @p0 .LBB2_2-.Ltmp1, $4  }
0x5b: {  	[tilespmem:s16], [sflag:$0x3] =	stream.indirect.gather [hbm4b:s3+s13], $0x80, s0, s13, $0xb8;
	[tilespmem:$0x17800] =	vst v63  }
0x5c: {  	_ =	swait.ge [sflag:s26], $0x4000  }
0x5d: {  	s30 =	sadd.s32 $0x100, s30;
	[sflag:s26] =	ssyncset.done $0x0  }
0x5e: {  	s0 =	sadd.s32 $0x80, s31;
	s31 =	sadd.s32 $0x100, s31;
	[sflag:s26] =	ssyncadd.s32 $0xFFFFC000  }
.LBB2_3:
0x5f: {  	[tilespmem:s18], [sflag:$0x4] =	stream.indirect.gather [hbm4b:s4+s13], $0x80, s0, s13, $0xb8;
	[tilespmem:$0x17800] =	vst v63  }
0x60: {  	_ =	swait.ge [sflag:s19], $0x4000  }
0x61: {  	[sflag:s19] =	ssyncset.done $0x0  }
0x62: {  	s30 =	sadd.s32 s29, s10;
	[sflag:s19] =	ssyncadd.s32 $0xFFFFC000  }
0x63: {  	[hbm4b:s30+s2] =	stream.linear.scatter [tilespmem:s14], [sflag:$0x5], $0x4000, $0x38;
	[tilespmem:$0x17800] =	vst v63  }
0x64: {  	_ =	swait.ge [sflag:s20], $0x4000  }
0x65: {  	[sflag:s20] =	ssyncset.done $0x0  }
0x66: {  	s1 =	sadd.s32 s29, s9;
	[sflag:s20] =	ssyncadd.s32 $0xFFFFC000  }
0x67: {  	[hbm4b:s1+s2] =	stream.linear.scatter [tilespmem:s15], [sflag:$0x7], $0x4000, $0x38;
	[tilespmem:$0x17800] =	vst v63  }
0x68: {  	_ =	swait.ge [sflag:s21], $0x4000  }
0x69: {  	[sflag:s21] =	ssyncset.done $0x0  }
0x6a: {  	s0 =	sadd.s32 $0x800, s30;
	[sflag:s21] =	ssyncadd.s32 $0xFFFFC000  }
0x6b: {  	[hbm4b:s0+s2] =	stream.linear.scatter [tilespmem:s16], [sflag:$0x6], $0x4000, $0x38;
	[tilespmem:$0x17800] =	vst v63  }
0x6c: {  	_ =	swait.ge [sflag:s22], $0x4000  }
0x6d: {  	[sflag:s22] =	ssyncset.done $0x0  }
0x6e: {  	s31 =	sadd.s32 $0x800, s1;
	[sflag:s22] =	ssyncadd.s32 $0xFFFFC000  }
0x6f: {  	[hbm4b:s31+s2] =	stream.linear.scatter [tilespmem:s18], [sflag:$0x8], $0x4000, $0x38;
	[tilespmem:$0x17800] =	vst v63  }
0x70: {  	_ =	swait.ge [sflag:s23], $0x4000  }
0x71: {  	[sflag:s23] =	ssyncset.done $0x0  }
0x72: {  	[sflag:s23] =	ssyncadd.s32 $0xFFFFC000  }
0x73: {  	_ =	swait.ge [sflag:s25], $0x4000  }
0x74: {  	[sflag:s25] =	ssyncset.done $0x0  }
0x75: {  	s28 =	sadd.s32 $0x1, s28;
	[sflag:s25] =	ssyncadd.s32 $0xFFFFC000  }
0x76: {  	p0 =	sne.s32 s28, s8;
	_ =	swait.ge [sflag:s24], $0x4000  }
.Ltmp2:
0x77: {  	[sflag:s24] =	ssyncset.done $0x0;
	(pc) =	sbr.rel @p0 .LBB2_1-.Ltmp2, $4  }
0x78: {  	[sflag:s24] =	ssyncadd.s32 $0xFFFFC000  }
0x79: {  	_ =	swait.ge [sflag:s26], $0x4000  }
0x7a: {  	[sflag:s26] =	ssyncset.done $0x0  }
0x7b: {  	[sflag:s26] =	ssyncadd.s32 $0xFFFFC000  }
0x7c: {  	_ =	sfence.sel $0x180000  }
0x7d: {  	[bflag:$0x0] =	sbarrier.arrive $0xFFFF  }
0x7e: {  	_ =	strace $0x90000053  }
0x7f: {  	s0 =	stileid.u32;
	[bflag:$0x2] =	sbarrier.arrive $0xFFFF  }
0x80: {  	p0 =	sne.s32 s0, $0x0;
	s0 =	rddreg [dreg:$0x2]  }
0x81: {  	s0 =	sadd.s32 @!p0 $0x100000, s0  }
0x82: {  	[sflag:s0] =	ssyncadd.tile.s32 @!p0 $0x1;
	_ =	shalt  }
.Lfunc_end2:
_tile_overlayer_lowered:
.L_overlay_start_2:
0x83: {  	(tag) =	ssettag $0x2  }
0x84: {  	s0 =	rddreg [dreg:$0x0];
	s2 =	stileid.u32  }
0x85: {  	s1 =	rddreg [dreg:$0x1];
	p0 =	sne.s32 s2, $0x0  }
0x86: {  	s3 =	rddreg [dreg:$0x2];
	[bflag:$0x3] =	sbarrier.arrive $0xFFFF;
	s2 =	simm.s32 @!p0 $0x1C09  }
0x87: {  	[timem:s3], [sflag:s2] =	dma.local @!p0 [hbm:s0], s1  }
0x88: {  	s0 =	simm.s32 @!p0 $0x9  }
0x89: {  	_ =	swait.ge @!p0 [sflag:s0], s1  }
0x8a: {  	s1 =	ssub.s32 @!p0 $0x0, s1;
	[sflag:s0] =	ssyncset.done @!p0 $0x0  }
0x8b: {  	[sflag:s0] =	ssyncadd.s32 @!p0 s1  }
0x8c: {  	[bflag:$0x3] =	sbarrier.arrive $0xFFFF  }
0x8d: {  	_ =	shalt  }

</sc_bundles>
